<compile_context>
chip_gen: v7x
topology: tpu7x:2x2x1
jax: 0.10.2.dev20260603
libtpu: 0.0.44.dev20260713+nightly
codegen_flags: <defaults>
</compile_context>

<pallas_src>
import functools

import jax
import jax.numpy as jnp
from jax import lax
from jax.experimental import pallas as pl
from jax.experimental.pallas import tpu as pltpu
from jax.experimental.pallas import tpu_sc as plsc

L = 16
NFEAT = 100
NPAD = 112
K = 16
NH0 = 10
D0 = NFEAT * K
TILE = 128
FPT = 8
NT_G = 13


def _deepfm_body(idx_hbm, wT_hbm, vT_hbm, w0m_hbm, smalls_hbm, out_hbm,
                 idx_v, blk_v, wblk_v, Vloc_v, part_v, pall_v, Vall_v, W0_v,
                 smalls_v, res_v, V_sh, parts_sh,
                 sem_v, sem_w, sem_w0, sem_s):
    cid = lax.axis_index("c")
    sid = lax.axis_index("s")

    @pl.when(cid == 0)
    def _():
        lanes = lax.iota(jnp.int32, L)
        zero = jnp.zeros((L,), jnp.float32)

        cp_w0 = pltpu.async_copy(w0m_hbm, W0_v, sem_w0)
        cp_s = pltpu.async_copy(smalls_hbm, smalls_v, sem_s)
        pltpu.sync_copy(idx_hbm, idx_v.at[pl.ds(0, NFEAT)])

        sbase = jnp.minimum(sid, NT_G - 1) * FPT
        chunk = plsc.load_gather(idx_v, [lanes + sbase])

        rs, offs, valids = [], [], []
        for l in range(FPT):
            valid = sid * FPT + l < NFEAT
            r = jnp.where(valid, chunk[l], 0)
            rb = r // TILE
            base = pl.multiple_of(rb * TILE, TILE)
            pltpu.async_copy(vT_hbm.at[:, pl.ds(base, TILE)], blk_v.at[l],
                             sem_v)
            pltpu.async_copy(wT_hbm.at[:, pl.ds(base, TILE)], wblk_v.at[l],
                             sem_w)
            offs.append(r - base)
            valids.append(valid)

        for l in range(FPT):
            pltpu.make_async_copy(vT_hbm.at[:, pl.ds(0, TILE)], blk_v.at[l],
                                  sem_v).wait()
            pltpu.make_async_copy(wT_hbm.at[:, pl.ds(0, TILE)], wblk_v.at[l],
                                  sem_w).wait()
        s_part = zero
        q_part = zero
        lin = jnp.float32(0.0)
        for l in range(FPT):
            scale = jnp.where(valids[l], jnp.float32(1.0), jnp.float32(0.0))
            off = jnp.full((L,), offs[l], jnp.int32)
            v = plsc.load_gather(
                blk_v, [jnp.full((L,), l, jnp.int32), lanes, off]) * scale
            Vloc_v[l, :] = v
            s_part = s_part + v
            q_part = q_part + v * v
            wv = plsc.load_gather(
                wblk_v, [jnp.full((L,), l, jnp.int32),
                         jnp.zeros((L,), jnp.int32), off])
            lin = lin + wv[0] * scale
        part_v[0, :] = s_part
        part_v[1, :] = q_part
        part_v[2, :] = jnp.where(lanes == 0, lin, 0.0)
        pltpu.sync_copy(part_v.at[pl.ds(0, 3)],
                        parts_sh.at[sid, pl.ds(0, 3)])

        @pl.when(sid < NT_G)
        def _publish_rows():
            pltpu.sync_copy(Vloc_v, V_sh.at[pl.ds(sid * FPT, FPT)])

        cp_w0.wait()
        plsc.subcore_barrier()

        pltpu.sync_copy(V_sh, Vall_v)
        j = jnp.minimum(sid, NH0 - 1)

        def loop_body(c, accj):
            return accj + Vall_v[c, :] * W0_v[j, pl.ds(c * K, K)]

        accj = lax.fori_loop(0, NFEAT, loop_body, zero)
        dj = jnp.sum(accj)
        part_v[3, :] = jnp.where(lanes == sid, dj, 0.0)
        pltpu.sync_copy(part_v.at[pl.ds(3, 1)], parts_sh.at[sid, pl.ds(3, 1)])
        cp_s.wait()

        plsc.subcore_barrier()

        @pl.when(sid == 0)
        def _tail():
            pltpu.sync_copy(parts_sh, pall_v)
            s = zero
            q = zero
            linv = zero
            dnn0 = zero
            for t in range(L):
                s = s + pall_v[t, 0, :]
                q = q + pall_v[t, 1, :]
                linv = linv + pall_v[t, 2, :]
                dnn0 = dnn0 + pall_v[t, 3, :]
            lin_t = linv[0]

            def srow(off):
                return plsc.load_gather(smalls_v, [lanes + off])

            row_b0 = srow(0)
            h0 = zero
            for jj in range(NH0):
                d = jnp.maximum(dnn0[jj] + row_b0[jj], 0.0)
                h0 = h0 + jnp.where(lanes == jj, d, 0.0)
            row_b1 = srow(60)
            h1 = zero
            for jj in range(5):
                d = jnp.maximum(jnp.sum(h0 * srow(10 + NH0 * jj))
                                + row_b1[jj], 0.0)
                h1 = h1 + jnp.where(lanes == jj, d, 0.0)
            row_b2 = srow(80)
            h2 = zero
            for jj in range(3):
                d = jnp.maximum(jnp.sum(h1 * srow(65 + 5 * jj))
                                + row_b2[jj], 0.0)
                h2 = h2 + jnp.where(lanes == jj, d, 0.0)
            dnn = jnp.sum(h2 * srow(83))
            tailv = srow(86)

            pair = 0.5 * (jnp.sum(s * s) - jnp.sum(q))
            res = pair + lin_t + tailv[1] + dnn + tailv[0]
            res_v[:] = jnp.where(lanes == 0, res, 0.0)
            pltpu.sync_copy(res_v.at[pl.ds(0, 1)], out_hbm)


_deepfm_sc = functools.partial(
    pl.kernel,
    out_type=jax.ShapeDtypeStruct((1,), jnp.float32),
    mesh=plsc.VectorSubcoreMesh(core_axis_name="c", subcore_axis_name="s"),
    compiler_params=pltpu.CompilerParams(needs_layout_passes=False,
                                         use_tc_tiling_on_sc=True),
    scratch_types=[
        pltpu.VMEM((NPAD,), jnp.int32),
        pltpu.VMEM((FPT, K, TILE), jnp.float32),
        pltpu.VMEM((FPT, 1, TILE), jnp.float32),
        pltpu.VMEM((FPT, K), jnp.float32),
        pltpu.VMEM((4, L), jnp.float32),
        pltpu.VMEM((L, 4, L), jnp.float32),
        pltpu.VMEM((NPAD, K), jnp.float32),
        pltpu.VMEM((NH0, D0), jnp.float32),
        pltpu.VMEM((NPAD,), jnp.float32),
        pltpu.VMEM((L,), jnp.float32),
        pltpu.VMEM_SHARED((NPAD, K), jnp.float32),
        pltpu.VMEM_SHARED((L, 4, L), jnp.float32),
        pltpu.SemaphoreType.DMA,
        pltpu.SemaphoreType.DMA,
        pltpu.SemaphoreType.DMA,
        pltpu.SemaphoreType.DMA,
    ],
)(_deepfm_body)


def kernel(feature, w_table, v_table, w0, W0, b0, W1, b1, W2, b2, W3, b3):
    smalls = jnp.concatenate(
        [b0, W1.ravel(), b1, W2.ravel(), b2, W3.ravel(), b3, w0,
         jnp.zeros((NPAD - 88,), jnp.float32)])
    return _deepfm_sc(feature.astype(jnp.int32), w_table.T, v_table.T, W0,
                      smalls)

# --- scband reference (transcript-rebuilt; emitter-appended) ---
"""Pipeline reference for scband-deep-fm-38577396253263 (READ-ONLY COPY).

The authoritative reference and input builder live on the scoring server;
editing this copy changes nothing except your own understanding.
"""

import jax, jax.numpy as jnp
import numpy as np

FIELDSIZE = 100
FEASIZE = 1000000
K = 16
HIDDEN = [10, 5, 3]


def setup_inputs(seed: int = 0) -> dict:
    key = jax.random.key(seed)
    ks = jax.random.split(key, 12)
    feature = jax.random.randint(ks[0], (FIELDSIZE,), 0, FEASIZE)
    w_table = jax.random.normal(ks[1], (FEASIZE, 1), dtype=jnp.float32) * 0.01
    v_table = jax.random.normal(ks[2], (FEASIZE, K), dtype=jnp.float32) * 0.01
    w0 = jnp.zeros((1,), dtype=jnp.float32)
    dims = [FIELDSIZE * K] + HIDDEN + [1]
    params = {}
    for i in range(len(dims) - 1):
        fan_in = dims[i]
        bound = 1.0 / np.sqrt(fan_in)
        params['W%d' % i] = jax.random.uniform(ks[3 + 2 * i], (dims[i + 1], dims[i]), minval=-bound, maxval=bound, dtype=jnp.float32)
        params['b%d' % i] = jax.random.uniform(ks[4 + 2 * i], (dims[i + 1],), minval=-bound, maxval=bound, dtype=jnp.float32)
    out = {'feature': feature, 'w_table': w_table, 'v_table': v_table, 'w0': w0}
    out.update(params)
    return out


def reference(feature, w_table, v_table, w0, W0, b0, W1, b1, W2, b2, W3, b3):
    # V = self.v(feature): embedding gather [fieldsize, k]
    V = jnp.take(v_table, feature, axis=0)
    # pairwise FM interaction: sum_{i<j} V[i] . V[j]
    gram = V @ V.T
    pair = jnp.sum(jnp.triu(gram, k=1))
    # linear term: sum(self.w(feature))
    W = jnp.take(w_table, feature, axis=0)
    lin = jnp.sum(W)
    # DNN over flattened V
    h = V.reshape(-1)
    h = jax.nn.relu(h @ W0.T + b0)
    h = jax.nn.relu(h @ W1.T + b1)
    h = jax.nn.relu(h @ W2.T + b2)
    dnn_out = h @ W3.T + b3  # shape (1,)
    res = jnp.zeros((1,), dtype=jnp.float32) + pair + lin + w0 + dnn_out
    return res

if __name__ == "__main__":
    import jax
    _d = setup_inputs()
    print(jax.jit(kernel)(*tuple(_d.values())))

</pallas_src>

<mosaic_0001>
#map = affine_map<(d0, d1) -> (0)>
#map1 = affine_map<(d0, d1) -> (0, 0)>
module attributes {stable_mosaic.version = 14 : i64} {
  func.func @_deepfm_body(%arg0: i32, %arg1: i32, %arg2: memref<100xi32, #tpu.memory_space<hbm>>, %arg3: memref<1x1000000xf32, #tpu.memory_space<hbm>>, %arg4: memref<16x1000000xf32, #tpu.memory_space<hbm>>, %arg5: memref<10x1600xf32, #tpu.memory_space<hbm>>, %arg6: memref<112xf32, #tpu.memory_space<hbm>>, %arg7: memref<1xf32, #tpu.memory_space<hbm>>, %arg8: memref<112xi32, #tpu.memory_space<vmem>>, %arg9: memref<8x16x128xf32, #tpu.memory_space<vmem>>, %arg10: memref<8x1x128xf32, #tpu.memory_space<vmem>>, %arg11: memref<8x16xf32, #tpu.memory_space<vmem>>, %arg12: memref<4x16xf32, #tpu.memory_space<vmem>>, %arg13: memref<16x4x16xf32, #tpu.memory_space<vmem>>, %arg14: memref<112x16xf32, #tpu.memory_space<vmem>>, %arg15: memref<10x1600xf32, #tpu.memory_space<vmem>>, %arg16: memref<112xf32, #tpu.memory_space<vmem>>, %arg17: memref<16xf32, #tpu.memory_space<vmem>>, %arg18: memref<112x16xf32, #tpu.memory_space<vmem_shared>>, %arg19: memref<16x4x16xf32, #tpu.memory_space<vmem_shared>>, %arg20: memref<!tpu.dma_semaphore, #tpu.memory_space<semaphore_mem>>, %arg21: memref<!tpu.dma_semaphore, #tpu.memory_space<semaphore_mem>>, %arg22: memref<!tpu.dma_semaphore, #tpu.memory_space<semaphore_mem>>, %arg23: memref<!tpu.dma_semaphore, #tpu.memory_space<semaphore_mem>>) attributes {dimension_semantics = [#tpu.dimension_semantics<core_parallel>, #tpu.dimension_semantics<subcore_parallel>], iteration_bounds = array<i64: 2, 16>, scalar_prefetch = 0 : i64, scratch_operands = 16 : i64, tpu.core_type = #tpu.core_type<sc_vector_subcore>, window_params = [{transform_indices = #map}, {transform_indices = #map1}, {transform_indices = #map1}, {transform_indices = #map1}, {transform_indices = #map}, {transform_indices = #map}]} {
    %eq3A = arith.constant 0 : i32
    %eq3A_0 = arith.cmpi eq, %arg0, %eq3A : i32
    %convert_element_type3A = arith.extui %eq3A_0 : i1 to i32
    %cond3A = arith.constant 0 : i32
    %cond3A_1 = arith.cmpi ne, %convert_element_type3A, %cond3A : i32
    scf.if %cond3A_1 {
      %iota3A = tpu.iota {dimensions = array<i32: 0>} : vector<16xi32>
      %broadcast_in_dim3A = arith.constant 0.000000e+00 : f32
      %broadcast_in_dim3A_2 = vector.broadcast %broadcast_in_dim3A : f32 to vector<16xf32>
      tpu.enqueue_dma source(%arg5 : memref<10x1600xf32, #tpu.memory_space<hbm>>) target(%arg15 : memref<10x1600xf32, #tpu.memory_space<vmem>>) target_semaphore(%arg22 : memref<!tpu.dma_semaphore, #tpu.memory_space<semaphore_mem>>)
      tpu.enqueue_dma source(%arg6 : memref<112xf32, #tpu.memory_space<hbm>>) target(%arg16 : memref<112xf32, #tpu.memory_space<vmem>>) target_semaphore(%arg23 : memref<!tpu.dma_semaphore, #tpu.memory_space<semaphore_mem>>)
      "tpu.region"() ({
        %run_scoped3A = tpu.sem_alloc : memref<!tpu.dma_semaphore, #tpu.memory_space<semaphore_mem>>
        %dma_start3A_994 = arith.constant 0 : i32
        %dma_start3A_995 = tpu.memref_slice %arg8[%dma_start3A_994] : memref<112xi32, #tpu.memory_space<vmem>> -> memref<100xi32, #tpu.memory_space<vmem>>
        %dma_start3A_996 = arith.constant 0 : i32
        %dma_start3A_997 = tpu.memref_slice %arg8[%dma_start3A_996] : memref<112xi32, #tpu.memory_space<vmem>> -> memref<100xi32, #tpu.memory_space<vmem>>
        tpu.enqueue_dma source(%arg2 : memref<100xi32, #tpu.memory_space<hbm>>) target(%dma_start3A_997 : memref<100xi32, #tpu.memory_space<vmem>>) target_semaphore(%run_scoped3A : memref<!tpu.dma_semaphore, #tpu.memory_space<semaphore_mem>>)
        %dma_wait3A_998 = arith.constant 0 : i32
        %dma_wait3A_999 = tpu.memref_slice %arg8[%dma_wait3A_998] : memref<112xi32, #tpu.memory_space<vmem>> -> memref<100xi32, #tpu.memory_space<vmem>>
        %dma_wait3A_1000 = arith.constant 0 : i32
        %dma_wait3A_1001 = tpu.memref_slice %arg8[%dma_wait3A_1000] : memref<112xi32, #tpu.memory_space<vmem>> -> memref<100xi32, #tpu.memory_space<vmem>>
        tpu.wait_dma2 semaphore(%run_scoped3A : memref<!tpu.dma_semaphore, #tpu.memory_space<semaphore_mem>>) src(%arg2 : memref<100xi32, #tpu.memory_space<hbm>>) dst(%dma_wait3A_1001 : memref<100xi32, #tpu.memory_space<vmem>>)
        tpu.yield
      }) : () -> ()
      %min3A = arith.constant 12 : i32
      %min3A_3 = arith.minsi %arg1, %min3A : i32
      %mul3A = arith.constant 8 : i32
      %mul3A_4 = arith.muli %min3A_3, %mul3A : i32
      %add3A = vector.broadcast %mul3A_4 : i32 to vector<16xi32>
      %add3A_5 = arith.addi %iota3A, %add3A : vector<16xi32>
      %gather3A = tpu.vector_load_idx %arg8[%add3A_5] : memref<112xi32, #tpu.memory_space<vmem>>[vector<16xi32>], vector<16xi32>,
      %mul3A_6 = arith.constant 8 : i32
      %mul3A_7 = arith.muli %arg1, %mul3A_6 : i32
      %add3A_8 = arith.constant 0 : i32
      %add3A_9 = arith.addi %mul3A_7, %add3A_8 : i32
      %lt3A = arith.constant 100 : i32
      %lt3A_10 = arith.cmpi slt, %add3A_9, %lt3A : i32
      %slice3A = vector.extract_strided_slice %gather3A {offsets = [0], sizes = [1], strides = [1]} : vector<16xi32> to vector<1xi32>
      %squeeze3A = vector.extract %slice3A[0] : i32 from vector<1xi32>
      %jit3A = arith.constant 0 : i32
      %select_n3A = arith.select %lt3A_10, %squeeze3A, %jit3A : i32
      %jit3A_11 = arith.constant 128 : i32
      %div3A = arith.divsi %select_n3A, %jit3A_11 : i32
      %sign3A = arith.constant 0 : i32
      %sign3A_12 = arith.cmpi sgt, %select_n3A, %sign3A : i32
      %sign3A_13 = arith.extui %sign3A_12 : i1 to i32
      %sign3A_14 = arith.constant 0 : i32
      %sign3A_15 = arith.cmpi slt, %select_n3A, %sign3A_14 : i32
      %sign3A_16 = arith.extui %sign3A_15 : i1 to i32
      %sign3A_17 = arith.subi %sign3A_13, %sign3A_16 : i32
      %sign3A_18 = arith.constant 0 : i32
      %sign3A_19 = arith.cmpi sgt, %jit3A_11, %sign3A_18 : i32
      %sign3A_20 = arith.extui %sign3A_19 : i1 to i32
      %sign3A_21 = arith.constant 0 : i32
      %sign3A_22 = arith.cmpi slt, %jit3A_11, %sign3A_21 : i32
      %sign3A_23 = arith.extui %sign3A_22 : i1 to i32
      %sign3A_24 = arith.subi %sign3A_20, %sign3A_23 : i32
      %ne3A = arith.cmpi ne, %sign3A_17, %sign3A_24 : i32
      %rem3A = arith.remsi %select_n3A, %jit3A_11 : i32
      %ne3A_25 = arith.constant 0 : i32
      %ne3A_26 = arith.cmpi ne, %rem3A, %ne3A_25 : i32
      %and3A = arith.andi %ne3A, %ne3A_26 : i1
      %sub3A = arith.constant 1 : i32
      %sub3A_27 = arith.subi %div3A, %sub3A : i32
      %select_n3A_28 = arith.select %and3A, %sub3A_27, %div3A : i32
      %mul3A_29 = arith.constant 128 : i32
      %mul3A_30 = arith.muli %select_n3A_28, %mul3A_29 : i32
      %multiple_of3A = tpu.assume_multiple %mul3A_30, 128 : i32
      %dma_start3A = arith.constant 0 : i32
      %dma_start3A_31 = arith.constant 0 : i32
      %dma_start3A_32 = arith.constant 0 : i32
      %dma_start3A_33 = tpu.memref_slice %arg9[%dma_start3A, %dma_start3A_31, %dma_start3A_32] : memref<8x16x128xf32, #tpu.memory_space<vmem>> -> memref<1x16x128xf32, #tpu.memory_space<vmem>>
      %dma_start3A_34 = tpu.memref_squeeze %dma_start3A_33 : memref<1x16x128xf32, #tpu.memory_space<vmem>> -> memref<16x128xf32, #tpu.memory_space<vmem>>
      %dma_start3A_35 = arith.constant 0 : i32
      %dma_start3A_36 = tpu.memref_slice %arg4[%dma_start3A_35, %multiple_of3A] : memref<16x1000000xf32, #tpu.memory_space<hbm>> -> memref<16x128xf32, #tpu.memory_space<hbm>>
      %dma_start3A_37 = arith.constant 0 : i32
      %dma_start3A_38 = arith.constant 0 : i32
      %dma_start3A_39 = tpu.memref_slice %arg9[%dma_start3A, %dma_start3A_37, %dma_start3A_38] : memref<8x16x128xf32, #tpu.memory_space<vmem>> -> memref<1x16x128xf32, #tpu.memory_space<vmem>>
      %dma_start3A_40 = tpu.memref_squeeze %dma_start3A_39 : memref<1x16x128xf32, #tpu.memory_space<vmem>> -> memref<16x128xf32, #tpu.memory_space<vmem>>
      %dma_start3A_41 = arith.constant 0 : i32
      %dma_start3A_42 = tpu.memref_slice %arg4[%dma_start3A_41, %multiple_of3A] : memref<16x1000000xf32, #tpu.memory_space<hbm>> -> memref<16x128xf32, #tpu.memory_space<hbm>>
      tpu.enqueue_dma source(%dma_start3A_42 : memref<16x128xf32, #tpu.memory_space<hbm>>) target(%dma_start3A_40 : memref<16x128xf32, #tpu.memory_space<vmem>>) target_semaphore(%arg20 : memref<!tpu.dma_semaphore, #tpu.memory_space<semaphore_mem>>)
      %dma_start3A_43 = arith.constant 0 : i32
      %dma_start3A_44 = arith.constant 0 : i32
      %dma_start3A_45 = arith.constant 0 : i32
      %dma_start3A_46 = tpu.memref_slice %arg10[%dma_start3A_43, %dma_start3A_44, %dma_start3A_45] : memref<8x1x128xf32, #tpu.memory_space<vmem>> -> memref<1x1x128xf32, #tpu.memory_space<vmem>>
      %dma_start3A_47 = tpu.memref_squeeze %dma_start3A_46 : memref<1x1x128xf32, #tpu.memory_space<vmem>> -> memref<1x128xf32, #tpu.memory_space<vmem>>
      %dma_start3A_48 = arith.constant 0 : i32
      %dma_start3A_49 = tpu.memref_slice %arg3[%dma_start3A_48, %multiple_of3A] : memref<1x1000000xf32, #tpu.memory_space<hbm>> -> memref<1x128xf32, #tpu.memory_space<hbm>>
      %dma_start3A_50 = arith.constant 0 : i32
      %dma_start3A_51 = arith.constant 0 : i32
      %dma_start3A_52 = tpu.memref_slice %arg10[%dma_start3A_43, %dma_start3A_50, %dma_start3A_51] : memref<8x1x128xf32, #tpu.memory_space<vmem>> -> memref<1x1x128xf32, #tpu.memory_space<vmem>>
      %dma_start3A_53 = tpu.memref_squeeze %dma_start3A_52 : memref<1x1x128xf32, #tpu.memory_space<vmem>> -> memref<1x128xf32, #tpu.memory_space<vmem>>
      %dma_start3A_54 = arith.constant 0 : i32
      %dma_start3A_55 = tpu.memref_slice %arg3[%dma_start3A_54, %multiple_of3A] : memref<1x1000000xf32, #tpu.memory_space<hbm>> -> memref<1x128xf32, #tpu.memory_space<hbm>>
      tpu.enqueue_dma source(%dma_start3A_55 : memref<1x128xf32, #tpu.memory_space<hbm>>) target(%dma_start3A_53 : memref<1x128xf32, #tpu.memory_space<vmem>>) target_semaphore(%arg21 : memref<!tpu.dma_semaphore, #tpu.memory_space<semaphore_mem>>)
      %sub3A_56 = arith.subi %select_n3A, %multiple_of3A : i32
      %mul3A_57 = arith.constant 8 : i32
      %mul3A_58 = arith.muli %arg1, %mul3A_57 : i32
      %add3A_59 = arith.constant 1 : i32
      %add3A_60 = arith.addi %mul3A_58, %add3A_59 : i32
      %lt3A_61 = arith.constant 100 : i32
      %lt3A_62 = arith.cmpi slt, %add3A_60, %lt3A_61 : i32
      %slice3A_63 = vector.extract_strided_slice %gather3A {offsets = [1], sizes = [1], strides = [1]} : vector<16xi32> to vector<1xi32>
      %squeeze3A_64 = vector.extract %slice3A_63[0] : i32 from vector<1xi32>
      %jit3A_65 = arith.constant 0 : i32
      %select_n3A_66 = arith.select %lt3A_62, %squeeze3A_64, %jit3A_65 : i32
      %jit3A_67 = arith.constant 128 : i32
      %div3A_68 = arith.divsi %select_n3A_66, %jit3A_67 : i32
      %sign3A_69 = arith.constant 0 : i32
      %sign3A_70 = arith.cmpi sgt, %select_n3A_66, %sign3A_69 : i32
      %sign3A_71 = arith.extui %sign3A_70 : i1 to i32
      %sign3A_72 = arith.constant 0 : i32
      %sign3A_73 = arith.cmpi slt, %select_n3A_66, %sign3A_72 : i32
      %sign3A_74 = arith.extui %sign3A_73 : i1 to i32
      %sign3A_75 = arith.subi %sign3A_71, %sign3A_74 : i32
      %sign3A_76 = arith.constant 0 : i32
      %sign3A_77 = arith.cmpi sgt, %jit3A_67, %sign3A_76 : i32
      %sign3A_78 = arith.extui %sign3A_77 : i1 to i32
      %sign3A_79 = arith.constant 0 : i32
      %sign3A_80 = arith.cmpi slt, %jit3A_67, %sign3A_79 : i32
      %sign3A_81 = arith.extui %sign3A_80 : i1 to i32
      %sign3A_82 = arith.subi %sign3A_78, %sign3A_81 : i32
      %ne3A_83 = arith.cmpi ne, %sign3A_75, %sign3A_82 : i32
      %rem3A_84 = arith.remsi %select_n3A_66, %jit3A_67 : i32
      %ne3A_85 = arith.constant 0 : i32
      %ne3A_86 = arith.cmpi ne, %rem3A_84, %ne3A_85 : i32
      %and3A_87 = arith.andi %ne3A_83, %ne3A_86 : i1
      %sub3A_88 = arith.constant 1 : i32
      %sub3A_89 = arith.subi %div3A_68, %sub3A_88 : i32
      %select_n3A_90 = arith.select %and3A_87, %sub3A_89, %div3A_68 : i32
      %mul3A_91 = arith.constant 128 : i32
      %mul3A_92 = arith.muli %select_n3A_90, %mul3A_91 : i32
      %multiple_of3A_93 = tpu.assume_multiple %mul3A_92, 128 : i32
      %dma_start3A_94 = arith.constant 1 : i32
      %dma_start3A_95 = arith.constant 0 : i32
      %dma_start3A_96 = arith.constant 0 : i32
      %dma_start3A_97 = tpu.memref_slice %arg9[%dma_start3A_94, %dma_start3A_95, %dma_start3A_96] : memref<8x16x128xf32, #tpu.memory_space<vmem>> -> memref<1x16x128xf32, #tpu.memory_space<vmem>>
      %dma_start3A_98 = tpu.memref_squeeze %dma_start3A_97 : memref<1x16x128xf32, #tpu.memory_space<vmem>> -> memref<16x128xf32, #tpu.memory_space<vmem>>
      %dma_start3A_99 = arith.constant 0 : i32
      %dma_start3A_100 = tpu.memref_slice %arg4[%dma_start3A_99, %multiple_of3A_93] : memref<16x1000000xf32, #tpu.memory_space<hbm>> -> memref<16x128xf32, #tpu.memory_space<hbm>>
      %dma_start3A_101 = arith.constant 0 : i32
      %dma_start3A_102 = arith.constant 0 : i32
      %dma_start3A_103 = tpu.memref_slice %arg9[%dma_start3A_94, %dma_start3A_101, %dma_start3A_102] : memref<8x16x128xf32, #tpu.memory_space<vmem>> -> memref<1x16x128xf32, #tpu.memory_space<vmem>>
      %dma_start3A_104 = tpu.memref_squeeze %dma_start3A_103 : memref<1x16x128xf32, #tpu.memory_space<vmem>> -> memref<16x128xf32, #tpu.memory_space<vmem>>
      %dma_start3A_105 = arith.constant 0 : i32
      %dma_start3A_106 = tpu.memref_slice %arg4[%dma_start3A_105, %multiple_of3A_93] : memref<16x1000000xf32, #tpu.memory_space<hbm>> -> memref<16x128xf32, #tpu.memory_space<hbm>>
      tpu.enqueue_dma source(%dma_start3A_106 : memref<16x128xf32, #tpu.memory_space<hbm>>) target(%dma_start3A_104 : memref<16x128xf32, #tpu.memory_space<vmem>>) target_semaphore(%arg20 : memref<!tpu.dma_semaphore, #tpu.memory_space<semaphore_mem>>)
      %dma_start3A_107 = arith.constant 1 : i32
      %dma_start3A_108 = arith.constant 0 : i32
      %dma_start3A_109 = arith.constant 0 : i32
      %dma_start3A_110 = tpu.memref_slice %arg10[%dma_start3A_107, %dma_start3A_108, %dma_start3A_109] : memref<8x1x128xf32, #tpu.memory_space<vmem>> -> memref<1x1x128xf32, #tpu.memory_space<vmem>>
      %dma_start3A_111 = tpu.memref_squeeze %dma_start3A_110 : memref<1x1x128xf32, #tpu.memory_space<vmem>> -> memref<1x128xf32, #tpu.memory_space<vmem>>
      %dma_start3A_112 = arith.constant 0 : i32
      %dma_start3A_113 = tpu.memref_slice %arg3[%dma_start3A_112, %multiple_of3A_93] : memref<1x1000000xf32, #tpu.memory_space<hbm>> -> memref<1x128xf32, #tpu.memory_space<hbm>>
      %dma_start3A_114 = arith.constant 0 : i32
      %dma_start3A_115 = arith.constant 0 : i32
      %dma_start3A_116 = tpu.memref_slice %arg10[%dma_start3A_107, %dma_start3A_114, %dma_start3A_115] : memref<8x1x128xf32, #tpu.memory_space<vmem>> -> memref<1x1x128xf32, #tpu.memory_space<vmem>>
      %dma_start3A_117 = tpu.memref_squeeze %dma_start3A_116 : memref<1x1x128xf32, #tpu.memory_space<vmem>> -> memref<1x128xf32, #tpu.memory_space<vmem>>
      %dma_start3A_118 = arith.constant 0 : i32
      %dma_start3A_119 = tpu.memref_slice %arg3[%dma_start3A_118, %multiple_of3A_93] : memref<1x1000000xf32, #tpu.memory_space<hbm>> -> memref<1x128xf32, #tpu.memory_space<hbm>>
      tpu.enqueue_dma source(%dma_start3A_119 : memref<1x128xf32, #tpu.memory_space<hbm>>) target(%dma_start3A_117 : memref<1x128xf32, #tpu.memory_space<vmem>>) target_semaphore(%arg21 : memref<!tpu.dma_semaphore, #tpu.memory_space<semaphore_mem>>)
      %sub3A_120 = arith.subi %select_n3A_66, %multiple_of3A_93 : i32
      %mul3A_121 = arith.constant 8 : i32
      %mul3A_122 = arith.muli %arg1, %mul3A_121 : i32
      %add3A_123 = arith.constant 2 : i32
      %add3A_124 = arith.addi %mul3A_122, %add3A_123 : i32
      %lt3A_125 = arith.constant 100 : i32
      %lt3A_126 = arith.cmpi slt, %add3A_124, %lt3A_125 : i32
      %slice3A_127 = vector.extract_strided_slice %gather3A {offsets = [2], sizes = [1], strides = [1]} : vector<16xi32> to vector<1xi32>
      %squeeze3A_128 = vector.extract %slice3A_127[0] : i32 from vector<1xi32>
      %jit3A_129 = arith.constant 0 : i32
      %select_n3A_130 = arith.select %lt3A_126, %squeeze3A_128, %jit3A_129 : i32
      %jit3A_131 = arith.constant 128 : i32
      %div3A_132 = arith.divsi %select_n3A_130, %jit3A_131 : i32
      %sign3A_133 = arith.constant 0 : i32
      %sign3A_134 = arith.cmpi sgt, %select_n3A_130, %sign3A_133 : i32
      %sign3A_135 = arith.extui %sign3A_134 : i1 to i32
      %sign3A_136 = arith.constant 0 : i32
      %sign3A_137 = arith.cmpi slt, %select_n3A_130, %sign3A_136 : i32
      %sign3A_138 = arith.extui %sign3A_137 : i1 to i32
      %sign3A_139 = arith.subi %sign3A_135, %sign3A_138 : i32
      %sign3A_140 = arith.constant 0 : i32
      %sign3A_141 = arith.cmpi sgt, %jit3A_131, %sign3A_140 : i32
      %sign3A_142 = arith.extui %sign3A_141 : i1 to i32
      %sign3A_143 = arith.constant 0 : i32
      %sign3A_144 = arith.cmpi slt, %jit3A_131, %sign3A_143 : i32
      %sign3A_145 = arith.extui %sign3A_144 : i1 to i32
      %sign3A_146 = arith.subi %sign3A_142, %sign3A_145 : i32
      %ne3A_147 = arith.cmpi ne, %sign3A_139, %sign3A_146 : i32
      %rem3A_148 = arith.remsi %select_n3A_130, %jit3A_131 : i32
      %ne3A_149 = arith.constant 0 : i32
      %ne3A_150 = arith.cmpi ne, %rem3A_148, %ne3A_149 : i32
      %and3A_151 = arith.andi %ne3A_147, %ne3A_150 : i1
      %sub3A_152 = arith.constant 1 : i32
      %sub3A_153 = arith.subi %div3A_132, %sub3A_152 : i32
      %select_n3A_154 = arith.select %and3A_151, %sub3A_153, %div3A_132 : i32
      %mul3A_155 = arith.constant 128 : i32
      %mul3A_156 = arith.muli %select_n3A_154, %mul3A_155 : i32
      %multiple_of3A_157 = tpu.assume_multiple %mul3A_156, 128 : i32
      %dma_start3A_158 = arith.constant 2 : i32
      %dma_start3A_159 = arith.constant 0 : i32
      %dma_start3A_160 = arith.constant 0 : i32
      %dma_start3A_161 = tpu.memref_slice %arg9[%dma_start3A_158, %dma_start3A_159, %dma_start3A_160] : memref<8x16x128xf32, #tpu.memory_space<vmem>> -> memref<1x16x128xf32, #tpu.memory_space<vmem>>
      %dma_start3A_162 = tpu.memref_squeeze %dma_start3A_161 : memref<1x16x128xf32, #tpu.memory_space<vmem>> -> memref<16x128xf32, #tpu.memory_space<vmem>>
      %dma_start3A_163 = arith.constant 0 : i32
      %dma_start3A_164 = tpu.memref_slice %arg4[%dma_start3A_163, %multiple_of3A_157] : memref<16x1000000xf32, #tpu.memory_space<hbm>> -> memref<16x128xf32, #tpu.memory_space<hbm>>
      %dma_start3A_165 = arith.constant 0 : i32
      %dma_start3A_166 = arith.constant 0 : i32
      %dma_start3A_167 = tpu.memref_slice %arg9[%dma_start3A_158, %dma_start3A_165, %dma_start3A_166] : memref<8x16x128xf32, #tpu.memory_space<vmem>> -> memref<1x16x128xf32, #tpu.memory_space<vmem>>
      %dma_start3A_168 = tpu.memref_squeeze %dma_start3A_167 : memref<1x16x128xf32, #tpu.memory_space<vmem>> -> memref<16x128xf32, #tpu.memory_space<vmem>>
      %dma_start3A_169 = arith.constant 0 : i32
      %dma_start3A_170 = tpu.memref_slice %arg4[%dma_start3A_169, %multiple_of3A_157] : memref<16x1000000xf32, #tpu.memory_space<hbm>> -> memref<16x128xf32, #tpu.memory_space<hbm>>
      tpu.enqueue_dma source(%dma_start3A_170 : memref<16x128xf32, #tpu.memory_space<hbm>>) target(%dma_start3A_168 : memref<16x128xf32, #tpu.memory_space<vmem>>) target_semaphore(%arg20 : memref<!tpu.dma_semaphore, #tpu.memory_space<semaphore_mem>>)
      %dma_start3A_171 = arith.constant 2 : i32
      %dma_start3A_172 = arith.constant 0 : i32
      %dma_start3A_173 = arith.constant 0 : i32
      %dma_start3A_174 = tpu.memref_slice %arg10[%dma_start3A_171, %dma_start3A_172, %dma_start3A_173] : memref<8x1x128xf32, #tpu.memory_space<vmem>> -> memref<1x1x128xf32, #tpu.memory_space<vmem>>
      %dma_start3A_175 = tpu.memref_squeeze %dma_start3A_174 : memref<1x1x128xf32, #tpu.memory_space<vmem>> -> memref<1x128xf32, #tpu.memory_space<vmem>>
      %dma_start3A_176 = arith.constant 0 : i32
      %dma_start3A_177 = tpu.memref_slice %arg3[%dma_start3A_176, %multiple_of3A_157] : memref<1x1000000xf32, #tpu.memory_space<hbm>> -> memref<1x128xf32, #tpu.memory_space<hbm>>
      %dma_start3A_178 = arith.constant 0 : i32
      %dma_start3A_179 = arith.constant 0 : i32
      %dma_start3A_180 = tpu.memref_slice %arg10[%dma_start3A_171, %dma_start3A_178, %dma_start3A_179] : memref<8x1x128xf32, #tpu.memory_space<vmem>> -> memref<1x1x128xf32, #tpu.memory_space<vmem>>
      %dma_start3A_181 = tpu.memref_squeeze %dma_start3A_180 : memref<1x1x128xf32, #tpu.memory_space<vmem>> -> memref<1x128xf32, #tpu.memory_space<vmem>>
      %dma_start3A_182 = arith.constant 0 : i32
      %dma_start3A_183 = tpu.memref_slice %arg3[%dma_start3A_182, %multiple_of3A_157] : memref<1x1000000xf32, #tpu.memory_space<hbm>> -> memref<1x128xf32, #tpu.memory_space<hbm>>
      tpu.enqueue_dma source(%dma_start3A_183 : memref<1x128xf32, #tpu.memory_space<hbm>>) target(%dma_start3A_181 : memref<1x128xf32, #tpu.memory_space<vmem>>) target_semaphore(%arg21 : memref<!tpu.dma_semaphore, #tpu.memory_space<semaphore_mem>>)
      %sub3A_184 = arith.subi %select_n3A_130, %multiple_of3A_157 : i32
      %mul3A_185 = arith.constant 8 : i32
      %mul3A_186 = arith.muli %arg1, %mul3A_185 : i32
      %add3A_187 = arith.constant 3 : i32
      %add3A_188 = arith.addi %mul3A_186, %add3A_187 : i32
      %lt3A_189 = arith.constant 100 : i32
      %lt3A_190 = arith.cmpi slt, %add3A_188, %lt3A_189 : i32
      %slice3A_191 = vector.extract_strided_slice %gather3A {offsets = [3], sizes = [1], strides = [1]} : vector<16xi32> to vector<1xi32>
      %squeeze3A_192 = vector.extract %slice3A_191[0] : i32 from vector<1xi32>
      %jit3A_193 = arith.constant 0 : i32
      %select_n3A_194 = arith.select %lt3A_190, %squeeze3A_192, %jit3A_193 : i32
      %jit3A_195 = arith.constant 128 : i32
      %div3A_196 = arith.divsi %select_n3A_194, %jit3A_195 : i32
      %sign3A_197 = arith.constant 0 : i32
      %sign3A_198 = arith.cmpi sgt, %select_n3A_194, %sign3A_197 : i32
      %sign3A_199 = arith.extui %sign3A_198 : i1 to i32
      %sign3A_200 = arith.constant 0 : i32
      %sign3A_201 = arith.cmpi slt, %select_n3A_194, %sign3A_200 : i32
      %sign3A_202 = arith.extui %sign3A_201 : i1 to i32
      %sign3A_203 = arith.subi %sign3A_199, %sign3A_202 : i32
      %sign3A_204 = arith.constant 0 : i32
      %sign3A_205 = arith.cmpi sgt, %jit3A_195, %sign3A_204 : i32
      %sign3A_206 = arith.extui %sign3A_205 : i1 to i32
      %sign3A_207 = arith.constant 0 : i32
      %sign3A_208 = arith.cmpi slt, %jit3A_195, %sign3A_207 : i32
      %sign3A_209 = arith.extui %sign3A_208 : i1 to i32
      %sign3A_210 = arith.subi %sign3A_206, %sign3A_209 : i32
      %ne3A_211 = arith.cmpi ne, %sign3A_203, %sign3A_210 : i32
      %rem3A_212 = arith.remsi %select_n3A_194, %jit3A_195 : i32
      %ne3A_213 = arith.constant 0 : i32
      %ne3A_214 = arith.cmpi ne, %rem3A_212, %ne3A_213 : i32
      %and3A_215 = arith.andi %ne3A_211, %ne3A_214 : i1
      %sub3A_216 = arith.constant 1 : i32
      %sub3A_217 = arith.subi %div3A_196, %sub3A_216 : i32
      %select_n3A_218 = arith.select %and3A_215, %sub3A_217, %div3A_196 : i32
      %mul3A_219 = arith.constant 128 : i32
      %mul3A_220 = arith.muli %select_n3A_218, %mul3A_219 : i32
      %multiple_of3A_221 = tpu.assume_multiple %mul3A_220, 128 : i32
      %dma_start3A_222 = arith.constant 3 : i32
      %dma_start3A_223 = arith.constant 0 : i32
      %dma_start3A_224 = arith.constant 0 : i32
      %dma_start3A_225 = tpu.memref_slice %arg9[%dma_start3A_222, %dma_start3A_223, %dma_start3A_224] : memref<8x16x128xf32, #tpu.memory_space<vmem>> -> memref<1x16x128xf32, #tpu.memory_space<vmem>>
      %dma_start3A_226 = tpu.memref_squeeze %dma_start3A_225 : memref<1x16x128xf32, #tpu.memory_space<vmem>> -> memref<16x128xf32, #tpu.memory_space<vmem>>
      %dma_start3A_227 = arith.constant 0 : i32
      %dma_start3A_228 = tpu.memref_slice %arg4[%dma_start3A_227, %multiple_of3A_221] : memref<16x1000000xf32, #tpu.memory_space<hbm>> -> memref<16x128xf32, #tpu.memory_space<hbm>>
      %dma_start3A_229 = arith.constant 0 : i32
      %dma_start3A_230 = arith.constant 0 : i32
      %dma_start3A_231 = tpu.memref_slice %arg9[%dma_start3A_222, %dma_start3A_229, %dma_start3A_230] : memref<8x16x128xf32, #tpu.memory_space<vmem>> -> memref<1x16x128xf32, #tpu.memory_space<vmem>>
      %dma_start3A_232 = tpu.memref_squeeze %dma_start3A_231 : memref<1x16x128xf32, #tpu.memory_space<vmem>> -> memref<16x128xf32, #tpu.memory_space<vmem>>
      %dma_start3A_233 = arith.constant 0 : i32
      %dma_start3A_234 = tpu.memref_slice %arg4[%dma_start3A_233, %multiple_of3A_221] : memref<16x1000000xf32, #tpu.memory_space<hbm>> -> memref<16x128xf32, #tpu.memory_space<hbm>>
      tpu.enqueue_dma source(%dma_start3A_234 : memref<16x128xf32, #tpu.memory_space<hbm>>) target(%dma_start3A_232 : memref<16x128xf32, #tpu.memory_space<vmem>>) target_semaphore(%arg20 : memref<!tpu.dma_semaphore, #tpu.memory_space<semaphore_mem>>)
      %dma_start3A_235 = arith.constant 3 : i32
      %dma_start3A_236 = arith.constant 0 : i32
      %dma_start3A_237 = arith.constant 0 : i32
      %dma_start3A_238 = tpu.memref_slice %arg10[%dma_start3A_235, %dma_start3A_236, %dma_start3A_237] : memref<8x1x128xf32, #tpu.memory_space<vmem>> -> memref<1x1x128xf32, #tpu.memory_space<vmem>>
      %dma_start3A_239 = tpu.memref_squeeze %dma_start3A_238 : memref<1x1x128xf32, #tpu.memory_space<vmem>> -> memref<1x128xf32, #tpu.memory_space<vmem>>
      %dma_start3A_240 = arith.constant 0 : i32
      %dma_start3A_241 = tpu.memref_slice %arg3[%dma_start3A_240, %multiple_of3A_221] : memref<1x1000000xf32, #tpu.memory_space<hbm>> -> memref<1x128xf32, #tpu.memory_space<hbm>>
      %dma_start3A_242 = arith.constant 0 : i32
      %dma_start3A_243 = arith.constant 0 : i32
      %dma_start3A_244 = tpu.memref_slice %arg10[%dma_start3A_235, %dma_start3A_242, %dma_start3A_243] : memref<8x1x128xf32, #tpu.memory_space<vmem>> -> memref<1x1x128xf32, #tpu.memory_space<vmem>>
      %dma_start3A_245 = tpu.memref_squeeze %dma_start3A_244 : memref<1x1x128xf32, #tpu.memory_space<vmem>> -> memref<1x128xf32, #tpu.memory_space<vmem>>
      %dma_start3A_246 = arith.constant 0 : i32
      %dma_start3A_247 = tpu.memref_slice %arg3[%dma_start3A_246, %multiple_of3A_221] : memref<1x1000000xf32, #tpu.memory_space<hbm>> -> memref<1x128xf32, #tpu.memory_space<hbm>>
      tpu.enqueue_dma source(%dma_start3A_247 : memref<1x128xf32, #tpu.memory_space<hbm>>) target(%dma_start3A_245 : memref<1x128xf32, #tpu.memory_space<vmem>>) target_semaphore(%arg21 : memref<!tpu.dma_semaphore, #tpu.memory_space<semaphore_mem>>)
      %sub3A_248 = arith.subi %select_n3A_194, %multiple_of3A_221 : i32
      %mul3A_249 = arith.constant 8 : i32
      %mul3A_250 = arith.muli %arg1, %mul3A_249 : i32
      %add3A_251 = arith.constant 4 : i32
      %add3A_252 = arith.addi %mul3A_250, %add3A_251 : i32
      %lt3A_253 = arith.constant 100 : i32
      %lt3A_254 = arith.cmpi slt, %add3A_252, %lt3A_253 : i32
      %slice3A_255 = vector.extract_strided_slice %gather3A {offsets = [4], sizes = [1], strides = [1]} : vector<16xi32> to vector<1xi32>
      %squeeze3A_256 = vector.extract %slice3A_255[0] : i32 from vector<1xi32>
      %jit3A_257 = arith.constant 0 : i32
      %select_n3A_258 = arith.select %lt3A_254, %squeeze3A_256, %jit3A_257 : i32
      %jit3A_259 = arith.constant 128 : i32
      %div3A_260 = arith.divsi %select_n3A_258, %jit3A_259 : i32
      %sign3A_261 = arith.constant 0 : i32
      %sign3A_262 = arith.cmpi sgt, %select_n3A_258, %sign3A_261 : i32
      %sign3A_263 = arith.extui %sign3A_262 : i1 to i32
      %sign3A_264 = arith.constant 0 : i32
      %sign3A_265 = arith.cmpi slt, %select_n3A_258, %sign3A_264 : i32
      %sign3A_266 = arith.extui %sign3A_265 : i1 to i32
      %sign3A_267 = arith.subi %sign3A_263, %sign3A_266 : i32
      %sign3A_268 = arith.constant 0 : i32
      %sign3A_269 = arith.cmpi sgt, %jit3A_259, %sign3A_268 : i32
      %sign3A_270 = arith.extui %sign3A_269 : i1 to i32
      %sign3A_271 = arith.constant 0 : i32
      %sign3A_272 = arith.cmpi slt, %jit3A_259, %sign3A_271 : i32
      %sign3A_273 = arith.extui %sign3A_272 : i1 to i32
      %sign3A_274 = arith.subi %sign3A_270, %sign3A_273 : i32
      %ne3A_275 = arith.cmpi ne, %sign3A_267, %sign3A_274 : i32
      %rem3A_276 = arith.remsi %select_n3A_258, %jit3A_259 : i32
      %ne3A_277 = arith.constant 0 : i32
      %ne3A_278 = arith.cmpi ne, %rem3A_276, %ne3A_277 : i32
      %and3A_279 = arith.andi %ne3A_275, %ne3A_278 : i1
      %sub3A_280 = arith.constant 1 : i32
      %sub3A_281 = arith.subi %div3A_260, %sub3A_280 : i32
      %select_n3A_282 = arith.select %and3A_279, %sub3A_281, %div3A_260 : i32
      %mul3A_283 = arith.constant 128 : i32
      %mul3A_284 = arith.muli %select_n3A_282, %mul3A_283 : i32
      %multiple_of3A_285 = tpu.assume_multiple %mul3A_284, 128 : i32
      %dma_start3A_286 = arith.constant 4 : i32
      %dma_start3A_287 = arith.constant 0 : i32
      %dma_start3A_288 = arith.constant 0 : i32
      %dma_start3A_289 = tpu.memref_slice %arg9[%dma_start3A_286, %dma_start3A_287, %dma_start3A_288] : memref<8x16x128xf32, #tpu.memory_space<vmem>> -> memref<1x16x128xf32, #tpu.memory_space<vmem>>
      %dma_start3A_290 = tpu.memref_squeeze %dma_start3A_289 : memref<1x16x128xf32, #tpu.memory_space<vmem>> -> memref<16x128xf32, #tpu.memory_space<vmem>>
      %dma_start3A_291 = arith.constant 0 : i32
      %dma_start3A_292 = tpu.memref_slice %arg4[%dma_start3A_291, %multiple_of3A_285] : memref<16x1000000xf32, #tpu.memory_space<hbm>> -> memref<16x128xf32, #tpu.memory_space<hbm>>
      %dma_start3A_293 = arith.constant 0 : i32
      %dma_start3A_294 = arith.constant 0 : i32
      %dma_start3A_295 = tpu.memref_slice %arg9[%dma_start3A_286, %dma_start3A_293, %dma_start3A_294] : memref<8x16x128xf32, #tpu.memory_space<vmem>> -> memref<1x16x128xf32, #tpu.memory_space<vmem>>
      %dma_start3A_296 = tpu.memref_squeeze %dma_start3A_295 : memref<1x16x128xf32, #tpu.memory_space<vmem>> -> memref<16x128xf32, #tpu.memory_space<vmem>>
      %dma_start3A_297 = arith.constant 0 : i32
      %dma_start3A_298 = tpu.memref_slice %arg4[%dma_start3A_297, %multiple_of3A_285] : memref<16x1000000xf32, #tpu.memory_space<hbm>> -> memref<16x128xf32, #tpu.memory_space<hbm>>
      tpu.enqueue_dma source(%dma_start3A_298 : memref<16x128xf32, #tpu.memory_space<hbm>>) target(%dma_start3A_296 : memref<16x128xf32, #tpu.memory_space<vmem>>) target_semaphore(%arg20 : memref<!tpu.dma_semaphore, #tpu.memory_space<semaphore_mem>>)
      %dma_start3A_299 = arith.constant 4 : i32
      %dma_start3A_300 = arith.constant 0 : i32
      %dma_start3A_301 = arith.constant 0 : i32
      %dma_start3A_302 = tpu.memref_slice %arg10[%dma_start3A_299, %dma_start3A_300, %dma_start3A_301] : memref<8x1x128xf32, #tpu.memory_space<vmem>> -> memref<1x1x128xf32, #tpu.memory_space<vmem>>
      %dma_start3A_303 = tpu.memref_squeeze %dma_start3A_302 : memref<1x1x128xf32, #tpu.memory_space<vmem>> -> memref<1x128xf32, #tpu.memory_space<vmem>>
      %dma_start3A_304 = arith.constant 0 : i32
      %dma_start3A_305 = tpu.memref_slice %arg3[%dma_start3A_304, %multiple_of3A_285] : memref<1x1000000xf32, #tpu.memory_space<hbm>> -> memref<1x128xf32, #tpu.memory_space<hbm>>
      %dma_start3A_306 = arith.constant 0 : i32
      %dma_start3A_307 = arith.constant 0 : i32
      %dma_start3A_308 = tpu.memref_slice %arg10[%dma_start3A_299, %dma_start3A_306, %dma_start3A_307] : memref<8x1x128xf32, #tpu.memory_space<vmem>> -> memref<1x1x128xf32, #tpu.memory_space<vmem>>
      %dma_start3A_309 = tpu.memref_squeeze %dma_start3A_308 : memref<1x1x128xf32, #tpu.memory_space<vmem>> -> memref<1x128xf32, #tpu.memory_space<vmem>>
      %dma_start3A_310 = arith.constant 0 : i32
      %dma_start3A_311 = tpu.memref_slice %arg3[%dma_start3A_310, %multiple_of3A_285] : memref<1x1000000xf32, #tpu.memory_space<hbm>> -> memref<1x128xf32, #tpu.memory_space<hbm>>
      tpu.enqueue_dma source(%dma_start3A_311 : memref<1x128xf32, #tpu.memory_space<hbm>>) target(%dma_start3A_309 : memref<1x128xf32, #tpu.memory_space<vmem>>) target_semaphore(%arg21 : memref<!tpu.dma_semaphore, #tpu.memory_space<semaphore_mem>>)
      %sub3A_312 = arith.subi %select_n3A_258, %multiple_of3A_285 : i32
      %mul3A_313 = arith.constant 8 : i32
      %mul3A_314 = arith.muli %arg1, %mul3A_313 : i32
      %add3A_315 = arith.constant 5 : i32
      %add3A_316 = arith.addi %mul3A_314, %add3A_315 : i32
      %lt3A_317 = arith.constant 100 : i32
      %lt3A_318 = arith.cmpi slt, %add3A_316, %lt3A_317 : i32
      %slice3A_319 = vector.extract_strided_slice %gather3A {offsets = [5], sizes = [1], strides = [1]} : vector<16xi32> to vector<1xi32>
      %squeeze3A_320 = vector.extract %slice3A_319[0] : i32 from vector<1xi32>
      %jit3A_321 = arith.constant 0 : i32
      %select_n3A_322 = arith.select %lt3A_318, %squeeze3A_320, %jit3A_321 : i32
      %jit3A_323 = arith.constant 128 : i32
      %div3A_324 = arith.divsi %select_n3A_322, %jit3A_323 : i32
      %sign3A_325 = arith.constant 0 : i32
      %sign3A_326 = arith.cmpi sgt, %select_n3A_322, %sign3A_325 : i32
      %sign3A_327 = arith.extui %sign3A_326 : i1 to i32
      %sign3A_328 = arith.constant 0 : i32
      %sign3A_329 = arith.cmpi slt, %select_n3A_322, %sign3A_328 : i32
      %sign3A_330 = arith.extui %sign3A_329 : i1 to i32
      %sign3A_331 = arith.subi %sign3A_327, %sign3A_330 : i32
      %sign3A_332 = arith.constant 0 : i32
      %sign3A_333 = arith.cmpi sgt, %jit3A_323, %sign3A_332 : i32
      %sign3A_334 = arith.extui %sign3A_333 : i1 to i32
      %sign3A_335 = arith.constant 0 : i32
      %sign3A_336 = arith.cmpi slt, %jit3A_323, %sign3A_335 : i32
      %sign3A_337 = arith.extui %sign3A_336 : i1 to i32
      %sign3A_338 = arith.subi %sign3A_334, %sign3A_337 : i32
      %ne3A_339 = arith.cmpi ne, %sign3A_331, %sign3A_338 : i32
      %rem3A_340 = arith.remsi %select_n3A_322, %jit3A_323 : i32
      %ne3A_341 = arith.constant 0 : i32
      %ne3A_342 = arith.cmpi ne, %rem3A_340, %ne3A_341 : i32
      %and3A_343 = arith.andi %ne3A_339, %ne3A_342 : i1
      %sub3A_344 = arith.constant 1 : i32
      %sub3A_345 = arith.subi %div3A_324, %sub3A_344 : i32
      %select_n3A_346 = arith.select %and3A_343, %sub3A_345, %div3A_324 : i32
      %mul3A_347 = arith.constant 128 : i32
      %mul3A_348 = arith.muli %select_n3A_346, %mul3A_347 : i32
      %multiple_of3A_349 = tpu.assume_multiple %mul3A_348, 128 : i32
      %dma_start3A_350 = arith.constant 5 : i32
      %dma_start3A_351 = arith.constant 0 : i32
      %dma_start3A_352 = arith.constant 0 : i32
      %dma_start3A_353 = tpu.memref_slice %arg9[%dma_start3A_350, %dma_start3A_351, %dma_start3A_352] : memref<8x16x128xf32, #tpu.memory_space<vmem>> -> memref<1x16x128xf32, #tpu.memory_space<vmem>>
      %dma_start3A_354 = tpu.memref_squeeze %dma_start3A_353 : memref<1x16x128xf32, #tpu.memory_space<vmem>> -> memref<16x128xf32, #tpu.memory_space<vmem>>
      %dma_start3A_355 = arith.constant 0 : i32
      %dma_start3A_356 = tpu.memref_slice %arg4[%dma_start3A_355, %multiple_of3A_349] : memref<16x1000000xf32, #tpu.memory_space<hbm>> -> memref<16x128xf32, #tpu.memory_space<hbm>>
      %dma_start3A_357 = arith.constant 0 : i32
      %dma_start3A_358 = arith.constant 0 : i32
      %dma_start3A_359 = tpu.memref_slice %arg9[%dma_start3A_350, %dma_start3A_357, %dma_start3A_358] : memref<8x16x128xf32, #tpu.memory_space<vmem>> -> memref<1x16x128xf32, #tpu.memory_space<vmem>>
      %dma_start3A_360 = tpu.memref_squeeze %dma_start3A_359 : memref<1x16x128xf32, #tpu.memory_space<vmem>> -> memref<16x128xf32, #tpu.memory_space<vmem>>
      %dma_start3A_361 = arith.constant 0 : i32
      %dma_start3A_362 = tpu.memref_slice %arg4[%dma_start3A_361, %multiple_of3A_349] : memref<16x1000000xf32, #tpu.memory_space<hbm>> -> memref<16x128xf32, #tpu.memory_space<hbm>>
      tpu.enqueue_dma source(%dma_start3A_362 : memref<16x128xf32, #tpu.memory_space<hbm>>) target(%dma_start3A_360 : memref<16x128xf32, #tpu.memory_space<vmem>>) target_semaphore(%arg20 : memref<!tpu.dma_semaphore, #tpu.memory_space<semaphore_mem>>)
      %dma_start3A_363 = arith.constant 5 : i32
      %dma_start3A_364 = arith.constant 0 : i32
      %dma_start3A_365 = arith.constant 0 : i32
      %dma_start3A_366 = tpu.memref_slice %arg10[%dma_start3A_363, %dma_start3A_364, %dma_start3A_365] : memref<8x1x128xf32, #tpu.memory_space<vmem>> -> memref<1x1x128xf32, #tpu.memory_space<vmem>>
      %dma_start3A_367 = tpu.memref_squeeze %dma_start3A_366 : memref<1x1x128xf32, #tpu.memory_space<vmem>> -> memref<1x128xf32, #tpu.memory_space<vmem>>
      %dma_start3A_368 = arith.constant 0 : i32
      %dma_start3A_369 = tpu.memref_slice %arg3[%dma_start3A_368, %multiple_of3A_349] : memref<1x1000000xf32, #tpu.memory_space<hbm>> -> memref<1x128xf32, #tpu.memory_space<hbm>>
      %dma_start3A_370 = arith.constant 0 : i32
      %dma_start3A_371 = arith.constant 0 : i32
      %dma_start3A_372 = tpu.memref_slice %arg10[%dma_start3A_363, %dma_start3A_370, %dma_start3A_371] : memref<8x1x128xf32, #tpu.memory_space<vmem>> -> memref<1x1x128xf32, #tpu.memory_space<vmem>>
      %dma_start3A_373 = tpu.memref_squeeze %dma_start3A_372 : memref<1x1x128xf32, #tpu.memory_space<vmem>> -> memref<1x128xf32, #tpu.memory_space<vmem>>
      %dma_start3A_374 = arith.constant 0 : i32
      %dma_start3A_375 = tpu.memref_slice %arg3[%dma_start3A_374, %multiple_of3A_349] : memref<1x1000000xf32, #tpu.memory_space<hbm>> -> memref<1x128xf32, #tpu.memory_space<hbm>>
      tpu.enqueue_dma source(%dma_start3A_375 : memref<1x128xf32, #tpu.memory_space<hbm>>) target(%dma_start3A_373 : memref<1x128xf32, #tpu.memory_space<vmem>>) target_semaphore(%arg21 : memref<!tpu.dma_semaphore, #tpu.memory_space<semaphore_mem>>)
      %sub3A_376 = arith.subi %select_n3A_322, %multiple_of3A_349 : i32
      %mul3A_377 = arith.constant 8 : i32
      %mul3A_378 = arith.muli %arg1, %mul3A_377 : i32
      %add3A_379 = arith.constant 6 : i32
      %add3A_380 = arith.addi %mul3A_378, %add3A_379 : i32
      %lt3A_381 = arith.constant 100 : i32
      %lt3A_382 = arith.cmpi slt, %add3A_380, %lt3A_381 : i32
      %slice3A_383 = vector.extract_strided_slice %gather3A {offsets = [6], sizes = [1], strides = [1]} : vector<16xi32> to vector<1xi32>
      %squeeze3A_384 = vector.extract %slice3A_383[0] : i32 from vector<1xi32>
      %jit3A_385 = arith.constant 0 : i32
      %select_n3A_386 = arith.select %lt3A_382, %squeeze3A_384, %jit3A_385 : i32
      %jit3A_387 = arith.constant 128 : i32
      %div3A_388 = arith.divsi %select_n3A_386, %jit3A_387 : i32
      %sign3A_389 = arith.constant 0 : i32
      %sign3A_390 = arith.cmpi sgt, %select_n3A_386, %sign3A_389 : i32
      %sign3A_391 = arith.extui %sign3A_390 : i1 to i32
      %sign3A_392 = arith.constant 0 : i32
      %sign3A_393 = arith.cmpi slt, %select_n3A_386, %sign3A_392 : i32
      %sign3A_394 = arith.extui %sign3A_393 : i1 to i32
      %sign3A_395 = arith.subi %sign3A_391, %sign3A_394 : i32
      %sign3A_396 = arith.constant 0 : i32
      %sign3A_397 = arith.cmpi sgt, %jit3A_387, %sign3A_396 : i32
      %sign3A_398 = arith.extui %sign3A_397 : i1 to i32
      %sign3A_399 = arith.constant 0 : i32
      %sign3A_400 = arith.cmpi slt, %jit3A_387, %sign3A_399 : i32
      %sign3A_401 = arith.extui %sign3A_400 : i1 to i32
      %sign3A_402 = arith.subi %sign3A_398, %sign3A_401 : i32
      %ne3A_403 = arith.cmpi ne, %sign3A_395, %sign3A_402 : i32
      %rem3A_404 = arith.remsi %select_n3A_386, %jit3A_387 : i32
      %ne3A_405 = arith.constant 0 : i32
      %ne3A_406 = arith.cmpi ne, %rem3A_404, %ne3A_405 : i32
      %and3A_407 = arith.andi %ne3A_403, %ne3A_406 : i1
      %sub3A_408 = arith.constant 1 : i32
      %sub3A_409 = arith.subi %div3A_388, %sub3A_408 : i32
      %select_n3A_410 = arith.select %and3A_407, %sub3A_409, %div3A_388 : i32
      %mul3A_411 = arith.constant 128 : i32
      %mul3A_412 = arith.muli %select_n3A_410, %mul3A_411 : i32
      %multiple_of3A_413 = tpu.assume_multiple %mul3A_412, 128 : i32
      %dma_start3A_414 = arith.constant 6 : i32
      %dma_start3A_415 = arith.constant 0 : i32
      %dma_start3A_416 = arith.constant 0 : i32
      %dma_start3A_417 = tpu.memref_slice %arg9[%dma_start3A_414, %dma_start3A_415, %dma_start3A_416] : memref<8x16x128xf32, #tpu.memory_space<vmem>> -> memref<1x16x128xf32, #tpu.memory_space<vmem>>
      %dma_start3A_418 = tpu.memref_squeeze %dma_start3A_417 : memref<1x16x128xf32, #tpu.memory_space<vmem>> -> memref<16x128xf32, #tpu.memory_space<vmem>>
      %dma_start3A_419 = arith.constant 0 : i32
      %dma_start3A_420 = tpu.memref_slice %arg4[%dma_start3A_419, %multiple_of3A_413] : memref<16x1000000xf32, #tpu.memory_space<hbm>> -> memref<16x128xf32, #tpu.memory_space<hbm>>
      %dma_start3A_421 = arith.constant 0 : i32
      %dma_start3A_422 = arith.constant 0 : i32
      %dma_start3A_423 = tpu.memref_slice %arg9[%dma_start3A_414, %dma_start3A_421, %dma_start3A_422] : memref<8x16x128xf32, #tpu.memory_space<vmem>> -> memref<1x16x128xf32, #tpu.memory_space<vmem>>
      %dma_start3A_424 = tpu.memref_squeeze %dma_start3A_423 : memref<1x16x128xf32, #tpu.memory_space<vmem>> -> memref<16x128xf32, #tpu.memory_space<vmem>>
      %dma_start3A_425 = arith.constant 0 : i32
      %dma_start3A_426 = tpu.memref_slice %arg4[%dma_start3A_425, %multiple_of3A_413] : memref<16x1000000xf32, #tpu.memory_space<hbm>> -> memref<16x128xf32, #tpu.memory_space<hbm>>
      tpu.enqueue_dma source(%dma_start3A_426 : memref<16x128xf32, #tpu.memory_space<hbm>>) target(%dma_start3A_424 : memref<16x128xf32, #tpu.memory_space<vmem>>) target_semaphore(%arg20 : memref<!tpu.dma_semaphore, #tpu.memory_space<semaphore_mem>>)
      %dma_start3A_427 = arith.constant 6 : i32
      %dma_start3A_428 = arith.constant 0 : i32
      %dma_start3A_429 = arith.constant 0 : i32
      %dma_start3A_430 = tpu.memref_slice %arg10[%dma_start3A_427, %dma_start3A_428, %dma_start3A_429] : memref<8x1x128xf32, #tpu.memory_space<vmem>> -> memref<1x1x128xf32, #tpu.memory_space<vmem>>
      %dma_start3A_431 = tpu.memref_squeeze %dma_start3A_430 : memref<1x1x128xf32, #tpu.memory_space<vmem>> -> memref<1x128xf32, #tpu.memory_space<vmem>>
      %dma_start3A_432 = arith.constant 0 : i32
      %dma_start3A_433 = tpu.memref_slice %arg3[%dma_start3A_432, %multiple_of3A_413] : memref<1x1000000xf32, #tpu.memory_space<hbm>> -> memref<1x128xf32, #tpu.memory_space<hbm>>
      %dma_start3A_434 = arith.constant 0 : i32
      %dma_start3A_435 = arith.constant 0 : i32
      %dma_start3A_436 = tpu.memref_slice %arg10[%dma_start3A_427, %dma_start3A_434, %dma_start3A_435] : memref<8x1x128xf32, #tpu.memory_space<vmem>> -> memref<1x1x128xf32, #tpu.memory_space<vmem>>
      %dma_start3A_437 = tpu.memref_squeeze %dma_start3A_436 : memref<1x1x128xf32, #tpu.memory_space<vmem>> -> memref<1x128xf32, #tpu.memory_space<vmem>>
      %dma_start3A_438 = arith.constant 0 : i32
      %dma_start3A_439 = tpu.memref_slice %arg3[%dma_start3A_438, %multiple_of3A_413] : memref<1x1000000xf32, #tpu.memory_space<hbm>> -> memref<1x128xf32, #tpu.memory_space<hbm>>
      tpu.enqueue_dma source(%dma_start3A_439 : memref<1x128xf32, #tpu.memory_space<hbm>>) target(%dma_start3A_437 : memref<1x128xf32, #tpu.memory_space<vmem>>) target_semaphore(%arg21 : memref<!tpu.dma_semaphore, #tpu.memory_space<semaphore_mem>>)
      %sub3A_440 = arith.subi %select_n3A_386, %multiple_of3A_413 : i32
      %mul3A_441 = arith.constant 8 : i32
      %mul3A_442 = arith.muli %arg1, %mul3A_441 : i32
      %add3A_443 = arith.constant 7 : i32
      %add3A_444 = arith.addi %mul3A_442, %add3A_443 : i32
      %lt3A_445 = arith.constant 100 : i32
      %lt3A_446 = arith.cmpi slt, %add3A_444, %lt3A_445 : i32
      %slice3A_447 = vector.extract_strided_slice %gather3A {offsets = [7], sizes = [1], strides = [1]} : vector<16xi32> to vector<1xi32>
      %squeeze3A_448 = vector.extract %slice3A_447[0] : i32 from vector<1xi32>
      %jit3A_449 = arith.constant 0 : i32
      %select_n3A_450 = arith.select %lt3A_446, %squeeze3A_448, %jit3A_449 : i32
      %jit3A_451 = arith.constant 128 : i32
      %div3A_452 = arith.divsi %select_n3A_450, %jit3A_451 : i32
      %sign3A_453 = arith.constant 0 : i32
      %sign3A_454 = arith.cmpi sgt, %select_n3A_450, %sign3A_453 : i32
      %sign3A_455 = arith.extui %sign3A_454 : i1 to i32
      %sign3A_456 = arith.constant 0 : i32
      %sign3A_457 = arith.cmpi slt, %select_n3A_450, %sign3A_456 : i32
      %sign3A_458 = arith.extui %sign3A_457 : i1 to i32
      %sign3A_459 = arith.subi %sign3A_455, %sign3A_458 : i32
      %sign3A_460 = arith.constant 0 : i32
      %sign3A_461 = arith.cmpi sgt, %jit3A_451, %sign3A_460 : i32
      %sign3A_462 = arith.extui %sign3A_461 : i1 to i32
      %sign3A_463 = arith.constant 0 : i32
      %sign3A_464 = arith.cmpi slt, %jit3A_451, %sign3A_463 : i32
      %sign3A_465 = arith.extui %sign3A_464 : i1 to i32
      %sign3A_466 = arith.subi %sign3A_462, %sign3A_465 : i32
      %ne3A_467 = arith.cmpi ne, %sign3A_459, %sign3A_466 : i32
      %rem3A_468 = arith.remsi %select_n3A_450, %jit3A_451 : i32
      %ne3A_469 = arith.constant 0 : i32
      %ne3A_470 = arith.cmpi ne, %rem3A_468, %ne3A_469 : i32
      %and3A_471 = arith.andi %ne3A_467, %ne3A_470 : i1
      %sub3A_472 = arith.constant 1 : i32
      %sub3A_473 = arith.subi %div3A_452, %sub3A_472 : i32
      %select_n3A_474 = arith.select %and3A_471, %sub3A_473, %div3A_452 : i32
      %mul3A_475 = arith.constant 128 : i32
      %mul3A_476 = arith.muli %select_n3A_474, %mul3A_475 : i32
      %multiple_of3A_477 = tpu.assume_multiple %mul3A_476, 128 : i32
      %dma_start3A_478 = arith.constant 7 : i32
      %dma_start3A_479 = arith.constant 0 : i32
      %dma_start3A_480 = arith.constant 0 : i32
      %dma_start3A_481 = tpu.memref_slice %arg9[%dma_start3A_478, %dma_start3A_479, %dma_start3A_480] : memref<8x16x128xf32, #tpu.memory_space<vmem>> -> memref<1x16x128xf32, #tpu.memory_space<vmem>>
      %dma_start3A_482 = tpu.memref_squeeze %dma_start3A_481 : memref<1x16x128xf32, #tpu.memory_space<vmem>> -> memref<16x128xf32, #tpu.memory_space<vmem>>
      %dma_start3A_483 = arith.constant 0 : i32
      %dma_start3A_484 = tpu.memref_slice %arg4[%dma_start3A_483, %multiple_of3A_477] : memref<16x1000000xf32, #tpu.memory_space<hbm>> -> memref<16x128xf32, #tpu.memory_space<hbm>>
      %dma_start3A_485 = arith.constant 0 : i32
      %dma_start3A_486 = arith.constant 0 : i32
      %dma_start3A_487 = tpu.memref_slice %arg9[%dma_start3A_478, %dma_start3A_485, %dma_start3A_486] : memref<8x16x128xf32, #tpu.memory_space<vmem>> -> memref<1x16x128xf32, #tpu.memory_space<vmem>>
      %dma_start3A_488 = tpu.memref_squeeze %dma_start3A_487 : memref<1x16x128xf32, #tpu.memory_space<vmem>> -> memref<16x128xf32, #tpu.memory_space<vmem>>
      %dma_start3A_489 = arith.constant 0 : i32
      %dma_start3A_490 = tpu.memref_slice %arg4[%dma_start3A_489, %multiple_of3A_477] : memref<16x1000000xf32, #tpu.memory_space<hbm>> -> memref<16x128xf32, #tpu.memory_space<hbm>>
      tpu.enqueue_dma source(%dma_start3A_490 : memref<16x128xf32, #tpu.memory_space<hbm>>) target(%dma_start3A_488 : memref<16x128xf32, #tpu.memory_space<vmem>>) target_semaphore(%arg20 : memref<!tpu.dma_semaphore, #tpu.memory_space<semaphore_mem>>)
      %dma_start3A_491 = arith.constant 7 : i32
      %dma_start3A_492 = arith.constant 0 : i32
      %dma_start3A_493 = arith.constant 0 : i32
      %dma_start3A_494 = tpu.memref_slice %arg10[%dma_start3A_491, %dma_start3A_492, %dma_start3A_493] : memref<8x1x128xf32, #tpu.memory_space<vmem>> -> memref<1x1x128xf32, #tpu.memory_space<vmem>>
      %dma_start3A_495 = tpu.memref_squeeze %dma_start3A_494 : memref<1x1x128xf32, #tpu.memory_space<vmem>> -> memref<1x128xf32, #tpu.memory_space<vmem>>
      %dma_start3A_496 = arith.constant 0 : i32
      %dma_start3A_497 = tpu.memref_slice %arg3[%dma_start3A_496, %multiple_of3A_477] : memref<1x1000000xf32, #tpu.memory_space<hbm>> -> memref<1x128xf32, #tpu.memory_space<hbm>>
      %dma_start3A_498 = arith.constant 0 : i32
      %dma_start3A_499 = arith.constant 0 : i32
      %dma_start3A_500 = tpu.memref_slice %arg10[%dma_start3A_491, %dma_start3A_498, %dma_start3A_499] : memref<8x1x128xf32, #tpu.memory_space<vmem>> -> memref<1x1x128xf32, #tpu.memory_space<vmem>>
      %dma_start3A_501 = tpu.memref_squeeze %dma_start3A_500 : memref<1x1x128xf32, #tpu.memory_space<vmem>> -> memref<1x128xf32, #tpu.memory_space<vmem>>
      %dma_start3A_502 = arith.constant 0 : i32
      %dma_start3A_503 = tpu.memref_slice %arg3[%dma_start3A_502, %multiple_of3A_477] : memref<1x1000000xf32, #tpu.memory_space<hbm>> -> memref<1x128xf32, #tpu.memory_space<hbm>>
      tpu.enqueue_dma source(%dma_start3A_503 : memref<1x128xf32, #tpu.memory_space<hbm>>) target(%dma_start3A_501 : memref<1x128xf32, #tpu.memory_space<vmem>>) target_semaphore(%arg21 : memref<!tpu.dma_semaphore, #tpu.memory_space<semaphore_mem>>)
      %sub3A_504 = arith.subi %select_n3A_450, %multiple_of3A_477 : i32
      %dma_wait3A = arith.constant 0 : i32
      %dma_wait3A_505 = arith.constant 0 : i32
      %dma_wait3A_506 = arith.constant 0 : i32
      %dma_wait3A_507 = tpu.memref_slice %arg9[%dma_wait3A, %dma_wait3A_505, %dma_wait3A_506] : memref<8x16x128xf32, #tpu.memory_space<vmem>> -> memref<1x16x128xf32, #tpu.memory_space<vmem>>
      %dma_wait3A_508 = tpu.memref_squeeze %dma_wait3A_507 : memref<1x16x128xf32, #tpu.memory_space<vmem>> -> memref<16x128xf32, #tpu.memory_space<vmem>>
      %dma_wait3A_509 = arith.constant 0 : i32
      %dma_wait3A_510 = arith.constant 0 : i32
      %dma_wait3A_511 = tpu.memref_slice %arg4[%dma_wait3A_509, %dma_wait3A_510] : memref<16x1000000xf32, #tpu.memory_space<hbm>> -> memref<16x128xf32, #tpu.memory_space<hbm>>
      %dma_wait3A_512 = arith.constant 0 : i32
      %dma_wait3A_513 = arith.constant 0 : i32
      %dma_wait3A_514 = tpu.memref_slice %arg9[%dma_wait3A, %dma_wait3A_512, %dma_wait3A_513] : memref<8x16x128xf32, #tpu.memory_space<vmem>> -> memref<1x16x128xf32, #tpu.memory_space<vmem>>
      %dma_wait3A_515 = tpu.memref_squeeze %dma_wait3A_514 : memref<1x16x128xf32, #tpu.memory_space<vmem>> -> memref<16x128xf32, #tpu.memory_space<vmem>>
      %dma_wait3A_516 = arith.constant 0 : i32
      %dma_wait3A_517 = arith.constant 0 : i32
      %dma_wait3A_518 = tpu.memref_slice %arg4[%dma_wait3A_516, %dma_wait3A_517] : memref<16x1000000xf32, #tpu.memory_space<hbm>> -> memref<16x128xf32, #tpu.memory_space<hbm>>
      tpu.wait_dma2 semaphore(%arg20 : memref<!tpu.dma_semaphore, #tpu.memory_space<semaphore_mem>>) src(%dma_wait3A_518 : memref<16x128xf32, #tpu.memory_space<hbm>>) dst(%dma_wait3A_515 : memref<16x128xf32, #tpu.memory_space<vmem>>)
      %dma_wait3A_519 = arith.constant 0 : i32
      %dma_wait3A_520 = arith.constant 0 : i32
      %dma_wait3A_521 = arith.constant 0 : i32
      %dma_wait3A_522 = tpu.memref_slice %arg10[%dma_wait3A_519, %dma_wait3A_520, %dma_wait3A_521] : memref<8x1x128xf32, #tpu.memory_space<vmem>> -> memref<1x1x128xf32, #tpu.memory_space<vmem>>
      %dma_wait3A_523 = tpu.memref_squeeze %dma_wait3A_522 : memref<1x1x128xf32, #tpu.memory_space<vmem>> -> memref<1x128xf32, #tpu.memory_space<vmem>>
      %dma_wait3A_524 = arith.constant 0 : i32
      %dma_wait3A_525 = arith.constant 0 : i32
      %dma_wait3A_526 = tpu.memref_slice %arg3[%dma_wait3A_524, %dma_wait3A_525] : memref<1x1000000xf32, #tpu.memory_space<hbm>> -> memref<1x128xf32, #tpu.memory_space<hbm>>
      %dma_wait3A_527 = arith.constant 0 : i32
      %dma_wait3A_528 = arith.constant 0 : i32
      %dma_wait3A_529 = tpu.memref_slice %arg10[%dma_wait3A_519, %dma_wait3A_527, %dma_wait3A_528] : memref<8x1x128xf32, #tpu.memory_space<vmem>> -> memref<1x1x128xf32, #tpu.memory_space<vmem>>
      %dma_wait3A_530 = tpu.memref_squeeze %dma_wait3A_529 : memref<1x1x128xf32, #tpu.memory_space<vmem>> -> memref<1x128xf32, #tpu.memory_space<vmem>>
      %dma_wait3A_531 = arith.constant 0 : i32
      %dma_wait3A_532 = arith.constant 0 : i32
      %dma_wait3A_533 = tpu.memref_slice %arg3[%dma_wait3A_531, %dma_wait3A_532] : memref<1x1000000xf32, #tpu.memory_space<hbm>> -> memref<1x128xf32, #tpu.memory_space<hbm>>
      tpu.wait_dma2 semaphore(%arg21 : memref<!tpu.dma_semaphore, #tpu.memory_space<semaphore_mem>>) src(%dma_wait3A_533 : memref<1x128xf32, #tpu.memory_space<hbm>>) dst(%dma_wait3A_530 : memref<1x128xf32, #tpu.memory_space<vmem>>)
      %dma_wait3A_534 = arith.constant 1 : i32
      %dma_wait3A_535 = arith.constant 0 : i32
      %dma_wait3A_536 = arith.constant 0 : i32
      %dma_wait3A_537 = tpu.memref_slice %arg9[%dma_wait3A_534, %dma_wait3A_535, %dma_wait3A_536] : memref<8x16x128xf32, #tpu.memory_space<vmem>> -> memref<1x16x128xf32, #tpu.memory_space<vmem>>
      %dma_wait3A_538 = tpu.memref_squeeze %dma_wait3A_537 : memref<1x16x128xf32, #tpu.memory_space<vmem>> -> memref<16x128xf32, #tpu.memory_space<vmem>>
      %dma_wait3A_539 = arith.constant 0 : i32
      %dma_wait3A_540 = arith.constant 0 : i32
      %dma_wait3A_541 = tpu.memref_slice %arg4[%dma_wait3A_539, %dma_wait3A_540] : memref<16x1000000xf32, #tpu.memory_space<hbm>> -> memref<16x128xf32, #tpu.memory_space<hbm>>
      %dma_wait3A_542 = arith.constant 0 : i32
      %dma_wait3A_543 = arith.constant 0 : i32
      %dma_wait3A_544 = tpu.memref_slice %arg9[%dma_wait3A_534, %dma_wait3A_542, %dma_wait3A_543] : memref<8x16x128xf32, #tpu.memory_space<vmem>> -> memref<1x16x128xf32, #tpu.memory_space<vmem>>
      %dma_wait3A_545 = tpu.memref_squeeze %dma_wait3A_544 : memref<1x16x128xf32, #tpu.memory_space<vmem>> -> memref<16x128xf32, #tpu.memory_space<vmem>>
      %dma_wait3A_546 = arith.constant 0 : i32
      %dma_wait3A_547 = arith.constant 0 : i32
      %dma_wait3A_548 = tpu.memref_slice %arg4[%dma_wait3A_546, %dma_wait3A_547] : memref<16x1000000xf32, #tpu.memory_space<hbm>> -> memref<16x128xf32, #tpu.memory_space<hbm>>
      tpu.wait_dma2 semaphore(%arg20 : memref<!tpu.dma_semaphore, #tpu.memory_space<semaphore_mem>>) src(%dma_wait3A_548 : memref<16x128xf32, #tpu.memory_space<hbm>>) dst(%dma_wait3A_545 : memref<16x128xf32, #tpu.memory_space<vmem>>)
      %dma_wait3A_549 = arith.constant 1 : i32
      %dma_wait3A_550 = arith.constant 0 : i32
      %dma_wait3A_551 = arith.constant 0 : i32
      %dma_wait3A_552 = tpu.memref_slice %arg10[%dma_wait3A_549, %dma_wait3A_550, %dma_wait3A_551] : memref<8x1x128xf32, #tpu.memory_space<vmem>> -> memref<1x1x128xf32, #tpu.memory_space<vmem>>
      %dma_wait3A_553 = tpu.memref_squeeze %dma_wait3A_552 : memref<1x1x128xf32, #tpu.memory_space<vmem>> -> memref<1x128xf32, #tpu.memory_space<vmem>>
      %dma_wait3A_554 = arith.constant 0 : i32
      %dma_wait3A_555 = arith.constant 0 : i32
      %dma_wait3A_556 = tpu.memref_slice %arg3[%dma_wait3A_554, %dma_wait3A_555] : memref<1x1000000xf32, #tpu.memory_space<hbm>> -> memref<1x128xf32, #tpu.memory_space<hbm>>
      %dma_wait3A_557 = arith.constant 0 : i32
      %dma_wait3A_558 = arith.constant 0 : i32
      %dma_wait3A_559 = tpu.memref_slice %arg10[%dma_wait3A_549, %dma_wait3A_557, %dma_wait3A_558] : memref<8x1x128xf32, #tpu.memory_space<vmem>> -> memref<1x1x128xf32, #tpu.memory_space<vmem>>
      %dma_wait3A_560 = tpu.memref_squeeze %dma_wait3A_559 : memref<1x1x128xf32, #tpu.memory_space<vmem>> -> memref<1x128xf32, #tpu.memory_space<vmem>>
      %dma_wait3A_561 = arith.constant 0 : i32
      %dma_wait3A_562 = arith.constant 0 : i32
      %dma_wait3A_563 = tpu.memref_slice %arg3[%dma_wait3A_561, %dma_wait3A_562] : memref<1x1000000xf32, #tpu.memory_space<hbm>> -> memref<1x128xf32, #tpu.memory_space<hbm>>
      tpu.wait_dma2 semaphore(%arg21 : memref<!tpu.dma_semaphore, #tpu.memory_space<semaphore_mem>>) src(%dma_wait3A_563 : memref<1x128xf32, #tpu.memory_space<hbm>>) dst(%dma_wait3A_560 : memref<1x128xf32, #tpu.memory_space<vmem>>)
      %dma_wait3A_564 = arith.constant 2 : i32
      %dma_wait3A_565 = arith.constant 0 : i32
      %dma_wait3A_566 = arith.constant 0 : i32
      %dma_wait3A_567 = tpu.memref_slice %arg9[%dma_wait3A_564, %dma_wait3A_565, %dma_wait3A_566] : memref<8x16x128xf32, #tpu.memory_space<vmem>> -> memref<1x16x128xf32, #tpu.memory_space<vmem>>
      %dma_wait3A_568 = tpu.memref_squeeze %dma_wait3A_567 : memref<1x16x128xf32, #tpu.memory_space<vmem>> -> memref<16x128xf32, #tpu.memory_space<vmem>>
      %dma_wait3A_569 = arith.constant 0 : i32
      %dma_wait3A_570 = arith.constant 0 : i32
      %dma_wait3A_571 = tpu.memref_slice %arg4[%dma_wait3A_569, %dma_wait3A_570] : memref<16x1000000xf32, #tpu.memory_space<hbm>> -> memref<16x128xf32, #tpu.memory_space<hbm>>
      %dma_wait3A_572 = arith.constant 0 : i32
      %dma_wait3A_573 = arith.constant 0 : i32
      %dma_wait3A_574 = tpu.memref_slice %arg9[%dma_wait3A_564, %dma_wait3A_572, %dma_wait3A_573] : memref<8x16x128xf32, #tpu.memory_space<vmem>> -> memref<1x16x128xf32, #tpu.memory_space<vmem>>
      %dma_wait3A_575 = tpu.memref_squeeze %dma_wait3A_574 : memref<1x16x128xf32, #tpu.memory_space<vmem>> -> memref<16x128xf32, #tpu.memory_space<vmem>>
      %dma_wait3A_576 = arith.constant 0 : i32
      %dma_wait3A_577 = arith.constant 0 : i32
      %dma_wait3A_578 = tpu.memref_slice %arg4[%dma_wait3A_576, %dma_wait3A_577] : memref<16x1000000xf32, #tpu.memory_space<hbm>> -> memref<16x128xf32, #tpu.memory_space<hbm>>
      tpu.wait_dma2 semaphore(%arg20 : memref<!tpu.dma_semaphore, #tpu.memory_space<semaphore_mem>>) src(%dma_wait3A_578 : memref<16x128xf32, #tpu.memory_space<hbm>>) dst(%dma_wait3A_575 : memref<16x128xf32, #tpu.memory_space<vmem>>)
      %dma_wait3A_579 = arith.constant 2 : i32
      %dma_wait3A_580 = arith.constant 0 : i32
      %dma_wait3A_581 = arith.constant 0 : i32
      %dma_wait3A_582 = tpu.memref_slice %arg10[%dma_wait3A_579, %dma_wait3A_580, %dma_wait3A_581] : memref<8x1x128xf32, #tpu.memory_space<vmem>> -> memref<1x1x128xf32, #tpu.memory_space<vmem>>
      %dma_wait3A_583 = tpu.memref_squeeze %dma_wait3A_582 : memref<1x1x128xf32, #tpu.memory_space<vmem>> -> memref<1x128xf32, #tpu.memory_space<vmem>>
      %dma_wait3A_584 = arith.constant 0 : i32
      %dma_wait3A_585 = arith.constant 0 : i32
      %dma_wait3A_586 = tpu.memref_slice %arg3[%dma_wait3A_584, %dma_wait3A_585] : memref<1x1000000xf32, #tpu.memory_space<hbm>> -> memref<1x128xf32, #tpu.memory_space<hbm>>
      %dma_wait3A_587 = arith.constant 0 : i32
      %dma_wait3A_588 = arith.constant 0 : i32
      %dma_wait3A_589 = tpu.memref_slice %arg10[%dma_wait3A_579, %dma_wait3A_587, %dma_wait3A_588] : memref<8x1x128xf32, #tpu.memory_space<vmem>> -> memref<1x1x128xf32, #tpu.memory_space<vmem>>
      %dma_wait3A_590 = tpu.memref_squeeze %dma_wait3A_589 : memref<1x1x128xf32, #tpu.memory_space<vmem>> -> memref<1x128xf32, #tpu.memory_space<vmem>>
      %dma_wait3A_591 = arith.constant 0 : i32
      %dma_wait3A_592 = arith.constant 0 : i32
      %dma_wait3A_593 = tpu.memref_slice %arg3[%dma_wait3A_591, %dma_wait3A_592] : memref<1x1000000xf32, #tpu.memory_space<hbm>> -> memref<1x128xf32, #tpu.memory_space<hbm>>
      tpu.wait_dma2 semaphore(%arg21 : memref<!tpu.dma_semaphore, #tpu.memory_space<semaphore_mem>>) src(%dma_wait3A_593 : memref<1x128xf32, #tpu.memory_space<hbm>>) dst(%dma_wait3A_590 : memref<1x128xf32, #tpu.memory_space<vmem>>)
      %dma_wait3A_594 = arith.constant 3 : i32
      %dma_wait3A_595 = arith.constant 0 : i32
      %dma_wait3A_596 = arith.constant 0 : i32
      %dma_wait3A_597 = tpu.memref_slice %arg9[%dma_wait3A_594, %dma_wait3A_595, %dma_wait3A_596] : memref<8x16x128xf32, #tpu.memory_space<vmem>> -> memref<1x16x128xf32, #tpu.memory_space<vmem>>
      %dma_wait3A_598 = tpu.memref_squeeze %dma_wait3A_597 : memref<1x16x128xf32, #tpu.memory_space<vmem>> -> memref<16x128xf32, #tpu.memory_space<vmem>>
      %dma_wait3A_599 = arith.constant 0 : i32
      %dma_wait3A_600 = arith.constant 0 : i32
      %dma_wait3A_601 = tpu.memref_slice %arg4[%dma_wait3A_599, %dma_wait3A_600] : memref<16x1000000xf32, #tpu.memory_space<hbm>> -> memref<16x128xf32, #tpu.memory_space<hbm>>
      %dma_wait3A_602 = arith.constant 0 : i32
      %dma_wait3A_603 = arith.constant 0 : i32
      %dma_wait3A_604 = tpu.memref_slice %arg9[%dma_wait3A_594, %dma_wait3A_602, %dma_wait3A_603] : memref<8x16x128xf32, #tpu.memory_space<vmem>> -> memref<1x16x128xf32, #tpu.memory_space<vmem>>
      %dma_wait3A_605 = tpu.memref_squeeze %dma_wait3A_604 : memref<1x16x128xf32, #tpu.memory_space<vmem>> -> memref<16x128xf32, #tpu.memory_space<vmem>>
      %dma_wait3A_606 = arith.constant 0 : i32
      %dma_wait3A_607 = arith.constant 0 : i32
      %dma_wait3A_608 = tpu.memref_slice %arg4[%dma_wait3A_606, %dma_wait3A_607] : memref<16x1000000xf32, #tpu.memory_space<hbm>> -> memref<16x128xf32, #tpu.memory_space<hbm>>
      tpu.wait_dma2 semaphore(%arg20 : memref<!tpu.dma_semaphore, #tpu.memory_space<semaphore_mem>>) src(%dma_wait3A_608 : memref<16x128xf32, #tpu.memory_space<hbm>>) dst(%dma_wait3A_605 : memref<16x128xf32, #tpu.memory_space<vmem>>)
      %dma_wait3A_609 = arith.constant 3 : i32
      %dma_wait3A_610 = arith.constant 0 : i32
      %dma_wait3A_611 = arith.constant 0 : i32
      %dma_wait3A_612 = tpu.memref_slice %arg10[%dma_wait3A_609, %dma_wait3A_610, %dma_wait3A_611] : memref<8x1x128xf32, #tpu.memory_space<vmem>> -> memref<1x1x128xf32, #tpu.memory_space<vmem>>
      %dma_wait3A_613 = tpu.memref_squeeze %dma_wait3A_612 : memref<1x1x128xf32, #tpu.memory_space<vmem>> -> memref<1x128xf32, #tpu.memory_space<vmem>>
      %dma_wait3A_614 = arith.constant 0 : i32
      %dma_wait3A_615 = arith.constant 0 : i32
      %dma_wait3A_616 = tpu.memref_slice %arg3[%dma_wait3A_614, %dma_wait3A_615] : memref<1x1000000xf32, #tpu.memory_space<hbm>> -> memref<1x128xf32, #tpu.memory_space<hbm>>
      %dma_wait3A_617 = arith.constant 0 : i32
      %dma_wait3A_618 = arith.constant 0 : i32
      %dma_wait3A_619 = tpu.memref_slice %arg10[%dma_wait3A_609, %dma_wait3A_617, %dma_wait3A_618] : memref<8x1x128xf32, #tpu.memory_space<vmem>> -> memref<1x1x128xf32, #tpu.memory_space<vmem>>
      %dma_wait3A_620 = tpu.memref_squeeze %dma_wait3A_619 : memref<1x1x128xf32, #tpu.memory_space<vmem>> -> memref<1x128xf32, #tpu.memory_space<vmem>>
      %dma_wait3A_621 = arith.constant 0 : i32
      %dma_wait3A_622 = arith.constant 0 : i32
      %dma_wait3A_623 = tpu.memref_slice %arg3[%dma_wait3A_621, %dma_wait3A_622] : memref<1x1000000xf32, #tpu.memory_space<hbm>> -> memref<1x128xf32, #tpu.memory_space<hbm>>
      tpu.wait_dma2 semaphore(%arg21 : memref<!tpu.dma_semaphore, #tpu.memory_space<semaphore_mem>>) src(%dma_wait3A_623 : memref<1x128xf32, #tpu.memory_space<hbm>>) dst(%dma_wait3A_620 : memref<1x128xf32, #tpu.memory_space<vmem>>)
      %dma_wait3A_624 = arith.constant 4 : i32
      %dma_wait3A_625 = arith.constant 0 : i32
      %dma_wait3A_626 = arith.constant 0 : i32
      %dma_wait3A_627 = tpu.memref_slice %arg9[%dma_wait3A_624, %dma_wait3A_625, %dma_wait3A_626] : memref<8x16x128xf32, #tpu.memory_space<vmem>> -> memref<1x16x128xf32, #tpu.memory_space<vmem>>
      %dma_wait3A_628 = tpu.memref_squeeze %dma_wait3A_627 : memref<1x16x128xf32, #tpu.memory_space<vmem>> -> memref<16x128xf32, #tpu.memory_space<vmem>>
      %dma_wait3A_629 = arith.constant 0 : i32
      %dma_wait3A_630 = arith.constant 0 : i32
      %dma_wait3A_631 = tpu.memref_slice %arg4[%dma_wait3A_629, %dma_wait3A_630] : memref<16x1000000xf32, #tpu.memory_space<hbm>> -> memref<16x128xf32, #tpu.memory_space<hbm>>
      %dma_wait3A_632 = arith.constant 0 : i32
      %dma_wait3A_633 = arith.constant 0 : i32
      %dma_wait3A_634 = tpu.memref_slice %arg9[%dma_wait3A_624, %dma_wait3A_632, %dma_wait3A_633] : memref<8x16x128xf32, #tpu.memory_space<vmem>> -> memref<1x16x128xf32, #tpu.memory_space<vmem>>
      %dma_wait3A_635 = tpu.memref_squeeze %dma_wait3A_634 : memref<1x16x128xf32, #tpu.memory_space<vmem>> -> memref<16x128xf32, #tpu.memory_space<vmem>>
      %dma_wait3A_636 = arith.constant 0 : i32
      %dma_wait3A_637 = arith.constant 0 : i32
      %dma_wait3A_638 = tpu.memref_slice %arg4[%dma_wait3A_636, %dma_wait3A_637] : memref<16x1000000xf32, #tpu.memory_space<hbm>> -> memref<16x128xf32, #tpu.memory_space<hbm>>
      tpu.wait_dma2 semaphore(%arg20 : memref<!tpu.dma_semaphore, #tpu.memory_space<semaphore_mem>>) src(%dma_wait3A_638 : memref<16x128xf32, #tpu.memory_space<hbm>>) dst(%dma_wait3A_635 : memref<16x128xf32, #tpu.memory_space<vmem>>)
      %dma_wait3A_639 = arith.constant 4 : i32
      %dma_wait3A_640 = arith.constant 0 : i32
      %dma_wait3A_641 = arith.constant 0 : i32
      %dma_wait3A_642 = tpu.memref_slice %arg10[%dma_wait3A_639, %dma_wait3A_640, %dma_wait3A_641] : memref<8x1x128xf32, #tpu.memory_space<vmem>> -> memref<1x1x128xf32, #tpu.memory_space<vmem>>
      %dma_wait3A_643 = tpu.memref_squeeze %dma_wait3A_642 : memref<1x1x128xf32, #tpu.memory_space<vmem>> -> memref<1x128xf32, #tpu.memory_space<vmem>>
      %dma_wait3A_644 = arith.constant 0 : i32
      %dma_wait3A_645 = arith.constant 0 : i32
      %dma_wait3A_646 = tpu.memref_slice %arg3[%dma_wait3A_644, %dma_wait3A_645] : memref<1x1000000xf32, #tpu.memory_space<hbm>> -> memref<1x128xf32, #tpu.memory_space<hbm>>
      %dma_wait3A_647 = arith.constant 0 : i32
      %dma_wait3A_648 = arith.constant 0 : i32
      %dma_wait3A_649 = tpu.memref_slice %arg10[%dma_wait3A_639, %dma_wait3A_647, %dma_wait3A_648] : memref<8x1x128xf32, #tpu.memory_space<vmem>> -> memref<1x1x128xf32, #tpu.memory_space<vmem>>
      %dma_wait3A_650 = tpu.memref_squeeze %dma_wait3A_649 : memref<1x1x128xf32, #tpu.memory_space<vmem>> -> memref<1x128xf32, #tpu.memory_space<vmem>>
      %dma_wait3A_651 = arith.constant 0 : i32
      %dma_wait3A_652 = arith.constant 0 : i32
      %dma_wait3A_653 = tpu.memref_slice %arg3[%dma_wait3A_651, %dma_wait3A_652] : memref<1x1000000xf32, #tpu.memory_space<hbm>> -> memref<1x128xf32, #tpu.memory_space<hbm>>
      tpu.wait_dma2 semaphore(%arg21 : memref<!tpu.dma_semaphore, #tpu.memory_space<semaphore_mem>>) src(%dma_wait3A_653 : memref<1x128xf32, #tpu.memory_space<hbm>>) dst(%dma_wait3A_650 : memref<1x128xf32, #tpu.memory_space<vmem>>)
      %dma_wait3A_654 = arith.constant 5 : i32
      %dma_wait3A_655 = arith.constant 0 : i32
      %dma_wait3A_656 = arith.constant 0 : i32
      %dma_wait3A_657 = tpu.memref_slice %arg9[%dma_wait3A_654, %dma_wait3A_655, %dma_wait3A_656] : memref<8x16x128xf32, #tpu.memory_space<vmem>> -> memref<1x16x128xf32, #tpu.memory_space<vmem>>
      %dma_wait3A_658 = tpu.memref_squeeze %dma_wait3A_657 : memref<1x16x128xf32, #tpu.memory_space<vmem>> -> memref<16x128xf32, #tpu.memory_space<vmem>>
      %dma_wait3A_659 = arith.constant 0 : i32
      %dma_wait3A_660 = arith.constant 0 : i32
      %dma_wait3A_661 = tpu.memref_slice %arg4[%dma_wait3A_659, %dma_wait3A_660] : memref<16x1000000xf32, #tpu.memory_space<hbm>> -> memref<16x128xf32, #tpu.memory_space<hbm>>
      %dma_wait3A_662 = arith.constant 0 : i32
      %dma_wait3A_663 = arith.constant 0 : i32
      %dma_wait3A_664 = tpu.memref_slice %arg9[%dma_wait3A_654, %dma_wait3A_662, %dma_wait3A_663] : memref<8x16x128xf32, #tpu.memory_space<vmem>> -> memref<1x16x128xf32, #tpu.memory_space<vmem>>
      %dma_wait3A_665 = tpu.memref_squeeze %dma_wait3A_664 : memref<1x16x128xf32, #tpu.memory_space<vmem>> -> memref<16x128xf32, #tpu.memory_space<vmem>>
      %dma_wait3A_666 = arith.constant 0 : i32
      %dma_wait3A_667 = arith.constant 0 : i32
      %dma_wait3A_668 = tpu.memref_slice %arg4[%dma_wait3A_666, %dma_wait3A_667] : memref<16x1000000xf32, #tpu.memory_space<hbm>> -> memref<16x128xf32, #tpu.memory_space<hbm>>
      tpu.wait_dma2 semaphore(%arg20 : memref<!tpu.dma_semaphore, #tpu.memory_space<semaphore_mem>>) src(%dma_wait3A_668 : memref<16x128xf32, #tpu.memory_space<hbm>>) dst(%dma_wait3A_665 : memref<16x128xf32, #tpu.memory_space<vmem>>)
      %dma_wait3A_669 = arith.constant 5 : i32
      %dma_wait3A_670 = arith.constant 0 : i32
      %dma_wait3A_671 = arith.constant 0 : i32
      %dma_wait3A_672 = tpu.memref_slice %arg10[%dma_wait3A_669, %dma_wait3A_670, %dma_wait3A_671] : memref<8x1x128xf32, #tpu.memory_space<vmem>> -> memref<1x1x128xf32, #tpu.memory_space<vmem>>
      %dma_wait3A_673 = tpu.memref_squeeze %dma_wait3A_672 : memref<1x1x128xf32, #tpu.memory_space<vmem>> -> memref<1x128xf32, #tpu.memory_space<vmem>>
      %dma_wait3A_674 = arith.constant 0 : i32
      %dma_wait3A_675 = arith.constant 0 : i32
      %dma_wait3A_676 = tpu.memref_slice %arg3[%dma_wait3A_674, %dma_wait3A_675] : memref<1x1000000xf32, #tpu.memory_space<hbm>> -> memref<1x128xf32, #tpu.memory_space<hbm>>
      %dma_wait3A_677 = arith.constant 0 : i32
      %dma_wait3A_678 = arith.constant 0 : i32
      %dma_wait3A_679 = tpu.memref_slice %arg10[%dma_wait3A_669, %dma_wait3A_677, %dma_wait3A_678] : memref<8x1x128xf32, #tpu.memory_space<vmem>> -> memref<1x1x128xf32, #tpu.memory_space<vmem>>
      %dma_wait3A_680 = tpu.memref_squeeze %dma_wait3A_679 : memref<1x1x128xf32, #tpu.memory_space<vmem>> -> memref<1x128xf32, #tpu.memory_space<vmem>>
      %dma_wait3A_681 = arith.constant 0 : i32
      %dma_wait3A_682 = arith.constant 0 : i32
      %dma_wait3A_683 = tpu.memref_slice %arg3[%dma_wait3A_681, %dma_wait3A_682] : memref<1x1000000xf32, #tpu.memory_space<hbm>> -> memref<1x128xf32, #tpu.memory_space<hbm>>
      tpu.wait_dma2 semaphore(%arg21 : memref<!tpu.dma_semaphore, #tpu.memory_space<semaphore_mem>>) src(%dma_wait3A_683 : memref<1x128xf32, #tpu.memory_space<hbm>>) dst(%dma_wait3A_680 : memref<1x128xf32, #tpu.memory_space<vmem>>)
      %dma_wait3A_684 = arith.constant 6 : i32
      %dma_wait3A_685 = arith.constant 0 : i32
      %dma_wait3A_686 = arith.constant 0 : i32
      %dma_wait3A_687 = tpu.memref_slice %arg9[%dma_wait3A_684, %dma_wait3A_685, %dma_wait3A_686] : memref<8x16x128xf32, #tpu.memory_space<vmem>> -> memref<1x16x128xf32, #tpu.memory_space<vmem>>
      %dma_wait3A_688 = tpu.memref_squeeze %dma_wait3A_687 : memref<1x16x128xf32, #tpu.memory_space<vmem>> -> memref<16x128xf32, #tpu.memory_space<vmem>>
      %dma_wait3A_689 = arith.constant 0 : i32
      %dma_wait3A_690 = arith.constant 0 : i32
      %dma_wait3A_691 = tpu.memref_slice %arg4[%dma_wait3A_689, %dma_wait3A_690] : memref<16x1000000xf32, #tpu.memory_space<hbm>> -> memref<16x128xf32, #tpu.memory_space<hbm>>
      %dma_wait3A_692 = arith.constant 0 : i32
      %dma_wait3A_693 = arith.constant 0 : i32
      %dma_wait3A_694 = tpu.memref_slice %arg9[%dma_wait3A_684, %dma_wait3A_692, %dma_wait3A_693] : memref<8x16x128xf32, #tpu.memory_space<vmem>> -> memref<1x16x128xf32, #tpu.memory_space<vmem>>
      %dma_wait3A_695 = tpu.memref_squeeze %dma_wait3A_694 : memref<1x16x128xf32, #tpu.memory_space<vmem>> -> memref<16x128xf32, #tpu.memory_space<vmem>>
      %dma_wait3A_696 = arith.constant 0 : i32
      %dma_wait3A_697 = arith.constant 0 : i32
      %dma_wait3A_698 = tpu.memref_slice %arg4[%dma_wait3A_696, %dma_wait3A_697] : memref<16x1000000xf32, #tpu.memory_space<hbm>> -> memref<16x128xf32, #tpu.memory_space<hbm>>
      tpu.wait_dma2 semaphore(%arg20 : memref<!tpu.dma_semaphore, #tpu.memory_space<semaphore_mem>>) src(%dma_wait3A_698 : memref<16x128xf32, #tpu.memory_space<hbm>>) dst(%dma_wait3A_695 : memref<16x128xf32, #tpu.memory_space<vmem>>)
      %dma_wait3A_699 = arith.constant 6 : i32
      %dma_wait3A_700 = arith.constant 0 : i32
      %dma_wait3A_701 = arith.constant 0 : i32
      %dma_wait3A_702 = tpu.memref_slice %arg10[%dma_wait3A_699, %dma_wait3A_700, %dma_wait3A_701] : memref<8x1x128xf32, #tpu.memory_space<vmem>> -> memref<1x1x128xf32, #tpu.memory_space<vmem>>
      %dma_wait3A_703 = tpu.memref_squeeze %dma_wait3A_702 : memref<1x1x128xf32, #tpu.memory_space<vmem>> -> memref<1x128xf32, #tpu.memory_space<vmem>>
      %dma_wait3A_704 = arith.constant 0 : i32
      %dma_wait3A_705 = arith.constant 0 : i32
      %dma_wait3A_706 = tpu.memref_slice %arg3[%dma_wait3A_704, %dma_wait3A_705] : memref<1x1000000xf32, #tpu.memory_space<hbm>> -> memref<1x128xf32, #tpu.memory_space<hbm>>
      %dma_wait3A_707 = arith.constant 0 : i32
      %dma_wait3A_708 = arith.constant 0 : i32
      %dma_wait3A_709 = tpu.memref_slice %arg10[%dma_wait3A_699, %dma_wait3A_707, %dma_wait3A_708] : memref<8x1x128xf32, #tpu.memory_space<vmem>> -> memref<1x1x128xf32, #tpu.memory_space<vmem>>
      %dma_wait3A_710 = tpu.memref_squeeze %dma_wait3A_709 : memref<1x1x128xf32, #tpu.memory_space<vmem>> -> memref<1x128xf32, #tpu.memory_space<vmem>>
      %dma_wait3A_711 = arith.constant 0 : i32
      %dma_wait3A_712 = arith.constant 0 : i32
      %dma_wait3A_713 = tpu.memref_slice %arg3[%dma_wait3A_711, %dma_wait3A_712] : memref<1x1000000xf32, #tpu.memory_space<hbm>> -> memref<1x128xf32, #tpu.memory_space<hbm>>
      tpu.wait_dma2 semaphore(%arg21 : memref<!tpu.dma_semaphore, #tpu.memory_space<semaphore_mem>>) src(%dma_wait3A_713 : memref<1x128xf32, #tpu.memory_space<hbm>>) dst(%dma_wait3A_710 : memref<1x128xf32, #tpu.memory_space<vmem>>)
      %dma_wait3A_714 = arith.constant 7 : i32
      %dma_wait3A_715 = arith.constant 0 : i32
      %dma_wait3A_716 = arith.constant 0 : i32
      %dma_wait3A_717 = tpu.memref_slice %arg9[%dma_wait3A_714, %dma_wait3A_715, %dma_wait3A_716] : memref<8x16x128xf32, #tpu.memory_space<vmem>> -> memref<1x16x128xf32, #tpu.memory_space<vmem>>
      %dma_wait3A_718 = tpu.memref_squeeze %dma_wait3A_717 : memref<1x16x128xf32, #tpu.memory_space<vmem>> -> memref<16x128xf32, #tpu.memory_space<vmem>>
      %dma_wait3A_719 = arith.constant 0 : i32
      %dma_wait3A_720 = arith.constant 0 : i32
      %dma_wait3A_721 = tpu.memref_slice %arg4[%dma_wait3A_719, %dma_wait3A_720] : memref<16x1000000xf32, #tpu.memory_space<hbm>> -> memref<16x128xf32, #tpu.memory_space<hbm>>
      %dma_wait3A_722 = arith.constant 0 : i32
      %dma_wait3A_723 = arith.constant 0 : i32
      %dma_wait3A_724 = tpu.memref_slice %arg9[%dma_wait3A_714, %dma_wait3A_722, %dma_wait3A_723] : memref<8x16x128xf32, #tpu.memory_space<vmem>> -> memref<1x16x128xf32, #tpu.memory_space<vmem>>
      %dma_wait3A_725 = tpu.memref_squeeze %dma_wait3A_724 : memref<1x16x128xf32, #tpu.memory_space<vmem>> -> memref<16x128xf32, #tpu.memory_space<vmem>>
      %dma_wait3A_726 = arith.constant 0 : i32
      %dma_wait3A_727 = arith.constant 0 : i32
      %dma_wait3A_728 = tpu.memref_slice %arg4[%dma_wait3A_726, %dma_wait3A_727] : memref<16x1000000xf32, #tpu.memory_space<hbm>> -> memref<16x128xf32, #tpu.memory_space<hbm>>
      tpu.wait_dma2 semaphore(%arg20 : memref<!tpu.dma_semaphore, #tpu.memory_space<semaphore_mem>>) src(%dma_wait3A_728 : memref<16x128xf32, #tpu.memory_space<hbm>>) dst(%dma_wait3A_725 : memref<16x128xf32, #tpu.memory_space<vmem>>)
      %dma_wait3A_729 = arith.constant 7 : i32
      %dma_wait3A_730 = arith.constant 0 : i32
      %dma_wait3A_731 = arith.constant 0 : i32
      %dma_wait3A_732 = tpu.memref_slice %arg10[%dma_wait3A_729, %dma_wait3A_730, %dma_wait3A_731] : memref<8x1x128xf32, #tpu.memory_space<vmem>> -> memref<1x1x128xf32, #tpu.memory_space<vmem>>
      %dma_wait3A_733 = tpu.memref_squeeze %dma_wait3A_732 : memref<1x1x128xf32, #tpu.memory_space<vmem>> -> memref<1x128xf32, #tpu.memory_space<vmem>>
      %dma_wait3A_734 = arith.constant 0 : i32
      %dma_wait3A_735 = arith.constant 0 : i32
      %dma_wait3A_736 = tpu.memref_slice %arg3[%dma_wait3A_734, %dma_wait3A_735] : memref<1x1000000xf32, #tpu.memory_space<hbm>> -> memref<1x128xf32, #tpu.memory_space<hbm>>
      %dma_wait3A_737 = arith.constant 0 : i32
      %dma_wait3A_738 = arith.constant 0 : i32
      %dma_wait3A_739 = tpu.memref_slice %arg10[%dma_wait3A_729, %dma_wait3A_737, %dma_wait3A_738] : memref<8x1x128xf32, #tpu.memory_space<vmem>> -> memref<1x1x128xf32, #tpu.memory_space<vmem>>
      %dma_wait3A_740 = tpu.memref_squeeze %dma_wait3A_739 : memref<1x1x128xf32, #tpu.memory_space<vmem>> -> memref<1x128xf32, #tpu.memory_space<vmem>>
      %dma_wait3A_741 = arith.constant 0 : i32
      %dma_wait3A_742 = arith.constant 0 : i32
      %dma_wait3A_743 = tpu.memref_slice %arg3[%dma_wait3A_741, %dma_wait3A_742] : memref<1x1000000xf32, #tpu.memory_space<hbm>> -> memref<1x128xf32, #tpu.memory_space<hbm>>
      tpu.wait_dma2 semaphore(%arg21 : memref<!tpu.dma_semaphore, #tpu.memory_space<semaphore_mem>>) src(%dma_wait3A_743 : memref<1x128xf32, #tpu.memory_space<hbm>>) dst(%dma_wait3A_740 : memref<1x128xf32, #tpu.memory_space<vmem>>)
      %jit3A_744 = arith.constant 1.000000e+00 : f32
      %jit3A_745 = arith.constant 0.000000e+00 : f32
      %select_n3A_746 = arith.select %lt3A_10, %jit3A_744, %jit3A_745 : f32
      %broadcast_in_dim3A_747 = vector.broadcast %sub3A_56 : i32 to vector<16xi32>
      %broadcast_in_dim3A_748 = arith.constant 0 : i32
      %broadcast_in_dim3A_749 = vector.broadcast %broadcast_in_dim3A_748 : i32 to vector<16xi32>
      %gather3A_750 = tpu.vector_load_idx %arg9[%broadcast_in_dim3A_749, %iota3A, %broadcast_in_dim3A_747] : memref<8x16x128xf32, #tpu.memory_space<vmem>>[vector<16xi32>, vector<16xi32>, vector<16xi32>], vector<16xf32>,
      %mul3A_751 = vector.broadcast %select_n3A_746 : f32 to vector<16xf32>
      %mul3A_752 = arith.mulf %gather3A_750, %mul3A_751 : vector<16xf32>
      %swap3A = arith.constant 0 : i32
      %swap3A_753 = arith.index_cast %swap3A : i32 to index
      %swap3A_754 = arith.constant 0 : index
      %swap3A_755 = tpu.vector_load %arg11[%swap3A_753, %swap3A_754] {strides = array<i32>} : memref<8x16xf32, #tpu.memory_space<vmem>>, vector<16xf32>,
      tpu.vector_store %arg11[%swap3A_753, %swap3A_754], %mul3A_752 {strides = array<i32>} : memref<8x16xf32, #tpu.memory_space<vmem>>, vector<16xf32>,
      %add3A_756 = arith.addf %broadcast_in_dim3A_2, %mul3A_752 : vector<16xf32>
      %mul3A_757 = arith.mulf %mul3A_752, %mul3A_752 : vector<16xf32>
      %add3A_758 = arith.addf %broadcast_in_dim3A_2, %mul3A_757 : vector<16xf32>
      %broadcast_in_dim3A_759 = arith.constant 0 : i32
      %broadcast_in_dim3A_760 = vector.broadcast %broadcast_in_dim3A_759 : i32 to vector<16xi32>
      %broadcast_in_dim3A_761 = arith.constant 0 : i32
      %broadcast_in_dim3A_762 = vector.broadcast %broadcast_in_dim3A_761 : i32 to vector<16xi32>
      %gather3A_763 = tpu.vector_load_idx %arg10[%broadcast_in_dim3A_760, %broadcast_in_dim3A_762, %broadcast_in_dim3A_747] : memref<8x1x128xf32, #tpu.memory_space<vmem>>[vector<16xi32>, vector<16xi32>, vector<16xi32>], vector<16xf32>,
      %slice3A_764 = vector.extract_strided_slice %gather3A_763 {offsets = [0], sizes = [1], strides = [1]} : vector<16xf32> to vector<1xf32>
      %squeeze3A_765 = vector.extract %slice3A_764[0] : f32 from vector<1xf32>
      %mul3A_766 = arith.mulf %squeeze3A_765, %select_n3A_746 : f32
      %add3A_767 = arith.constant 0.000000e+00 : f32
      %add3A_768 = arith.addf %add3A_767, %mul3A_766 : f32
      %jit3A_769 = arith.constant 1.000000e+00 : f32
      %jit3A_770 = arith.constant 0.000000e+00 : f32
      %select_n3A_771 = arith.select %lt3A_62, %jit3A_769, %jit3A_770 : f32
      %broadcast_in_dim3A_772 = vector.broadcast %sub3A_120 : i32 to vector<16xi32>
      %broadcast_in_dim3A_773 = arith.constant 1 : i32
      %broadcast_in_dim3A_774 = vector.broadcast %broadcast_in_dim3A_773 : i32 to vector<16xi32>
      %gather3A_775 = tpu.vector_load_idx %arg9[%broadcast_in_dim3A_774, %iota3A, %broadcast_in_dim3A_772] : memref<8x16x128xf32, #tpu.memory_space<vmem>>[vector<16xi32>, vector<16xi32>, vector<16xi32>], vector<16xf32>,
      %mul3A_776 = vector.broadcast %select_n3A_771 : f32 to vector<16xf32>
      %mul3A_777 = arith.mulf %gather3A_775, %mul3A_776 : vector<16xf32>
      %swap3A_778 = arith.constant 1 : i32
      %swap3A_779 = arith.index_cast %swap3A_778 : i32 to index
      %swap3A_780 = arith.constant 0 : index
      %swap3A_781 = tpu.vector_load %arg11[%swap3A_779, %swap3A_780] {strides = array<i32>} : memref<8x16xf32, #tpu.memory_space<vmem>>, vector<16xf32>,
      tpu.vector_store %arg11[%swap3A_779, %swap3A_780], %mul3A_777 {strides = array<i32>} : memref<8x16xf32, #tpu.memory_space<vmem>>, vector<16xf32>,
      %add3A_782 = arith.addf %add3A_756, %mul3A_777 : vector<16xf32>
      %mul3A_783 = arith.mulf %mul3A_777, %mul3A_777 : vector<16xf32>
      %add3A_784 = arith.addf %add3A_758, %mul3A_783 : vector<16xf32>
      %broadcast_in_dim3A_785 = arith.constant 1 : i32
      %broadcast_in_dim3A_786 = vector.broadcast %broadcast_in_dim3A_785 : i32 to vector<16xi32>
      %broadcast_in_dim3A_787 = arith.constant 0 : i32
      %broadcast_in_dim3A_788 = vector.broadcast %broadcast_in_dim3A_787 : i32 to vector<16xi32>
      %gather3A_789 = tpu.vector_load_idx %arg10[%broadcast_in_dim3A_786, %broadcast_in_dim3A_788, %broadcast_in_dim3A_772] : memref<8x1x128xf32, #tpu.memory_space<vmem>>[vector<16xi32>, vector<16xi32>, vector<16xi32>], vector<16xf32>,
      %slice3A_790 = vector.extract_strided_slice %gather3A_789 {offsets = [0], sizes = [1], strides = [1]} : vector<16xf32> to vector<1xf32>
      %squeeze3A_791 = vector.extract %slice3A_790[0] : f32 from vector<1xf32>
      %mul3A_792 = arith.mulf %squeeze3A_791, %select_n3A_771 : f32
      %add3A_793 = arith.addf %add3A_768, %mul3A_792 : f32
      %jit3A_794 = arith.constant 1.000000e+00 : f32
      %jit3A_795 = arith.constant 0.000000e+00 : f32
      %select_n3A_796 = arith.select %lt3A_126, %jit3A_794, %jit3A_795 : f32
      %broadcast_in_dim3A_797 = vector.broadcast %sub3A_184 : i32 to vector<16xi32>
      %broadcast_in_dim3A_798 = arith.constant 2 : i32
      %broadcast_in_dim3A_799 = vector.broadcast %broadcast_in_dim3A_798 : i32 to vector<16xi32>
      %gather3A_800 = tpu.vector_load_idx %arg9[%broadcast_in_dim3A_799, %iota3A, %broadcast_in_dim3A_797] : memref<8x16x128xf32, #tpu.memory_space<vmem>>[vector<16xi32>, vector<16xi32>, vector<16xi32>], vector<16xf32>,
      %mul3A_801 = vector.broadcast %select_n3A_796 : f32 to vector<16xf32>
      %mul3A_802 = arith.mulf %gather3A_800, %mul3A_801 : vector<16xf32>
      %swap3A_803 = arith.constant 2 : i32
      %swap3A_804 = arith.index_cast %swap3A_803 : i32 to index
      %swap3A_805 = arith.constant 0 : index
      %swap3A_806 = tpu.vector_load %arg11[%swap3A_804, %swap3A_805] {strides = array<i32>} : memref<8x16xf32, #tpu.memory_space<vmem>>, vector<16xf32>,
      tpu.vector_store %arg11[%swap3A_804, %swap3A_805], %mul3A_802 {strides = array<i32>} : memref<8x16xf32, #tpu.memory_space<vmem>>, vector<16xf32>,
      %add3A_807 = arith.addf %add3A_782, %mul3A_802 : vector<16xf32>
      %mul3A_808 = arith.mulf %mul3A_802, %mul3A_802 : vector<16xf32>
      %add3A_809 = arith.addf %add3A_784, %mul3A_808 : vector<16xf32>
      %broadcast_in_dim3A_810 = arith.constant 2 : i32
      %broadcast_in_dim3A_811 = vector.broadcast %broadcast_in_dim3A_810 : i32 to vector<16xi32>
      %broadcast_in_dim3A_812 = arith.constant 0 : i32
      %broadcast_in_dim3A_813 = vector.broadcast %broadcast_in_dim3A_812 : i32 to vector<16xi32>
      %gather3A_814 = tpu.vector_load_idx %arg10[%broadcast_in_dim3A_811, %broadcast_in_dim3A_813, %broadcast_in_dim3A_797] : memref<8x1x128xf32, #tpu.memory_space<vmem>>[vector<16xi32>, vector<16xi32>, vector<16xi32>], vector<16xf32>,
      %slice3A_815 = vector.extract_strided_slice %gather3A_814 {offsets = [0], sizes = [1], strides = [1]} : vector<16xf32> to vector<1xf32>
      %squeeze3A_816 = vector.extract %slice3A_815[0] : f32 from vector<1xf32>
      %mul3A_817 = arith.mulf %squeeze3A_816, %select_n3A_796 : f32
      %add3A_818 = arith.addf %add3A_793, %mul3A_817 : f32
      %jit3A_819 = arith.constant 1.000000e+00 : f32
      %jit3A_820 = arith.constant 0.000000e+00 : f32
      %select_n3A_821 = arith.select %lt3A_190, %jit3A_819, %jit3A_820 : f32
      %broadcast_in_dim3A_822 = vector.broadcast %sub3A_248 : i32 to vector<16xi32>
      %broadcast_in_dim3A_823 = arith.constant 3 : i32
      %broadcast_in_dim3A_824 = vector.broadcast %broadcast_in_dim3A_823 : i32 to vector<16xi32>
      %gather3A_825 = tpu.vector_load_idx %arg9[%broadcast_in_dim3A_824, %iota3A, %broadcast_in_dim3A_822] : memref<8x16x128xf32, #tpu.memory_space<vmem>>[vector<16xi32>, vector<16xi32>, vector<16xi32>], vector<16xf32>,
      %mul3A_826 = vector.broadcast %select_n3A_821 : f32 to vector<16xf32>
      %mul3A_827 = arith.mulf %gather3A_825, %mul3A_826 : vector<16xf32>
      %swap3A_828 = arith.constant 3 : i32
      %swap3A_829 = arith.index_cast %swap3A_828 : i32 to index
      %swap3A_830 = arith.constant 0 : index
      %swap3A_831 = tpu.vector_load %arg11[%swap3A_829, %swap3A_830] {strides = array<i32>} : memref<8x16xf32, #tpu.memory_space<vmem>>, vector<16xf32>,
      tpu.vector_store %arg11[%swap3A_829, %swap3A_830], %mul3A_827 {strides = array<i32>} : memref<8x16xf32, #tpu.memory_space<vmem>>, vector<16xf32>,
      %add3A_832 = arith.addf %add3A_807, %mul3A_827 : vector<16xf32>
      %mul3A_833 = arith.mulf %mul3A_827, %mul3A_827 : vector<16xf32>
      %add3A_834 = arith.addf %add3A_809, %mul3A_833 : vector<16xf32>
      %broadcast_in_dim3A_835 = arith.constant 3 : i32
      %broadcast_in_dim3A_836 = vector.broadcast %broadcast_in_dim3A_835 : i32 to vector<16xi32>
      %broadcast_in_dim3A_837 = arith.constant 0 : i32
      %broadcast_in_dim3A_838 = vector.broadcast %broadcast_in_dim3A_837 : i32 to vector<16xi32>
      %gather3A_839 = tpu.vector_load_idx %arg10[%broadcast_in_dim3A_836, %broadcast_in_dim3A_838, %broadcast_in_dim3A_822] : memref<8x1x128xf32, #tpu.memory_space<vmem>>[vector<16xi32>, vector<16xi32>, vector<16xi32>], vector<16xf32>,
      %slice3A_840 = vector.extract_strided_slice %gather3A_839 {offsets = [0], sizes = [1], strides = [1]} : vector<16xf32> to vector<1xf32>
      %squeeze3A_841 = vector.extract %slice3A_840[0] : f32 from vector<1xf32>
      %mul3A_842 = arith.mulf %squeeze3A_841, %select_n3A_821 : f32
      %add3A_843 = arith.addf %add3A_818, %mul3A_842 : f32
      %jit3A_844 = arith.constant 1.000000e+00 : f32
      %jit3A_845 = arith.constant 0.000000e+00 : f32
      %select_n3A_846 = arith.select %lt3A_254, %jit3A_844, %jit3A_845 : f32
      %broadcast_in_dim3A_847 = vector.broadcast %sub3A_312 : i32 to vector<16xi32>
      %broadcast_in_dim3A_848 = arith.constant 4 : i32
      %broadcast_in_dim3A_849 = vector.broadcast %broadcast_in_dim3A_848 : i32 to vector<16xi32>
      %gather3A_850 = tpu.vector_load_idx %arg9[%broadcast_in_dim3A_849, %iota3A, %broadcast_in_dim3A_847] : memref<8x16x128xf32, #tpu.memory_space<vmem>>[vector<16xi32>, vector<16xi32>, vector<16xi32>], vector<16xf32>,
      %mul3A_851 = vector.broadcast %select_n3A_846 : f32 to vector<16xf32>
      %mul3A_852 = arith.mulf %gather3A_850, %mul3A_851 : vector<16xf32>
      %swap3A_853 = arith.constant 4 : i32
      %swap3A_854 = arith.index_cast %swap3A_853 : i32 to index
      %swap3A_855 = arith.constant 0 : index
      %swap3A_856 = tpu.vector_load %arg11[%swap3A_854, %swap3A_855] {strides = array<i32>} : memref<8x16xf32, #tpu.memory_space<vmem>>, vector<16xf32>,
      tpu.vector_store %arg11[%swap3A_854, %swap3A_855], %mul3A_852 {strides = array<i32>} : memref<8x16xf32, #tpu.memory_space<vmem>>, vector<16xf32>,
      %add3A_857 = arith.addf %add3A_832, %mul3A_852 : vector<16xf32>
      %mul3A_858 = arith.mulf %mul3A_852, %mul3A_852 : vector<16xf32>
      %add3A_859 = arith.addf %add3A_834, %mul3A_858 : vector<16xf32>
      %broadcast_in_dim3A_860 = arith.constant 4 : i32
      %broadcast_in_dim3A_861 = vector.broadcast %broadcast_in_dim3A_860 : i32 to vector<16xi32>
      %broadcast_in_dim3A_862 = arith.constant 0 : i32
      %broadcast_in_dim3A_863 = vector.broadcast %broadcast_in_dim3A_862 : i32 to vector<16xi32>
      %gather3A_864 = tpu.vector_load_idx %arg10[%broadcast_in_dim3A_861, %broadcast_in_dim3A_863, %broadcast_in_dim3A_847] : memref<8x1x128xf32, #tpu.memory_space<vmem>>[vector<16xi32>, vector<16xi32>, vector<16xi32>], vector<16xf32>,
      %slice3A_865 = vector.extract_strided_slice %gather3A_864 {offsets = [0], sizes = [1], strides = [1]} : vector<16xf32> to vector<1xf32>
      %squeeze3A_866 = vector.extract %slice3A_865[0] : f32 from vector<1xf32>
      %mul3A_867 = arith.mulf %squeeze3A_866, %select_n3A_846 : f32
      %add3A_868 = arith.addf %add3A_843, %mul3A_867 : f32
      %jit3A_869 = arith.constant 1.000000e+00 : f32
      %jit3A_870 = arith.constant 0.000000e+00 : f32
      %select_n3A_871 = arith.select %lt3A_318, %jit3A_869, %jit3A_870 : f32
      %broadcast_in_dim3A_872 = vector.broadcast %sub3A_376 : i32 to vector<16xi32>
      %broadcast_in_dim3A_873 = arith.constant 5 : i32
      %broadcast_in_dim3A_874 = vector.broadcast %broadcast_in_dim3A_873 : i32 to vector<16xi32>
      %gather3A_875 = tpu.vector_load_idx %arg9[%broadcast_in_dim3A_874, %iota3A, %broadcast_in_dim3A_872] : memref<8x16x128xf32, #tpu.memory_space<vmem>>[vector<16xi32>, vector<16xi32>, vector<16xi32>], vector<16xf32>,
      %mul3A_876 = vector.broadcast %select_n3A_871 : f32 to vector<16xf32>
      %mul3A_877 = arith.mulf %gather3A_875, %mul3A_876 : vector<16xf32>
      %swap3A_878 = arith.constant 5 : i32
      %swap3A_879 = arith.index_cast %swap3A_878 : i32 to index
      %swap3A_880 = arith.constant 0 : index
      %swap3A_881 = tpu.vector_load %arg11[%swap3A_879, %swap3A_880] {strides = array<i32>} : memref<8x16xf32, #tpu.memory_space<vmem>>, vector<16xf32>,
      tpu.vector_store %arg11[%swap3A_879, %swap3A_880], %mul3A_877 {strides = array<i32>} : memref<8x16xf32, #tpu.memory_space<vmem>>, vector<16xf32>,
      %add3A_882 = arith.addf %add3A_857, %mul3A_877 : vector<16xf32>
      %mul3A_883 = arith.mulf %mul3A_877, %mul3A_877 : vector<16xf32>
      %add3A_884 = arith.addf %add3A_859, %mul3A_883 : vector<16xf32>
      %broadcast_in_dim3A_885 = arith.constant 5 : i32
      %broadcast_in_dim3A_886 = vector.broadcast %broadcast_in_dim3A_885 : i32 to vector<16xi32>
      %broadcast_in_dim3A_887 = arith.constant 0 : i32
      %broadcast_in_dim3A_888 = vector.broadcast %broadcast_in_dim3A_887 : i32 to vector<16xi32>
      %gather3A_889 = tpu.vector_load_idx %arg10[%broadcast_in_dim3A_886, %broadcast_in_dim3A_888, %broadcast_in_dim3A_872] : memref<8x1x128xf32, #tpu.memory_space<vmem>>[vector<16xi32>, vector<16xi32>, vector<16xi32>], vector<16xf32>,
      %slice3A_890 = vector.extract_strided_slice %gather3A_889 {offsets = [0], sizes = [1], strides = [1]} : vector<16xf32> to vector<1xf32>
      %squeeze3A_891 = vector.extract %slice3A_890[0] : f32 from vector<1xf32>
      %mul3A_892 = arith.mulf %squeeze3A_891, %select_n3A_871 : f32
      %add3A_893 = arith.addf %add3A_868, %mul3A_892 : f32
      %jit3A_894 = arith.constant 1.000000e+00 : f32
      %jit3A_895 = arith.constant 0.000000e+00 : f32
      %select_n3A_896 = arith.select %lt3A_382, %jit3A_894, %jit3A_895 : f32
      %broadcast_in_dim3A_897 = vector.broadcast %sub3A_440 : i32 to vector<16xi32>
      %broadcast_in_dim3A_898 = arith.constant 6 : i32
      %broadcast_in_dim3A_899 = vector.broadcast %broadcast_in_dim3A_898 : i32 to vector<16xi32>
      %gather3A_900 = tpu.vector_load_idx %arg9[%broadcast_in_dim3A_899, %iota3A, %broadcast_in_dim3A_897] : memref<8x16x128xf32, #tpu.memory_space<vmem>>[vector<16xi32>, vector<16xi32>, vector<16xi32>], vector<16xf32>,
      %mul3A_901 = vector.broadcast %select_n3A_896 : f32 to vector<16xf32>
      %mul3A_902 = arith.mulf %gather3A_900, %mul3A_901 : vector<16xf32>
      %swap3A_903 = arith.constant 6 : i32
      %swap3A_904 = arith.index_cast %swap3A_903 : i32 to index
      %swap3A_905 = arith.constant 0 : index
      %swap3A_906 = tpu.vector_load %arg11[%swap3A_904, %swap3A_905] {strides = array<i32>} : memref<8x16xf32, #tpu.memory_space<vmem>>, vector<16xf32>,
      tpu.vector_store %arg11[%swap3A_904, %swap3A_905], %mul3A_902 {strides = array<i32>} : memref<8x16xf32, #tpu.memory_space<vmem>>, vector<16xf32>,
      %add3A_907 = arith.addf %add3A_882, %mul3A_902 : vector<16xf32>
      %mul3A_908 = arith.mulf %mul3A_902, %mul3A_902 : vector<16xf32>
      %add3A_909 = arith.addf %add3A_884, %mul3A_908 : vector<16xf32>
      %broadcast_in_dim3A_910 = arith.constant 6 : i32
      %broadcast_in_dim3A_911 = vector.broadcast %broadcast_in_dim3A_910 : i32 to vector<16xi32>
      %broadcast_in_dim3A_912 = arith.constant 0 : i32
      %broadcast_in_dim3A_913 = vector.broadcast %broadcast_in_dim3A_912 : i32 to vector<16xi32>
      %gather3A_914 = tpu.vector_load_idx %arg10[%broadcast_in_dim3A_911, %broadcast_in_dim3A_913, %broadcast_in_dim3A_897] : memref<8x1x128xf32, #tpu.memory_space<vmem>>[vector<16xi32>, vector<16xi32>, vector<16xi32>], vector<16xf32>,
      %slice3A_915 = vector.extract_strided_slice %gather3A_914 {offsets = [0], sizes = [1], strides = [1]} : vector<16xf32> to vector<1xf32>
      %squeeze3A_916 = vector.extract %slice3A_915[0] : f32 from vector<1xf32>
      %mul3A_917 = arith.mulf %squeeze3A_916, %select_n3A_896 : f32
      %add3A_918 = arith.addf %add3A_893, %mul3A_917 : f32
      %jit3A_919 = arith.constant 1.000000e+00 : f32
      %jit3A_920 = arith.constant 0.000000e+00 : f32
      %select_n3A_921 = arith.select %lt3A_446, %jit3A_919, %jit3A_920 : f32
      %broadcast_in_dim3A_922 = vector.broadcast %sub3A_504 : i32 to vector<16xi32>
      %broadcast_in_dim3A_923 = arith.constant 7 : i32
      %broadcast_in_dim3A_924 = vector.broadcast %broadcast_in_dim3A_923 : i32 to vector<16xi32>
      %gather3A_925 = tpu.vector_load_idx %arg9[%broadcast_in_dim3A_924, %iota3A, %broadcast_in_dim3A_922] : memref<8x16x128xf32, #tpu.memory_space<vmem>>[vector<16xi32>, vector<16xi32>, vector<16xi32>], vector<16xf32>,
      %mul3A_926 = vector.broadcast %select_n3A_921 : f32 to vector<16xf32>
      %mul3A_927 = arith.mulf %gather3A_925, %mul3A_926 : vector<16xf32>
      %swap3A_928 = arith.constant 7 : i32
      %swap3A_929 = arith.index_cast %swap3A_928 : i32 to index
      %swap3A_930 = arith.constant 0 : index
      %swap3A_931 = tpu.vector_load %arg11[%swap3A_929, %swap3A_930] {strides = array<i32>} : memref<8x16xf32, #tpu.memory_space<vmem>>, vector<16xf32>,
      tpu.vector_store %arg11[%swap3A_929, %swap3A_930], %mul3A_927 {strides = array<i32>} : memref<8x16xf32, #tpu.memory_space<vmem>>, vector<16xf32>,
      %add3A_932 = arith.addf %add3A_907, %mul3A_927 : vector<16xf32>
      %mul3A_933 = arith.mulf %mul3A_927, %mul3A_927 : vector<16xf32>
      %add3A_934 = arith.addf %add3A_909, %mul3A_933 : vector<16xf32>
      %broadcast_in_dim3A_935 = arith.constant 7 : i32
      %broadcast_in_dim3A_936 = vector.broadcast %broadcast_in_dim3A_935 : i32 to vector<16xi32>
      %broadcast_in_dim3A_937 = arith.constant 0 : i32
      %broadcast_in_dim3A_938 = vector.broadcast %broadcast_in_dim3A_937 : i32 to vector<16xi32>
      %gather3A_939 = tpu.vector_load_idx %arg10[%broadcast_in_dim3A_936, %broadcast_in_dim3A_938, %broadcast_in_dim3A_922] : memref<8x1x128xf32, #tpu.memory_space<vmem>>[vector<16xi32>, vector<16xi32>, vector<16xi32>], vector<16xf32>,
      %slice3A_940 = vector.extract_strided_slice %gather3A_939 {offsets = [0], sizes = [1], strides = [1]} : vector<16xf32> to vector<1xf32>
      %squeeze3A_941 = vector.extract %slice3A_940[0] : f32 from vector<1xf32>
      %mul3A_942 = arith.mulf %squeeze3A_941, %select_n3A_921 : f32
      %add3A_943 = arith.addf %add3A_918, %mul3A_942 : f32
      %swap3A_944 = arith.constant 0 : i32
      %swap3A_945 = arith.index_cast %swap3A_944 : i32 to index
      %swap3A_946 = arith.constant 0 : index
      %swap3A_947 = tpu.vector_load %arg12[%swap3A_945, %swap3A_946] {strides = array<i32>} : memref<4x16xf32, #tpu.memory_space<vmem>>, vector<16xf32>,
      tpu.vector_store %arg12[%swap3A_945, %swap3A_946], %add3A_932 {strides = array<i32>} : memref<4x16xf32, #tpu.memory_space<vmem>>, vector<16xf32>,
      %swap3A_948 = arith.constant 1 : i32
      %swap3A_949 = arith.index_cast %swap3A_948 : i32 to index
      %swap3A_950 = arith.constant 0 : index
      %swap3A_951 = tpu.vector_load %arg12[%swap3A_949, %swap3A_950] {strides = array<i32>} : memref<4x16xf32, #tpu.memory_space<vmem>>, vector<16xf32>,
      tpu.vector_store %arg12[%swap3A_949, %swap3A_950], %add3A_934 {strides = array<i32>} : memref<4x16xf32, #tpu.memory_space<vmem>>, vector<16xf32>,
      %eq3A_952 = arith.constant 0 : i32
      %eq3A_953 = vector.broadcast %eq3A_952 : i32 to vector<16xi32>
      %eq3A_954 = arith.cmpi eq, %iota3A, %eq3A_953 : vector<16xi32>
      %jit3A_955 = arith.constant 0.000000e+00 : f32
      %broadcast_in_dim3A_956 = vector.broadcast %add3A_943 : f32 to vector<16xf32>
      %broadcast_in_dim3A_957 = vector.broadcast %jit3A_955 : f32 to vector<16xf32>
      %select_n3A_958 = arith.select %eq3A_954, %broadcast_in_dim3A_956, %broadcast_in_dim3A_957 : vector<16xi1>, vector<16xf32>
      %swap3A_959 = arith.constant 2 : i32
      %swap3A_960 = arith.index_cast %swap3A_959 : i32 to index
      %swap3A_961 = arith.constant 0 : index
      %swap3A_962 = tpu.vector_load %arg12[%swap3A_960, %swap3A_961] {strides = array<i32>} : memref<4x16xf32, #tpu.memory_space<vmem>>, vector<16xf32>,
      tpu.vector_store %arg12[%swap3A_960, %swap3A_961], %select_n3A_958 {strides = array<i32>} : memref<4x16xf32, #tpu.memory_space<vmem>>, vector<16xf32>,
      "tpu.region"() ({
        %run_scoped3A = tpu.sem_alloc : memref<!tpu.dma_semaphore, #tpu.memory_space<semaphore_mem>>
        %dma_start3A_994 = arith.constant 0 : i32
        %dma_start3A_995 = arith.constant 0 : i32
        %dma_start3A_996 = tpu.memref_slice %arg12[%dma_start3A_994, %dma_start3A_995] : memref<4x16xf32, #tpu.memory_space<vmem>> -> memref<3x16xf32, #tpu.memory_space<vmem>>
        %dma_start3A_997 = arith.constant 0 : i32
        %dma_start3A_998 = arith.constant 0 : i32
        %dma_start3A_999 = tpu.memref_slice %arg19[%arg1, %dma_start3A_997, %dma_start3A_998] : memref<16x4x16xf32, #tpu.memory_space<vmem_shared>> -> memref<1x3x16xf32, #tpu.memory_space<vmem_shared>>
        %dma_start3A_1000 = tpu.memref_squeeze %dma_start3A_999 : memref<1x3x16xf32, #tpu.memory_space<vmem_shared>> -> memref<3x16xf32, #tpu.memory_space<vmem_shared>>
        %dma_start3A_1001 = arith.constant 0 : i32
        %dma_start3A_1002 = arith.constant 0 : i32
        %dma_start3A_1003 = tpu.memref_slice %arg19[%arg1, %dma_start3A_1001, %dma_start3A_1002] : memref<16x4x16xf32, #tpu.memory_space<vmem_shared>> -> memref<1x3x16xf32, #tpu.memory_space<vmem_shared>>
        %dma_start3A_1004 = tpu.memref_squeeze %dma_start3A_1003 : memref<1x3x16xf32, #tpu.memory_space<vmem_shared>> -> memref<3x16xf32, #tpu.memory_space<vmem_shared>>
        %dma_start3A_1005 = arith.constant 0 : i32
        %dma_start3A_1006 = arith.constant 0 : i32
        %dma_start3A_1007 = tpu.memref_slice %arg12[%dma_start3A_1005, %dma_start3A_1006] : memref<4x16xf32, #tpu.memory_space<vmem>> -> memref<3x16xf32, #tpu.memory_space<vmem>>
        tpu.enqueue_dma source(%dma_start3A_1007 : memref<3x16xf32, #tpu.memory_space<vmem>>) target(%dma_start3A_1004 : memref<3x16xf32, #tpu.memory_space<vmem_shared>>) target_semaphore(%run_scoped3A : memref<!tpu.dma_semaphore, #tpu.memory_space<semaphore_mem>>)
        %dma_wait3A_1008 = arith.constant 0 : i32
        %dma_wait3A_1009 = arith.constant 0 : i32
        %dma_wait3A_1010 = tpu.memref_slice %arg12[%dma_wait3A_1008, %dma_wait3A_1009] : memref<4x16xf32, #tpu.memory_space<vmem>> -> memref<3x16xf32, #tpu.memory_space<vmem>>
        %dma_wait3A_1011 = arith.constant 0 : i32
        %dma_wait3A_1012 = arith.constant 0 : i32
        %dma_wait3A_1013 = tpu.memref_slice %arg19[%arg1, %dma_wait3A_1011, %dma_wait3A_1012] : memref<16x4x16xf32, #tpu.memory_space<vmem_shared>> -> memref<1x3x16xf32, #tpu.memory_space<vmem_shared>>
        %dma_wait3A_1014 = tpu.memref_squeeze %dma_wait3A_1013 : memref<1x3x16xf32, #tpu.memory_space<vmem_shared>> -> memref<3x16xf32, #tpu.memory_space<vmem_shared>>
        %dma_wait3A_1015 = arith.constant 0 : i32
        %dma_wait3A_1016 = arith.constant 0 : i32
        %dma_wait3A_1017 = tpu.memref_slice %arg19[%arg1, %dma_wait3A_1015, %dma_wait3A_1016] : memref<16x4x16xf32, #tpu.memory_space<vmem_shared>> -> memref<1x3x16xf32, #tpu.memory_space<vmem_shared>>
        %dma_wait3A_1018 = tpu.memref_squeeze %dma_wait3A_1017 : memref<1x3x16xf32, #tpu.memory_space<vmem_shared>> -> memref<3x16xf32, #tpu.memory_space<vmem_shared>>
        %dma_wait3A_1019 = arith.constant 0 : i32
        %dma_wait3A_1020 = arith.constant 0 : i32
        %dma_wait3A_1021 = tpu.memref_slice %arg12[%dma_wait3A_1019, %dma_wait3A_1020] : memref<4x16xf32, #tpu.memory_space<vmem>> -> memref<3x16xf32, #tpu.memory_space<vmem>>
        tpu.wait_dma2 semaphore(%run_scoped3A : memref<!tpu.dma_semaphore, #tpu.memory_space<semaphore_mem>>) src(%dma_wait3A_1021 : memref<3x16xf32, #tpu.memory_space<vmem>>) dst(%dma_wait3A_1018 : memref<3x16xf32, #tpu.memory_space<vmem_shared>>)
        tpu.yield
      }) : () -> ()
      %lt3A_963 = arith.constant 13 : i32
      %lt3A_964 = arith.cmpi slt, %arg1, %lt3A_963 : i32
      %convert_element_type3A_965 = arith.extui %lt3A_964 : i1 to i32
      %cond3A_966 = arith.constant 0 : i32
      %cond3A_967 = arith.cmpi ne, %convert_element_type3A_965, %cond3A_966 : i32
      scf.if %cond3A_967 {
        %mul3A_994 = arith.constant 8 : i32
        %mul3A_995 = arith.muli %arg1, %mul3A_994 : i32
        "tpu.region"() ({
          %run_scoped3A = tpu.sem_alloc : memref<!tpu.dma_semaphore, #tpu.memory_space<semaphore_mem>>
          %dma_start3A_996 = arith.constant 0 : i32
          %dma_start3A_997 = tpu.memref_slice %arg18[%mul3A_995, %dma_start3A_996] : memref<112x16xf32, #tpu.memory_space<vmem_shared>> -> memref<8x16xf32, #tpu.memory_space<vmem_shared>>
          %dma_start3A_998 = arith.constant 0 : i32
          %dma_start3A_999 = tpu.memref_slice %arg18[%mul3A_995, %dma_start3A_998] : memref<112x16xf32, #tpu.memory_space<vmem_shared>> -> memref<8x16xf32, #tpu.memory_space<vmem_shared>>
          tpu.enqueue_dma source(%arg11 : memref<8x16xf32, #tpu.memory_space<vmem>>) target(%dma_start3A_999 : memref<8x16xf32, #tpu.memory_space<vmem_shared>>) target_semaphore(%run_scoped3A : memref<!tpu.dma_semaphore, #tpu.memory_space<semaphore_mem>>)
          %dma_wait3A_1000 = arith.constant 0 : i32
          %dma_wait3A_1001 = tpu.memref_slice %arg18[%mul3A_995, %dma_wait3A_1000] : memref<112x16xf32, #tpu.memory_space<vmem_shared>> -> memref<8x16xf32, #tpu.memory_space<vmem_shared>>
          %dma_wait3A_1002 = arith.constant 0 : i32
          %dma_wait3A_1003 = tpu.memref_slice %arg18[%mul3A_995, %dma_wait3A_1002] : memref<112x16xf32, #tpu.memory_space<vmem_shared>> -> memref<8x16xf32, #tpu.memory_space<vmem_shared>>
          tpu.wait_dma2 semaphore(%run_scoped3A : memref<!tpu.dma_semaphore, #tpu.memory_space<semaphore_mem>>) src(%arg11 : memref<8x16xf32, #tpu.memory_space<vmem>>) dst(%dma_wait3A_1003 : memref<8x16xf32, #tpu.memory_space<vmem_shared>>)
          tpu.yield
        }) : () -> ()
      } else {
      }
      tpu.wait_dma2 semaphore(%arg22 : memref<!tpu.dma_semaphore, #tpu.memory_space<semaphore_mem>>) src(%arg5 : memref<10x1600xf32, #tpu.memory_space<hbm>>) dst(%arg15 : memref<10x1600xf32, #tpu.memory_space<vmem>>)
      %barrier3A = arith.constant 0 : index
      tpu.barrier barrier_id(%barrier3A)
      "tpu.region"() ({
        %run_scoped3A = tpu.sem_alloc : memref<!tpu.dma_semaphore, #tpu.memory_space<semaphore_mem>>
        tpu.enqueue_dma source(%arg18 : memref<112x16xf32, #tpu.memory_space<vmem_shared>>) target(%arg14 : memref<112x16xf32, #tpu.memory_space<vmem>>) target_semaphore(%run_scoped3A : memref<!tpu.dma_semaphore, #tpu.memory_space<semaphore_mem>>)
        tpu.wait_dma2 semaphore(%run_scoped3A : memref<!tpu.dma_semaphore, #tpu.memory_space<semaphore_mem>>) src(%arg18 : memref<112x16xf32, #tpu.memory_space<vmem_shared>>) dst(%arg14 : memref<112x16xf32, #tpu.memory_space<vmem>>)
        tpu.yield
      }) : () -> ()
      %min3A_968 = arith.constant 9 : i32
      %min3A_969 = arith.minsi %arg1, %min3A_968 : i32
      %scan3A = arith.constant 0 : i32
      %scan3A_970 = arith.constant 100 : i32
      %scan3A_971 = arith.addi %scan3A, %scan3A_970 : i32
      %scan3A_972 = arith.constant 1 : i32
      %scan3A_973 = scf.for %scan3A_994 = %scan3A to %scan3A_971 step %scan3A_972 iter_args(%scan3A_995 = %broadcast_in_dim3A_2) -> (vector<16xf32>)  : i32 {
        %get3A = arith.index_cast %scan3A_994 : i32 to index
        %get3A_996 = arith.constant 0 : index
        %get3A_997 = tpu.vector_load %arg14[%get3A, %get3A_996] {strides = array<i32>} : memref<112x16xf32, #tpu.memory_space<vmem>>, vector<16xf32>,
        %mul3A_998 = arith.constant 16 : i32
        %mul3A_999 = arith.muli %scan3A_994, %mul3A_998 : i32
        %get3A_1000 = arith.index_cast %min3A_969 : i32 to index
        %get3A_1001 = arith.index_cast %mul3A_999 : i32 to index
        %get3A_1002 = tpu.vector_load %arg15[%get3A_1000, %get3A_1001] {strides = array<i32>} : memref<10x1600xf32, #tpu.memory_space<vmem>>, vector<16xf32>,
        %mul3A_1003 = arith.mulf %get3A_997, %get3A_1002 : vector<16xf32>
        %add3A_1004 = arith.addf %scan3A_995, %mul3A_1003 : vector<16xf32>
        scf.yield %add3A_1004 : vector<16xf32>
      }
      %scan3A_974 = arith.constant 100 : i32
      %reduce_sum3A = arith.constant true
      %reduce_sum3A_975 = vector.broadcast %reduce_sum3A : i1 to vector<16xi1>
      %reduce_sum3A_976 = tpu.scan <sum>, %scan3A_973 masked %reduce_sum3A_975 : vector<16xf32>, vector<16xi1> -> vector<16xf32>
      %reduce_sum3A_977 = vector.extract %reduce_sum3A_976[15] : f32 from vector<16xf32>
      %eq3A_978 = vector.broadcast %arg1 : i32 to vector<16xi32>
      %eq3A_979 = arith.cmpi eq, %iota3A, %eq3A_978 : vector<16xi32>
      %jit3A_980 = arith.constant 0.000000e+00 : f32
      %broadcast_in_dim3A_981 = vector.broadcast %reduce_sum3A_977 : f32 to vector<16xf32>
      %broadcast_in_dim3A_982 = vector.broadcast %jit3A_980 : f32 to vector<16xf32>
      %select_n3A_983 = arith.select %eq3A_979, %broadcast_in_dim3A_981, %broadcast_in_dim3A_982 : vector<16xi1>, vector<16xf32>
      %swap3A_984 = arith.constant 3 : i32
      %swap3A_985 = arith.index_cast %swap3A_984 : i32 to index
      %swap3A_986 = arith.constant 0 : index
      %swap3A_987 = tpu.vector_load %arg12[%swap3A_985, %swap3A_986] {strides = array<i32>} : memref<4x16xf32, #tpu.memory_space<vmem>>, vector<16xf32>,
      tpu.vector_store %arg12[%swap3A_985, %swap3A_986], %select_n3A_983 {strides = array<i32>} : memref<4x16xf32, #tpu.memory_space<vmem>>, vector<16xf32>,
      "tpu.region"() ({
        %run_scoped3A = tpu.sem_alloc : memref<!tpu.dma_semaphore, #tpu.memory_space<semaphore_mem>>
        %dma_start3A_994 = arith.constant 3 : i32
        %dma_start3A_995 = arith.constant 0 : i32
        %dma_start3A_996 = tpu.memref_slice %arg12[%dma_start3A_994, %dma_start3A_995] : memref<4x16xf32, #tpu.memory_space<vmem>> -> memref<1x16xf32, #tpu.memory_space<vmem>>
        %dma_start3A_997 = arith.constant 3 : i32
        %dma_start3A_998 = arith.constant 0 : i32
        %dma_start3A_999 = tpu.memref_slice %arg19[%arg1, %dma_start3A_997, %dma_start3A_998] : memref<16x4x16xf32, #tpu.memory_space<vmem_shared>> -> memref<1x1x16xf32, #tpu.memory_space<vmem_shared>>
        %dma_start3A_1000 = tpu.memref_squeeze %dma_start3A_999 : memref<1x1x16xf32, #tpu.memory_space<vmem_shared>> -> memref<1x16xf32, #tpu.memory_space<vmem_shared>>
        %dma_start3A_1001 = arith.constant 3 : i32
        %dma_start3A_1002 = arith.constant 0 : i32
        %dma_start3A_1003 = tpu.memref_slice %arg19[%arg1, %dma_start3A_1001, %dma_start3A_1002] : memref<16x4x16xf32, #tpu.memory_space<vmem_shared>> -> memref<1x1x16xf32, #tpu.memory_space<vmem_shared>>
        %dma_start3A_1004 = tpu.memref_squeeze %dma_start3A_1003 : memref<1x1x16xf32, #tpu.memory_space<vmem_shared>> -> memref<1x16xf32, #tpu.memory_space<vmem_shared>>
        %dma_start3A_1005 = arith.constant 3 : i32
        %dma_start3A_1006 = arith.constant 0 : i32
        %dma_start3A_1007 = tpu.memref_slice %arg12[%dma_start3A_1005, %dma_start3A_1006] : memref<4x16xf32, #tpu.memory_space<vmem>> -> memref<1x16xf32, #tpu.memory_space<vmem>>
        tpu.enqueue_dma source(%dma_start3A_1007 : memref<1x16xf32, #tpu.memory_space<vmem>>) target(%dma_start3A_1004 : memref<1x16xf32, #tpu.memory_space<vmem_shared>>) target_semaphore(%run_scoped3A : memref<!tpu.dma_semaphore, #tpu.memory_space<semaphore_mem>>)
        %dma_wait3A_1008 = arith.constant 3 : i32
        %dma_wait3A_1009 = arith.constant 0 : i32
        %dma_wait3A_1010 = tpu.memref_slice %arg12[%dma_wait3A_1008, %dma_wait3A_1009] : memref<4x16xf32, #tpu.memory_space<vmem>> -> memref<1x16xf32, #tpu.memory_space<vmem>>
        %dma_wait3A_1011 = arith.constant 3 : i32
        %dma_wait3A_1012 = arith.constant 0 : i32
        %dma_wait3A_1013 = tpu.memref_slice %arg19[%arg1, %dma_wait3A_1011, %dma_wait3A_1012] : memref<16x4x16xf32, #tpu.memory_space<vmem_shared>> -> memref<1x1x16xf32, #tpu.memory_space<vmem_shared>>
        %dma_wait3A_1014 = tpu.memref_squeeze %dma_wait3A_1013 : memref<1x1x16xf32, #tpu.memory_space<vmem_shared>> -> memref<1x16xf32, #tpu.memory_space<vmem_shared>>
        %dma_wait3A_1015 = arith.constant 3 : i32
        %dma_wait3A_1016 = arith.constant 0 : i32
        %dma_wait3A_1017 = tpu.memref_slice %arg19[%arg1, %dma_wait3A_1015, %dma_wait3A_1016] : memref<16x4x16xf32, #tpu.memory_space<vmem_shared>> -> memref<1x1x16xf32, #tpu.memory_space<vmem_shared>>
        %dma_wait3A_1018 = tpu.memref_squeeze %dma_wait3A_1017 : memref<1x1x16xf32, #tpu.memory_space<vmem_shared>> -> memref<1x16xf32, #tpu.memory_space<vmem_shared>>
        %dma_wait3A_1019 = arith.constant 3 : i32
        %dma_wait3A_1020 = arith.constant 0 : i32
        %dma_wait3A_1021 = tpu.memref_slice %arg12[%dma_wait3A_1019, %dma_wait3A_1020] : memref<4x16xf32, #tpu.memory_space<vmem>> -> memref<1x16xf32, #tpu.memory_space<vmem>>
        tpu.wait_dma2 semaphore(%run_scoped3A : memref<!tpu.dma_semaphore, #tpu.memory_space<semaphore_mem>>) src(%dma_wait3A_1021 : memref<1x16xf32, #tpu.memory_space<vmem>>) dst(%dma_wait3A_1018 : memref<1x16xf32, #tpu.memory_space<vmem_shared>>)
        tpu.yield
      }) : () -> ()
      tpu.wait_dma2 semaphore(%arg23 : memref<!tpu.dma_semaphore, #tpu.memory_space<semaphore_mem>>) src(%arg6 : memref<112xf32, #tpu.memory_space<hbm>>) dst(%arg16 : memref<112xf32, #tpu.memory_space<vmem>>)
      %barrier3A_988 = arith.constant 0 : index
      tpu.barrier barrier_id(%barrier3A_988)
      %eq3A_989 = arith.constant 0 : i32
      %eq3A_990 = arith.cmpi eq, %arg1, %eq3A_989 : i32
      %convert_element_type3A_991 = arith.extui %eq3A_990 : i1 to i32
      %cond3A_992 = arith.constant 0 : i32
      %cond3A_993 = arith.cmpi ne, %convert_element_type3A_991, %cond3A_992 : i32
      scf.if %cond3A_993 {
        "tpu.region"() ({
          %run_scoped3A = tpu.sem_alloc : memref<!tpu.dma_semaphore, #tpu.memory_space<semaphore_mem>>
          tpu.enqueue_dma source(%arg19 : memref<16x4x16xf32, #tpu.memory_space<vmem_shared>>) target(%arg13 : memref<16x4x16xf32, #tpu.memory_space<vmem>>) target_semaphore(%run_scoped3A : memref<!tpu.dma_semaphore, #tpu.memory_space<semaphore_mem>>)
          tpu.wait_dma2 semaphore(%run_scoped3A : memref<!tpu.dma_semaphore, #tpu.memory_space<semaphore_mem>>) src(%arg19 : memref<16x4x16xf32, #tpu.memory_space<vmem_shared>>) dst(%arg13 : memref<16x4x16xf32, #tpu.memory_space<vmem>>)
          tpu.yield
        }) : () -> ()
        %get3A = arith.constant 0 : i32
        %get3A_994 = arith.constant 0 : i32
        %get3A_995 = arith.index_cast %get3A : i32 to index
        %get3A_996 = arith.index_cast %get3A_994 : i32 to index
        %get3A_997 = arith.constant 0 : index
        %get3A_998 = tpu.vector_load %arg13[%get3A_995, %get3A_996, %get3A_997] {strides = array<i32>} : memref<16x4x16xf32, #tpu.memory_space<vmem>>, vector<16xf32>,
        %add3A_999 = arith.addf %broadcast_in_dim3A_2, %get3A_998 : vector<16xf32>
        %get3A_1000 = arith.constant 0 : i32
        %get3A_1001 = arith.constant 1 : i32
        %get3A_1002 = arith.index_cast %get3A_1000 : i32 to index
        %get3A_1003 = arith.index_cast %get3A_1001 : i32 to index
        %get3A_1004 = arith.constant 0 : index
        %get3A_1005 = tpu.vector_load %arg13[%get3A_1002, %get3A_1003, %get3A_1004] {strides = array<i32>} : memref<16x4x16xf32, #tpu.memory_space<vmem>>, vector<16xf32>,
        %add3A_1006 = arith.addf %broadcast_in_dim3A_2, %get3A_1005 : vector<16xf32>
        %get3A_1007 = arith.constant 0 : i32
        %get3A_1008 = arith.constant 2 : i32
        %get3A_1009 = arith.index_cast %get3A_1007 : i32 to index
        %get3A_1010 = arith.index_cast %get3A_1008 : i32 to index
        %get3A_1011 = arith.constant 0 : index
        %get3A_1012 = tpu.vector_load %arg13[%get3A_1009, %get3A_1010, %get3A_1011] {strides = array<i32>} : memref<16x4x16xf32, #tpu.memory_space<vmem>>, vector<16xf32>,
        %add3A_1013 = arith.addf %broadcast_in_dim3A_2, %get3A_1012 : vector<16xf32>
        %get3A_1014 = arith.constant 0 : i32
        %get3A_1015 = arith.constant 3 : i32
        %get3A_1016 = arith.index_cast %get3A_1014 : i32 to index
        %get3A_1017 = arith.index_cast %get3A_1015 : i32 to index
        %get3A_1018 = arith.constant 0 : index
        %get3A_1019 = tpu.vector_load %arg13[%get3A_1016, %get3A_1017, %get3A_1018] {strides = array<i32>} : memref<16x4x16xf32, #tpu.memory_space<vmem>>, vector<16xf32>,
        %add3A_1020 = arith.addf %broadcast_in_dim3A_2, %get3A_1019 : vector<16xf32>
        %get3A_1021 = arith.constant 1 : i32
        %get3A_1022 = arith.constant 0 : i32
        %get3A_1023 = arith.index_cast %get3A_1021 : i32 to index
        %get3A_1024 = arith.index_cast %get3A_1022 : i32 to index
        %get3A_1025 = arith.constant 0 : index
        %get3A_1026 = tpu.vector_load %arg13[%get3A_1023, %get3A_1024, %get3A_1025] {strides = array<i32>} : memref<16x4x16xf32, #tpu.memory_space<vmem>>, vector<16xf32>,
        %add3A_1027 = arith.addf %add3A_999, %get3A_1026 : vector<16xf32>
        %get3A_1028 = arith.constant 1 : i32
        %get3A_1029 = arith.constant 1 : i32
        %get3A_1030 = arith.index_cast %get3A_1028 : i32 to index
        %get3A_1031 = arith.index_cast %get3A_1029 : i32 to index
        %get3A_1032 = arith.constant 0 : index
        %get3A_1033 = tpu.vector_load %arg13[%get3A_1030, %get3A_1031, %get3A_1032] {strides = array<i32>} : memref<16x4x16xf32, #tpu.memory_space<vmem>>, vector<16xf32>,
        %add3A_1034 = arith.addf %add3A_1006, %get3A_1033 : vector<16xf32>
        %get3A_1035 = arith.constant 1 : i32
        %get3A_1036 = arith.constant 2 : i32
        %get3A_1037 = arith.index_cast %get3A_1035 : i32 to index
        %get3A_1038 = arith.index_cast %get3A_1036 : i32 to index
        %get3A_1039 = arith.constant 0 : index
        %get3A_1040 = tpu.vector_load %arg13[%get3A_1037, %get3A_1038, %get3A_1039] {strides = array<i32>} : memref<16x4x16xf32, #tpu.memory_space<vmem>>, vector<16xf32>,
        %add3A_1041 = arith.addf %add3A_1013, %get3A_1040 : vector<16xf32>
        %get3A_1042 = arith.constant 1 : i32
        %get3A_1043 = arith.constant 3 : i32
        %get3A_1044 = arith.index_cast %get3A_1042 : i32 to index
        %get3A_1045 = arith.index_cast %get3A_1043 : i32 to index
        %get3A_1046 = arith.constant 0 : index
        %get3A_1047 = tpu.vector_load %arg13[%get3A_1044, %get3A_1045, %get3A_1046] {strides = array<i32>} : memref<16x4x16xf32, #tpu.memory_space<vmem>>, vector<16xf32>,
        %add3A_1048 = arith.addf %add3A_1020, %get3A_1047 : vector<16xf32>
        %get3A_1049 = arith.constant 2 : i32
        %get3A_1050 = arith.constant 0 : i32
        %get3A_1051 = arith.index_cast %get3A_1049 : i32 to index
        %get3A_1052 = arith.index_cast %get3A_1050 : i32 to index
        %get3A_1053 = arith.constant 0 : index
        %get3A_1054 = tpu.vector_load %arg13[%get3A_1051, %get3A_1052, %get3A_1053] {strides = array<i32>} : memref<16x4x16xf32, #tpu.memory_space<vmem>>, vector<16xf32>,
        %add3A_1055 = arith.addf %add3A_1027, %get3A_1054 : vector<16xf32>
        %get3A_1056 = arith.constant 2 : i32
        %get3A_1057 = arith.constant 1 : i32
        %get3A_1058 = arith.index_cast %get3A_1056 : i32 to index
        %get3A_1059 = arith.index_cast %get3A_1057 : i32 to index
        %get3A_1060 = arith.constant 0 : index
        %get3A_1061 = tpu.vector_load %arg13[%get3A_1058, %get3A_1059, %get3A_1060] {strides = array<i32>} : memref<16x4x16xf32, #tpu.memory_space<vmem>>, vector<16xf32>,
        %add3A_1062 = arith.addf %add3A_1034, %get3A_1061 : vector<16xf32>
        %get3A_1063 = arith.constant 2 : i32
        %get3A_1064 = arith.constant 2 : i32
        %get3A_1065 = arith.index_cast %get3A_1063 : i32 to index
        %get3A_1066 = arith.index_cast %get3A_1064 : i32 to index
        %get3A_1067 = arith.constant 0 : index
        %get3A_1068 = tpu.vector_load %arg13[%get3A_1065, %get3A_1066, %get3A_1067] {strides = array<i32>} : memref<16x4x16xf32, #tpu.memory_space<vmem>>, vector<16xf32>,
        %add3A_1069 = arith.addf %add3A_1041, %get3A_1068 : vector<16xf32>
        %get3A_1070 = arith.constant 2 : i32
        %get3A_1071 = arith.constant 3 : i32
        %get3A_1072 = arith.index_cast %get3A_1070 : i32 to index
        %get3A_1073 = arith.index_cast %get3A_1071 : i32 to index
        %get3A_1074 = arith.constant 0 : index
        %get3A_1075 = tpu.vector_load %arg13[%get3A_1072, %get3A_1073, %get3A_1074] {strides = array<i32>} : memref<16x4x16xf32, #tpu.memory_space<vmem>>, vector<16xf32>,
        %add3A_1076 = arith.addf %add3A_1048, %get3A_1075 : vector<16xf32>
        %get3A_1077 = arith.constant 3 : i32
        %get3A_1078 = arith.constant 0 : i32
        %get3A_1079 = arith.index_cast %get3A_1077 : i32 to index
        %get3A_1080 = arith.index_cast %get3A_1078 : i32 to index
        %get3A_1081 = arith.constant 0 : index
        %get3A_1082 = tpu.vector_load %arg13[%get3A_1079, %get3A_1080, %get3A_1081] {strides = array<i32>} : memref<16x4x16xf32, #tpu.memory_space<vmem>>, vector<16xf32>,
        %add3A_1083 = arith.addf %add3A_1055, %get3A_1082 : vector<16xf32>
        %get3A_1084 = arith.constant 3 : i32
        %get3A_1085 = arith.constant 1 : i32
        %get3A_1086 = arith.index_cast %get3A_1084 : i32 to index
        %get3A_1087 = arith.index_cast %get3A_1085 : i32 to index
        %get3A_1088 = arith.constant 0 : index
        %get3A_1089 = tpu.vector_load %arg13[%get3A_1086, %get3A_1087, %get3A_1088] {strides = array<i32>} : memref<16x4x16xf32, #tpu.memory_space<vmem>>, vector<16xf32>,
        %add3A_1090 = arith.addf %add3A_1062, %get3A_1089 : vector<16xf32>
        %get3A_1091 = arith.constant 3 : i32
        %get3A_1092 = arith.constant 2 : i32
        %get3A_1093 = arith.index_cast %get3A_1091 : i32 to index
        %get3A_1094 = arith.index_cast %get3A_1092 : i32 to index
        %get3A_1095 = arith.constant 0 : index
        %get3A_1096 = tpu.vector_load %arg13[%get3A_1093, %get3A_1094, %get3A_1095] {strides = array<i32>} : memref<16x4x16xf32, #tpu.memory_space<vmem>>, vector<16xf32>,
        %add3A_1097 = arith.addf %add3A_1069, %get3A_1096 : vector<16xf32>
        %get3A_1098 = arith.constant 3 : i32
        %get3A_1099 = arith.constant 3 : i32
        %get3A_1100 = arith.index_cast %get3A_1098 : i32 to index
        %get3A_1101 = arith.index_cast %get3A_1099 : i32 to index
        %get3A_1102 = arith.constant 0 : index
        %get3A_1103 = tpu.vector_load %arg13[%get3A_1100, %get3A_1101, %get3A_1102] {strides = array<i32>} : memref<16x4x16xf32, #tpu.memory_space<vmem>>, vector<16xf32>,
        %add3A_1104 = arith.addf %add3A_1076, %get3A_1103 : vector<16xf32>
        %get3A_1105 = arith.constant 4 : i32
        %get3A_1106 = arith.constant 0 : i32
        %get3A_1107 = arith.index_cast %get3A_1105 : i32 to index
        %get3A_1108 = arith.index_cast %get3A_1106 : i32 to index
        %get3A_1109 = arith.constant 0 : index
        %get3A_1110 = tpu.vector_load %arg13[%get3A_1107, %get3A_1108, %get3A_1109] {strides = array<i32>} : memref<16x4x16xf32, #tpu.memory_space<vmem>>, vector<16xf32>,
        %add3A_1111 = arith.addf %add3A_1083, %get3A_1110 : vector<16xf32>
        %get3A_1112 = arith.constant 4 : i32
        %get3A_1113 = arith.constant 1 : i32
        %get3A_1114 = arith.index_cast %get3A_1112 : i32 to index
        %get3A_1115 = arith.index_cast %get3A_1113 : i32 to index
        %get3A_1116 = arith.constant 0 : index
        %get3A_1117 = tpu.vector_load %arg13[%get3A_1114, %get3A_1115, %get3A_1116] {strides = array<i32>} : memref<16x4x16xf32, #tpu.memory_space<vmem>>, vector<16xf32>,
        %add3A_1118 = arith.addf %add3A_1090, %get3A_1117 : vector<16xf32>
        %get3A_1119 = arith.constant 4 : i32
        %get3A_1120 = arith.constant 2 : i32
        %get3A_1121 = arith.index_cast %get3A_1119 : i32 to index
        %get3A_1122 = arith.index_cast %get3A_1120 : i32 to index
        %get3A_1123 = arith.constant 0 : index
        %get3A_1124 = tpu.vector_load %arg13[%get3A_1121, %get3A_1122, %get3A_1123] {strides = array<i32>} : memref<16x4x16xf32, #tpu.memory_space<vmem>>, vector<16xf32>,
        %add3A_1125 = arith.addf %add3A_1097, %get3A_1124 : vector<16xf32>
        %get3A_1126 = arith.constant 4 : i32
        %get3A_1127 = arith.constant 3 : i32
        %get3A_1128 = arith.index_cast %get3A_1126 : i32 to index
        %get3A_1129 = arith.index_cast %get3A_1127 : i32 to index
        %get3A_1130 = arith.constant 0 : index
        %get3A_1131 = tpu.vector_load %arg13[%get3A_1128, %get3A_1129, %get3A_1130] {strides = array<i32>} : memref<16x4x16xf32, #tpu.memory_space<vmem>>, vector<16xf32>,
        %add3A_1132 = arith.addf %add3A_1104, %get3A_1131 : vector<16xf32>
        %get3A_1133 = arith.constant 5 : i32
        %get3A_1134 = arith.constant 0 : i32
        %get3A_1135 = arith.index_cast %get3A_1133 : i32 to index
        %get3A_1136 = arith.index_cast %get3A_1134 : i32 to index
        %get3A_1137 = arith.constant 0 : index
        %get3A_1138 = tpu.vector_load %arg13[%get3A_1135, %get3A_1136, %get3A_1137] {strides = array<i32>} : memref<16x4x16xf32, #tpu.memory_space<vmem>>, vector<16xf32>,
        %add3A_1139 = arith.addf %add3A_1111, %get3A_1138 : vector<16xf32>
        %get3A_1140 = arith.constant 5 : i32
        %get3A_1141 = arith.constant 1 : i32
        %get3A_1142 = arith.index_cast %get3A_1140 : i32 to index
        %get3A_1143 = arith.index_cast %get3A_1141 : i32 to index
        %get3A_1144 = arith.constant 0 : index
        %get3A_1145 = tpu.vector_load %arg13[%get3A_1142, %get3A_1143, %get3A_1144] {strides = array<i32>} : memref<16x4x16xf32, #tpu.memory_space<vmem>>, vector<16xf32>,
        %add3A_1146 = arith.addf %add3A_1118, %get3A_1145 : vector<16xf32>
        %get3A_1147 = arith.constant 5 : i32
        %get3A_1148 = arith.constant 2 : i32
        %get3A_1149 = arith.index_cast %get3A_1147 : i32 to index
        %get3A_1150 = arith.index_cast %get3A_1148 : i32 to index
        %get3A_1151 = arith.constant 0 : index
        %get3A_1152 = tpu.vector_load %arg13[%get3A_1149, %get3A_1150, %get3A_1151] {strides = array<i32>} : memref<16x4x16xf32, #tpu.memory_space<vmem>>, vector<16xf32>,
        %add3A_1153 = arith.addf %add3A_1125, %get3A_1152 : vector<16xf32>
        %get3A_1154 = arith.constant 5 : i32
        %get3A_1155 = arith.constant 3 : i32
        %get3A_1156 = arith.index_cast %get3A_1154 : i32 to index
        %get3A_1157 = arith.index_cast %get3A_1155 : i32 to index
        %get3A_1158 = arith.constant 0 : index
        %get3A_1159 = tpu.vector_load %arg13[%get3A_1156, %get3A_1157, %get3A_1158] {strides = array<i32>} : memref<16x4x16xf32, #tpu.memory_space<vmem>>, vector<16xf32>,
        %add3A_1160 = arith.addf %add3A_1132, %get3A_1159 : vector<16xf32>
        %get3A_1161 = arith.constant 6 : i32
        %get3A_1162 = arith.constant 0 : i32
        %get3A_1163 = arith.index_cast %get3A_1161 : i32 to index
        %get3A_1164 = arith.index_cast %get3A_1162 : i32 to index
        %get3A_1165 = arith.constant 0 : index
        %get3A_1166 = tpu.vector_load %arg13[%get3A_1163, %get3A_1164, %get3A_1165] {strides = array<i32>} : memref<16x4x16xf32, #tpu.memory_space<vmem>>, vector<16xf32>,
        %add3A_1167 = arith.addf %add3A_1139, %get3A_1166 : vector<16xf32>
        %get3A_1168 = arith.constant 6 : i32
        %get3A_1169 = arith.constant 1 : i32
        %get3A_1170 = arith.index_cast %get3A_1168 : i32 to index
        %get3A_1171 = arith.index_cast %get3A_1169 : i32 to index
        %get3A_1172 = arith.constant 0 : index
        %get3A_1173 = tpu.vector_load %arg13[%get3A_1170, %get3A_1171, %get3A_1172] {strides = array<i32>} : memref<16x4x16xf32, #tpu.memory_space<vmem>>, vector<16xf32>,
        %add3A_1174 = arith.addf %add3A_1146, %get3A_1173 : vector<16xf32>
        %get3A_1175 = arith.constant 6 : i32
        %get3A_1176 = arith.constant 2 : i32
        %get3A_1177 = arith.index_cast %get3A_1175 : i32 to index
        %get3A_1178 = arith.index_cast %get3A_1176 : i32 to index
        %get3A_1179 = arith.constant 0 : index
        %get3A_1180 = tpu.vector_load %arg13[%get3A_1177, %get3A_1178, %get3A_1179] {strides = array<i32>} : memref<16x4x16xf32, #tpu.memory_space<vmem>>, vector<16xf32>,
        %add3A_1181 = arith.addf %add3A_1153, %get3A_1180 : vector<16xf32>
        %get3A_1182 = arith.constant 6 : i32
        %get3A_1183 = arith.constant 3 : i32
        %get3A_1184 = arith.index_cast %get3A_1182 : i32 to index
        %get3A_1185 = arith.index_cast %get3A_1183 : i32 to index
        %get3A_1186 = arith.constant 0 : index
        %get3A_1187 = tpu.vector_load %arg13[%get3A_1184, %get3A_1185, %get3A_1186] {strides = array<i32>} : memref<16x4x16xf32, #tpu.memory_space<vmem>>, vector<16xf32>,
        %add3A_1188 = arith.addf %add3A_1160, %get3A_1187 : vector<16xf32>
        %get3A_1189 = arith.constant 7 : i32
        %get3A_1190 = arith.constant 0 : i32
        %get3A_1191 = arith.index_cast %get3A_1189 : i32 to index
        %get3A_1192 = arith.index_cast %get3A_1190 : i32 to index
        %get3A_1193 = arith.constant 0 : index
        %get3A_1194 = tpu.vector_load %arg13[%get3A_1191, %get3A_1192, %get3A_1193] {strides = array<i32>} : memref<16x4x16xf32, #tpu.memory_space<vmem>>, vector<16xf32>,
        %add3A_1195 = arith.addf %add3A_1167, %get3A_1194 : vector<16xf32>
        %get3A_1196 = arith.constant 7 : i32
        %get3A_1197 = arith.constant 1 : i32
        %get3A_1198 = arith.index_cast %get3A_1196 : i32 to index
        %get3A_1199 = arith.index_cast %get3A_1197 : i32 to index
        %get3A_1200 = arith.constant 0 : index
        %get3A_1201 = tpu.vector_load %arg13[%get3A_1198, %get3A_1199, %get3A_1200] {strides = array<i32>} : memref<16x4x16xf32, #tpu.memory_space<vmem>>, vector<16xf32>,
        %add3A_1202 = arith.addf %add3A_1174, %get3A_1201 : vector<16xf32>
        %get3A_1203 = arith.constant 7 : i32
        %get3A_1204 = arith.constant 2 : i32
        %get3A_1205 = arith.index_cast %get3A_1203 : i32 to index
        %get3A_1206 = arith.index_cast %get3A_1204 : i32 to index
        %get3A_1207 = arith.constant 0 : index
        %get3A_1208 = tpu.vector_load %arg13[%get3A_1205, %get3A_1206, %get3A_1207] {strides = array<i32>} : memref<16x4x16xf32, #tpu.memory_space<vmem>>, vector<16xf32>,
        %add3A_1209 = arith.addf %add3A_1181, %get3A_1208 : vector<16xf32>
        %get3A_1210 = arith.constant 7 : i32
        %get3A_1211 = arith.constant 3 : i32
        %get3A_1212 = arith.index_cast %get3A_1210 : i32 to index
        %get3A_1213 = arith.index_cast %get3A_1211 : i32 to index
        %get3A_1214 = arith.constant 0 : index
        %get3A_1215 = tpu.vector_load %arg13[%get3A_1212, %get3A_1213, %get3A_1214] {strides = array<i32>} : memref<16x4x16xf32, #tpu.memory_space<vmem>>, vector<16xf32>,
        %add3A_1216 = arith.addf %add3A_1188, %get3A_1215 : vector<16xf32>
        %get3A_1217 = arith.constant 8 : i32
        %get3A_1218 = arith.constant 0 : i32
        %get3A_1219 = arith.index_cast %get3A_1217 : i32 to index
        %get3A_1220 = arith.index_cast %get3A_1218 : i32 to index
        %get3A_1221 = arith.constant 0 : index
        %get3A_1222 = tpu.vector_load %arg13[%get3A_1219, %get3A_1220, %get3A_1221] {strides = array<i32>} : memref<16x4x16xf32, #tpu.memory_space<vmem>>, vector<16xf32>,
        %add3A_1223 = arith.addf %add3A_1195, %get3A_1222 : vector<16xf32>
        %get3A_1224 = arith.constant 8 : i32
        %get3A_1225 = arith.constant 1 : i32
        %get3A_1226 = arith.index_cast %get3A_1224 : i32 to index
        %get3A_1227 = arith.index_cast %get3A_1225 : i32 to index
        %get3A_1228 = arith.constant 0 : index
        %get3A_1229 = tpu.vector_load %arg13[%get3A_1226, %get3A_1227, %get3A_1228] {strides = array<i32>} : memref<16x4x16xf32, #tpu.memory_space<vmem>>, vector<16xf32>,
        %add3A_1230 = arith.addf %add3A_1202, %get3A_1229 : vector<16xf32>
        %get3A_1231 = arith.constant 8 : i32
        %get3A_1232 = arith.constant 2 : i32
        %get3A_1233 = arith.index_cast %get3A_1231 : i32 to index
        %get3A_1234 = arith.index_cast %get3A_1232 : i32 to index
        %get3A_1235 = arith.constant 0 : index
        %get3A_1236 = tpu.vector_load %arg13[%get3A_1233, %get3A_1234, %get3A_1235] {strides = array<i32>} : memref<16x4x16xf32, #tpu.memory_space<vmem>>, vector<16xf32>,
        %add3A_1237 = arith.addf %add3A_1209, %get3A_1236 : vector<16xf32>
        %get3A_1238 = arith.constant 8 : i32
        %get3A_1239 = arith.constant 3 : i32
        %get3A_1240 = arith.index_cast %get3A_1238 : i32 to index
        %get3A_1241 = arith.index_cast %get3A_1239 : i32 to index
        %get3A_1242 = arith.constant 0 : index
        %get3A_1243 = tpu.vector_load %arg13[%get3A_1240, %get3A_1241, %get3A_1242] {strides = array<i32>} : memref<16x4x16xf32, #tpu.memory_space<vmem>>, vector<16xf32>,
        %add3A_1244 = arith.addf %add3A_1216, %get3A_1243 : vector<16xf32>
        %get3A_1245 = arith.constant 9 : i32
        %get3A_1246 = arith.constant 0 : i32
        %get3A_1247 = arith.index_cast %get3A_1245 : i32 to index
        %get3A_1248 = arith.index_cast %get3A_1246 : i32 to index
        %get3A_1249 = arith.constant 0 : index
        %get3A_1250 = tpu.vector_load %arg13[%get3A_1247, %get3A_1248, %get3A_1249] {strides = array<i32>} : memref<16x4x16xf32, #tpu.memory_space<vmem>>, vector<16xf32>,
        %add3A_1251 = arith.addf %add3A_1223, %get3A_1250 : vector<16xf32>
        %get3A_1252 = arith.constant 9 : i32
        %get3A_1253 = arith.constant 1 : i32
        %get3A_1254 = arith.index_cast %get3A_1252 : i32 to index
        %get3A_1255 = arith.index_cast %get3A_1253 : i32 to index
        %get3A_1256 = arith.constant 0 : index
        %get3A_1257 = tpu.vector_load %arg13[%get3A_1254, %get3A_1255, %get3A_1256] {strides = array<i32>} : memref<16x4x16xf32, #tpu.memory_space<vmem>>, vector<16xf32>,
        %add3A_1258 = arith.addf %add3A_1230, %get3A_1257 : vector<16xf32>
        %get3A_1259 = arith.constant 9 : i32
        %get3A_1260 = arith.constant 2 : i32
        %get3A_1261 = arith.index_cast %get3A_1259 : i32 to index
        %get3A_1262 = arith.index_cast %get3A_1260 : i32 to index
        %get3A_1263 = arith.constant 0 : index
        %get3A_1264 = tpu.vector_load %arg13[%get3A_1261, %get3A_1262, %get3A_1263] {strides = array<i32>} : memref<16x4x16xf32, #tpu.memory_space<vmem>>, vector<16xf32>,
        %add3A_1265 = arith.addf %add3A_1237, %get3A_1264 : vector<16xf32>
        %get3A_1266 = arith.constant 9 : i32
        %get3A_1267 = arith.constant 3 : i32
        %get3A_1268 = arith.index_cast %get3A_1266 : i32 to index
        %get3A_1269 = arith.index_cast %get3A_1267 : i32 to index
        %get3A_1270 = arith.constant 0 : index
        %get3A_1271 = tpu.vector_load %arg13[%get3A_1268, %get3A_1269, %get3A_1270] {strides = array<i32>} : memref<16x4x16xf32, #tpu.memory_space<vmem>>, vector<16xf32>,
        %add3A_1272 = arith.addf %add3A_1244, %get3A_1271 : vector<16xf32>
        %get3A_1273 = arith.constant 10 : i32
        %get3A_1274 = arith.constant 0 : i32
        %get3A_1275 = arith.index_cast %get3A_1273 : i32 to index
        %get3A_1276 = arith.index_cast %get3A_1274 : i32 to index
        %get3A_1277 = arith.constant 0 : index
        %get3A_1278 = tpu.vector_load %arg13[%get3A_1275, %get3A_1276, %get3A_1277] {strides = array<i32>} : memref<16x4x16xf32, #tpu.memory_space<vmem>>, vector<16xf32>,
        %add3A_1279 = arith.addf %add3A_1251, %get3A_1278 : vector<16xf32>
        %get3A_1280 = arith.constant 10 : i32
        %get3A_1281 = arith.constant 1 : i32
        %get3A_1282 = arith.index_cast %get3A_1280 : i32 to index
        %get3A_1283 = arith.index_cast %get3A_1281 : i32 to index
        %get3A_1284 = arith.constant 0 : index
        %get3A_1285 = tpu.vector_load %arg13[%get3A_1282, %get3A_1283, %get3A_1284] {strides = array<i32>} : memref<16x4x16xf32, #tpu.memory_space<vmem>>, vector<16xf32>,
        %add3A_1286 = arith.addf %add3A_1258, %get3A_1285 : vector<16xf32>
        %get3A_1287 = arith.constant 10 : i32
        %get3A_1288 = arith.constant 2 : i32
        %get3A_1289 = arith.index_cast %get3A_1287 : i32 to index
        %get3A_1290 = arith.index_cast %get3A_1288 : i32 to index
        %get3A_1291 = arith.constant 0 : index
        %get3A_1292 = tpu.vector_load %arg13[%get3A_1289, %get3A_1290, %get3A_1291] {strides = array<i32>} : memref<16x4x16xf32, #tpu.memory_space<vmem>>, vector<16xf32>,
        %add3A_1293 = arith.addf %add3A_1265, %get3A_1292 : vector<16xf32>
        %get3A_1294 = arith.constant 10 : i32
        %get3A_1295 = arith.constant 3 : i32
        %get3A_1296 = arith.index_cast %get3A_1294 : i32 to index
        %get3A_1297 = arith.index_cast %get3A_1295 : i32 to index
        %get3A_1298 = arith.constant 0 : index
        %get3A_1299 = tpu.vector_load %arg13[%get3A_1296, %get3A_1297, %get3A_1298] {strides = array<i32>} : memref<16x4x16xf32, #tpu.memory_space<vmem>>, vector<16xf32>,
        %add3A_1300 = arith.addf %add3A_1272, %get3A_1299 : vector<16xf32>
        %get3A_1301 = arith.constant 11 : i32
        %get3A_1302 = arith.constant 0 : i32
        %get3A_1303 = arith.index_cast %get3A_1301 : i32 to index
        %get3A_1304 = arith.index_cast %get3A_1302 : i32 to index
        %get3A_1305 = arith.constant 0 : index
        %get3A_1306 = tpu.vector_load %arg13[%get3A_1303, %get3A_1304, %get3A_1305] {strides = array<i32>} : memref<16x4x16xf32, #tpu.memory_space<vmem>>, vector<16xf32>,
        %add3A_1307 = arith.addf %add3A_1279, %get3A_1306 : vector<16xf32>
        %get3A_1308 = arith.constant 11 : i32
        %get3A_1309 = arith.constant 1 : i32
        %get3A_1310 = arith.index_cast %get3A_1308 : i32 to index
        %get3A_1311 = arith.index_cast %get3A_1309 : i32 to index
        %get3A_1312 = arith.constant 0 : index
        %get3A_1313 = tpu.vector_load %arg13[%get3A_1310, %get3A_1311, %get3A_1312] {strides = array<i32>} : memref<16x4x16xf32, #tpu.memory_space<vmem>>, vector<16xf32>,
        %add3A_1314 = arith.addf %add3A_1286, %get3A_1313 : vector<16xf32>
        %get3A_1315 = arith.constant 11 : i32
        %get3A_1316 = arith.constant 2 : i32
        %get3A_1317 = arith.index_cast %get3A_1315 : i32 to index
        %get3A_1318 = arith.index_cast %get3A_1316 : i32 to index
        %get3A_1319 = arith.constant 0 : index
        %get3A_1320 = tpu.vector_load %arg13[%get3A_1317, %get3A_1318, %get3A_1319] {strides = array<i32>} : memref<16x4x16xf32, #tpu.memory_space<vmem>>, vector<16xf32>,
        %add3A_1321 = arith.addf %add3A_1293, %get3A_1320 : vector<16xf32>
        %get3A_1322 = arith.constant 11 : i32
        %get3A_1323 = arith.constant 3 : i32
        %get3A_1324 = arith.index_cast %get3A_1322 : i32 to index
        %get3A_1325 = arith.index_cast %get3A_1323 : i32 to index
        %get3A_1326 = arith.constant 0 : index
        %get3A_1327 = tpu.vector_load %arg13[%get3A_1324, %get3A_1325, %get3A_1326] {strides = array<i32>} : memref<16x4x16xf32, #tpu.memory_space<vmem>>, vector<16xf32>,
        %add3A_1328 = arith.addf %add3A_1300, %get3A_1327 : vector<16xf32>
        %get3A_1329 = arith.constant 12 : i32
        %get3A_1330 = arith.constant 0 : i32
        %get3A_1331 = arith.index_cast %get3A_1329 : i32 to index
        %get3A_1332 = arith.index_cast %get3A_1330 : i32 to index
        %get3A_1333 = arith.constant 0 : index
        %get3A_1334 = tpu.vector_load %arg13[%get3A_1331, %get3A_1332, %get3A_1333] {strides = array<i32>} : memref<16x4x16xf32, #tpu.memory_space<vmem>>, vector<16xf32>,
        %add3A_1335 = arith.addf %add3A_1307, %get3A_1334 : vector<16xf32>
        %get3A_1336 = arith.constant 12 : i32
        %get3A_1337 = arith.constant 1 : i32
        %get3A_1338 = arith.index_cast %get3A_1336 : i32 to index
        %get3A_1339 = arith.index_cast %get3A_1337 : i32 to index
        %get3A_1340 = arith.constant 0 : index
        %get3A_1341 = tpu.vector_load %arg13[%get3A_1338, %get3A_1339, %get3A_1340] {strides = array<i32>} : memref<16x4x16xf32, #tpu.memory_space<vmem>>, vector<16xf32>,
        %add3A_1342 = arith.addf %add3A_1314, %get3A_1341 : vector<16xf32>
        %get3A_1343 = arith.constant 12 : i32
        %get3A_1344 = arith.constant 2 : i32
        %get3A_1345 = arith.index_cast %get3A_1343 : i32 to index
        %get3A_1346 = arith.index_cast %get3A_1344 : i32 to index
        %get3A_1347 = arith.constant 0 : index
        %get3A_1348 = tpu.vector_load %arg13[%get3A_1345, %get3A_1346, %get3A_1347] {strides = array<i32>} : memref<16x4x16xf32, #tpu.memory_space<vmem>>, vector<16xf32>,
        %add3A_1349 = arith.addf %add3A_1321, %get3A_1348 : vector<16xf32>
        %get3A_1350 = arith.constant 12 : i32
        %get3A_1351 = arith.constant 3 : i32
        %get3A_1352 = arith.index_cast %get3A_1350 : i32 to index
        %get3A_1353 = arith.index_cast %get3A_1351 : i32 to index
        %get3A_1354 = arith.constant 0 : index
        %get3A_1355 = tpu.vector_load %arg13[%get3A_1352, %get3A_1353, %get3A_1354] {strides = array<i32>} : memref<16x4x16xf32, #tpu.memory_space<vmem>>, vector<16xf32>,
        %add3A_1356 = arith.addf %add3A_1328, %get3A_1355 : vector<16xf32>
        %get3A_1357 = arith.constant 13 : i32
        %get3A_1358 = arith.constant 0 : i32
        %get3A_1359 = arith.index_cast %get3A_1357 : i32 to index
        %get3A_1360 = arith.index_cast %get3A_1358 : i32 to index
        %get3A_1361 = arith.constant 0 : index
        %get3A_1362 = tpu.vector_load %arg13[%get3A_1359, %get3A_1360, %get3A_1361] {strides = array<i32>} : memref<16x4x16xf32, #tpu.memory_space<vmem>>, vector<16xf32>,
        %add3A_1363 = arith.addf %add3A_1335, %get3A_1362 : vector<16xf32>
        %get3A_1364 = arith.constant 13 : i32
        %get3A_1365 = arith.constant 1 : i32
        %get3A_1366 = arith.index_cast %get3A_1364 : i32 to index
        %get3A_1367 = arith.index_cast %get3A_1365 : i32 to index
        %get3A_1368 = arith.constant 0 : index
        %get3A_1369 = tpu.vector_load %arg13[%get3A_1366, %get3A_1367, %get3A_1368] {strides = array<i32>} : memref<16x4x16xf32, #tpu.memory_space<vmem>>, vector<16xf32>,
        %add3A_1370 = arith.addf %add3A_1342, %get3A_1369 : vector<16xf32>
        %get3A_1371 = arith.constant 13 : i32
        %get3A_1372 = arith.constant 2 : i32
        %get3A_1373 = arith.index_cast %get3A_1371 : i32 to index
        %get3A_1374 = arith.index_cast %get3A_1372 : i32 to index
        %get3A_1375 = arith.constant 0 : index
        %get3A_1376 = tpu.vector_load %arg13[%get3A_1373, %get3A_1374, %get3A_1375] {strides = array<i32>} : memref<16x4x16xf32, #tpu.memory_space<vmem>>, vector<16xf32>,
        %add3A_1377 = arith.addf %add3A_1349, %get3A_1376 : vector<16xf32>
        %get3A_1378 = arith.constant 13 : i32
        %get3A_1379 = arith.constant 3 : i32
        %get3A_1380 = arith.index_cast %get3A_1378 : i32 to index
        %get3A_1381 = arith.index_cast %get3A_1379 : i32 to index
        %get3A_1382 = arith.constant 0 : index
        %get3A_1383 = tpu.vector_load %arg13[%get3A_1380, %get3A_1381, %get3A_1382] {strides = array<i32>} : memref<16x4x16xf32, #tpu.memory_space<vmem>>, vector<16xf32>,
        %add3A_1384 = arith.addf %add3A_1356, %get3A_1383 : vector<16xf32>
        %get3A_1385 = arith.constant 14 : i32
        %get3A_1386 = arith.constant 0 : i32
        %get3A_1387 = arith.index_cast %get3A_1385 : i32 to index
        %get3A_1388 = arith.index_cast %get3A_1386 : i32 to index
        %get3A_1389 = arith.constant 0 : index
        %get3A_1390 = tpu.vector_load %arg13[%get3A_1387, %get3A_1388, %get3A_1389] {strides = array<i32>} : memref<16x4x16xf32, #tpu.memory_space<vmem>>, vector<16xf32>,
        %add3A_1391 = arith.addf %add3A_1363, %get3A_1390 : vector<16xf32>
        %get3A_1392 = arith.constant 14 : i32
        %get3A_1393 = arith.constant 1 : i32
        %get3A_1394 = arith.index_cast %get3A_1392 : i32 to index
        %get3A_1395 = arith.index_cast %get3A_1393 : i32 to index
        %get3A_1396 = arith.constant 0 : index
        %get3A_1397 = tpu.vector_load %arg13[%get3A_1394, %get3A_1395, %get3A_1396] {strides = array<i32>} : memref<16x4x16xf32, #tpu.memory_space<vmem>>, vector<16xf32>,
        %add3A_1398 = arith.addf %add3A_1370, %get3A_1397 : vector<16xf32>
        %get3A_1399 = arith.constant 14 : i32
        %get3A_1400 = arith.constant 2 : i32
        %get3A_1401 = arith.index_cast %get3A_1399 : i32 to index
        %get3A_1402 = arith.index_cast %get3A_1400 : i32 to index
        %get3A_1403 = arith.constant 0 : index
        %get3A_1404 = tpu.vector_load %arg13[%get3A_1401, %get3A_1402, %get3A_1403] {strides = array<i32>} : memref<16x4x16xf32, #tpu.memory_space<vmem>>, vector<16xf32>,
        %add3A_1405 = arith.addf %add3A_1377, %get3A_1404 : vector<16xf32>
        %get3A_1406 = arith.constant 14 : i32
        %get3A_1407 = arith.constant 3 : i32
        %get3A_1408 = arith.index_cast %get3A_1406 : i32 to index
        %get3A_1409 = arith.index_cast %get3A_1407 : i32 to index
        %get3A_1410 = arith.constant 0 : index
        %get3A_1411 = tpu.vector_load %arg13[%get3A_1408, %get3A_1409, %get3A_1410] {strides = array<i32>} : memref<16x4x16xf32, #tpu.memory_space<vmem>>, vector<16xf32>,
        %add3A_1412 = arith.addf %add3A_1384, %get3A_1411 : vector<16xf32>
        %get3A_1413 = arith.constant 15 : i32
        %get3A_1414 = arith.constant 0 : i32
        %get3A_1415 = arith.index_cast %get3A_1413 : i32 to index
        %get3A_1416 = arith.index_cast %get3A_1414 : i32 to index
        %get3A_1417 = arith.constant 0 : index
        %get3A_1418 = tpu.vector_load %arg13[%get3A_1415, %get3A_1416, %get3A_1417] {strides = array<i32>} : memref<16x4x16xf32, #tpu.memory_space<vmem>>, vector<16xf32>,
        %add3A_1419 = arith.addf %add3A_1391, %get3A_1418 : vector<16xf32>
        %get3A_1420 = arith.constant 15 : i32
        %get3A_1421 = arith.constant 1 : i32
        %get3A_1422 = arith.index_cast %get3A_1420 : i32 to index
        %get3A_1423 = arith.index_cast %get3A_1421 : i32 to index
        %get3A_1424 = arith.constant 0 : index
        %get3A_1425 = tpu.vector_load %arg13[%get3A_1422, %get3A_1423, %get3A_1424] {strides = array<i32>} : memref<16x4x16xf32, #tpu.memory_space<vmem>>, vector<16xf32>,
        %add3A_1426 = arith.addf %add3A_1398, %get3A_1425 : vector<16xf32>
        %get3A_1427 = arith.constant 15 : i32
        %get3A_1428 = arith.constant 2 : i32
        %get3A_1429 = arith.index_cast %get3A_1427 : i32 to index
        %get3A_1430 = arith.index_cast %get3A_1428 : i32 to index
        %get3A_1431 = arith.constant 0 : index
        %get3A_1432 = tpu.vector_load %arg13[%get3A_1429, %get3A_1430, %get3A_1431] {strides = array<i32>} : memref<16x4x16xf32, #tpu.memory_space<vmem>>, vector<16xf32>,
        %add3A_1433 = arith.addf %add3A_1405, %get3A_1432 : vector<16xf32>
        %get3A_1434 = arith.constant 15 : i32
        %get3A_1435 = arith.constant 3 : i32
        %get3A_1436 = arith.index_cast %get3A_1434 : i32 to index
        %get3A_1437 = arith.index_cast %get3A_1435 : i32 to index
        %get3A_1438 = arith.constant 0 : index
        %get3A_1439 = tpu.vector_load %arg13[%get3A_1436, %get3A_1437, %get3A_1438] {strides = array<i32>} : memref<16x4x16xf32, #tpu.memory_space<vmem>>, vector<16xf32>,
        %add3A_1440 = arith.addf %add3A_1412, %get3A_1439 : vector<16xf32>
        %slice3A_1441 = vector.extract_strided_slice %add3A_1433 {offsets = [0], sizes = [1], strides = [1]} : vector<16xf32> to vector<1xf32>
        %squeeze3A_1442 = vector.extract %slice3A_1441[0] : f32 from vector<1xf32>
        %add3A_1443 = arith.constant 0 : i32
        %add3A_1444 = vector.broadcast %add3A_1443 : i32 to vector<16xi32>
        %add3A_1445 = arith.addi %iota3A, %add3A_1444 : vector<16xi32>
        %gather3A_1446 = tpu.vector_load_idx %arg16[%add3A_1445] : memref<112xf32, #tpu.memory_space<vmem>>[vector<16xi32>], vector<16xf32>,
        %slice3A_1447 = vector.extract_strided_slice %add3A_1440 {offsets = [0], sizes = [1], strides = [1]} : vector<16xf32> to vector<1xf32>
        %squeeze3A_1448 = vector.extract %slice3A_1447[0] : f32 from vector<1xf32>
        %slice3A_1449 = vector.extract_strided_slice %gather3A_1446 {offsets = [0], sizes = [1], strides = [1]} : vector<16xf32> to vector<1xf32>
        %squeeze3A_1450 = vector.extract %slice3A_1449[0] : f32 from vector<1xf32>
        %add3A_1451 = arith.addf %squeeze3A_1448, %squeeze3A_1450 : f32
        %max3A = arith.constant 0.000000e+00 : f32
        %max3A_1452 = arith.maximumf %add3A_1451, %max3A : f32
        %eq3A_1453 = arith.constant 0 : i32
        %eq3A_1454 = vector.broadcast %eq3A_1453 : i32 to vector<16xi32>
        %eq3A_1455 = arith.cmpi eq, %iota3A, %eq3A_1454 : vector<16xi32>
        %jit3A_1456 = arith.constant 0.000000e+00 : f32
        %broadcast_in_dim3A_1457 = vector.broadcast %max3A_1452 : f32 to vector<16xf32>
        %broadcast_in_dim3A_1458 = vector.broadcast %jit3A_1456 : f32 to vector<16xf32>
        %select_n3A_1459 = arith.select %eq3A_1455, %broadcast_in_dim3A_1457, %broadcast_in_dim3A_1458 : vector<16xi1>, vector<16xf32>
        %add3A_1460 = arith.addf %broadcast_in_dim3A_2, %select_n3A_1459 : vector<16xf32>
        %slice3A_1461 = vector.extract_strided_slice %add3A_1440 {offsets = [1], sizes = [1], strides = [1]} : vector<16xf32> to vector<1xf32>
        %squeeze3A_1462 = vector.extract %slice3A_1461[0] : f32 from vector<1xf32>
        %slice3A_1463 = vector.extract_strided_slice %gather3A_1446 {offsets = [1], sizes = [1], strides = [1]} : vector<16xf32> to vector<1xf32>
        %squeeze3A_1464 = vector.extract %slice3A_1463[0] : f32 from vector<1xf32>
        %add3A_1465 = arith.addf %squeeze3A_1462, %squeeze3A_1464 : f32
        %max3A_1466 = arith.constant 0.000000e+00 : f32
        %max3A_1467 = arith.maximumf %add3A_1465, %max3A_1466 : f32
        %eq3A_1468 = arith.constant 1 : i32
        %eq3A_1469 = vector.broadcast %eq3A_1468 : i32 to vector<16xi32>
        %eq3A_1470 = arith.cmpi eq, %iota3A, %eq3A_1469 : vector<16xi32>
        %jit3A_1471 = arith.constant 0.000000e+00 : f32
        %broadcast_in_dim3A_1472 = vector.broadcast %max3A_1467 : f32 to vector<16xf32>
        %broadcast_in_dim3A_1473 = vector.broadcast %jit3A_1471 : f32 to vector<16xf32>
        %select_n3A_1474 = arith.select %eq3A_1470, %broadcast_in_dim3A_1472, %broadcast_in_dim3A_1473 : vector<16xi1>, vector<16xf32>
        %add3A_1475 = arith.addf %add3A_1460, %select_n3A_1474 : vector<16xf32>
        %slice3A_1476 = vector.extract_strided_slice %add3A_1440 {offsets = [2], sizes = [1], strides = [1]} : vector<16xf32> to vector<1xf32>
        %squeeze3A_1477 = vector.extract %slice3A_1476[0] : f32 from vector<1xf32>
        %slice3A_1478 = vector.extract_strided_slice %gather3A_1446 {offsets = [2], sizes = [1], strides = [1]} : vector<16xf32> to vector<1xf32>
        %squeeze3A_1479 = vector.extract %slice3A_1478[0] : f32 from vector<1xf32>
        %add3A_1480 = arith.addf %squeeze3A_1477, %squeeze3A_1479 : f32
        %max3A_1481 = arith.constant 0.000000e+00 : f32
        %max3A_1482 = arith.maximumf %add3A_1480, %max3A_1481 : f32
        %eq3A_1483 = arith.constant 2 : i32
        %eq3A_1484 = vector.broadcast %eq3A_1483 : i32 to vector<16xi32>
        %eq3A_1485 = arith.cmpi eq, %iota3A, %eq3A_1484 : vector<16xi32>
        %jit3A_1486 = arith.constant 0.000000e+00 : f32
        %broadcast_in_dim3A_1487 = vector.broadcast %max3A_1482 : f32 to vector<16xf32>
        %broadcast_in_dim3A_1488 = vector.broadcast %jit3A_1486 : f32 to vector<16xf32>
        %select_n3A_1489 = arith.select %eq3A_1485, %broadcast_in_dim3A_1487, %broadcast_in_dim3A_1488 : vector<16xi1>, vector<16xf32>
        %add3A_1490 = arith.addf %add3A_1475, %select_n3A_1489 : vector<16xf32>
        %slice3A_1491 = vector.extract_strided_slice %add3A_1440 {offsets = [3], sizes = [1], strides = [1]} : vector<16xf32> to vector<1xf32>
        %squeeze3A_1492 = vector.extract %slice3A_1491[0] : f32 from vector<1xf32>
        %slice3A_1493 = vector.extract_strided_slice %gather3A_1446 {offsets = [3], sizes = [1], strides = [1]} : vector<16xf32> to vector<1xf32>
        %squeeze3A_1494 = vector.extract %slice3A_1493[0] : f32 from vector<1xf32>
        %add3A_1495 = arith.addf %squeeze3A_1492, %squeeze3A_1494 : f32
        %max3A_1496 = arith.constant 0.000000e+00 : f32
        %max3A_1497 = arith.maximumf %add3A_1495, %max3A_1496 : f32
        %eq3A_1498 = arith.constant 3 : i32
        %eq3A_1499 = vector.broadcast %eq3A_1498 : i32 to vector<16xi32>
        %eq3A_1500 = arith.cmpi eq, %iota3A, %eq3A_1499 : vector<16xi32>
        %jit3A_1501 = arith.constant 0.000000e+00 : f32
        %broadcast_in_dim3A_1502 = vector.broadcast %max3A_1497 : f32 to vector<16xf32>
        %broadcast_in_dim3A_1503 = vector.broadcast %jit3A_1501 : f32 to vector<16xf32>
        %select_n3A_1504 = arith.select %eq3A_1500, %broadcast_in_dim3A_1502, %broadcast_in_dim3A_1503 : vector<16xi1>, vector<16xf32>
        %add3A_1505 = arith.addf %add3A_1490, %select_n3A_1504 : vector<16xf32>
        %slice3A_1506 = vector.extract_strided_slice %add3A_1440 {offsets = [4], sizes = [1], strides = [1]} : vector<16xf32> to vector<1xf32>
        %squeeze3A_1507 = vector.extract %slice3A_1506[0] : f32 from vector<1xf32>
        %slice3A_1508 = vector.extract_strided_slice %gather3A_1446 {offsets = [4], sizes = [1], strides = [1]} : vector<16xf32> to vector<1xf32>
        %squeeze3A_1509 = vector.extract %slice3A_1508[0] : f32 from vector<1xf32>
        %add3A_1510 = arith.addf %squeeze3A_1507, %squeeze3A_1509 : f32
        %max3A_1511 = arith.constant 0.000000e+00 : f32
        %max3A_1512 = arith.maximumf %add3A_1510, %max3A_1511 : f32
        %eq3A_1513 = arith.constant 4 : i32
        %eq3A_1514 = vector.broadcast %eq3A_1513 : i32 to vector<16xi32>
        %eq3A_1515 = arith.cmpi eq, %iota3A, %eq3A_1514 : vector<16xi32>
        %jit3A_1516 = arith.constant 0.000000e+00 : f32
        %broadcast_in_dim3A_1517 = vector.broadcast %max3A_1512 : f32 to vector<16xf32>
        %broadcast_in_dim3A_1518 = vector.broadcast %jit3A_1516 : f32 to vector<16xf32>
        %select_n3A_1519 = arith.select %eq3A_1515, %broadcast_in_dim3A_1517, %broadcast_in_dim3A_1518 : vector<16xi1>, vector<16xf32>
        %add3A_1520 = arith.addf %add3A_1505, %select_n3A_1519 : vector<16xf32>
        %slice3A_1521 = vector.extract_strided_slice %add3A_1440 {offsets = [5], sizes = [1], strides = [1]} : vector<16xf32> to vector<1xf32>
        %squeeze3A_1522 = vector.extract %slice3A_1521[0] : f32 from vector<1xf32>
        %slice3A_1523 = vector.extract_strided_slice %gather3A_1446 {offsets = [5], sizes = [1], strides = [1]} : vector<16xf32> to vector<1xf32>
        %squeeze3A_1524 = vector.extract %slice3A_1523[0] : f32 from vector<1xf32>
        %add3A_1525 = arith.addf %squeeze3A_1522, %squeeze3A_1524 : f32
        %max3A_1526 = arith.constant 0.000000e+00 : f32
        %max3A_1527 = arith.maximumf %add3A_1525, %max3A_1526 : f32
        %eq3A_1528 = arith.constant 5 : i32
        %eq3A_1529 = vector.broadcast %eq3A_1528 : i32 to vector<16xi32>
        %eq3A_1530 = arith.cmpi eq, %iota3A, %eq3A_1529 : vector<16xi32>
        %jit3A_1531 = arith.constant 0.000000e+00 : f32
        %broadcast_in_dim3A_1532 = vector.broadcast %max3A_1527 : f32 to vector<16xf32>
        %broadcast_in_dim3A_1533 = vector.broadcast %jit3A_1531 : f32 to vector<16xf32>
        %select_n3A_1534 = arith.select %eq3A_1530, %broadcast_in_dim3A_1532, %broadcast_in_dim3A_1533 : vector<16xi1>, vector<16xf32>
        %add3A_1535 = arith.addf %add3A_1520, %select_n3A_1534 : vector<16xf32>
        %slice3A_1536 = vector.extract_strided_slice %add3A_1440 {offsets = [6], sizes = [1], strides = [1]} : vector<16xf32> to vector<1xf32>
        %squeeze3A_1537 = vector.extract %slice3A_1536[0] : f32 from vector<1xf32>
        %slice3A_1538 = vector.extract_strided_slice %gather3A_1446 {offsets = [6], sizes = [1], strides = [1]} : vector<16xf32> to vector<1xf32>
        %squeeze3A_1539 = vector.extract %slice3A_1538[0] : f32 from vector<1xf32>
        %add3A_1540 = arith.addf %squeeze3A_1537, %squeeze3A_1539 : f32
        %max3A_1541 = arith.constant 0.000000e+00 : f32
        %max3A_1542 = arith.maximumf %add3A_1540, %max3A_1541 : f32
        %eq3A_1543 = arith.constant 6 : i32
        %eq3A_1544 = vector.broadcast %eq3A_1543 : i32 to vector<16xi32>
        %eq3A_1545 = arith.cmpi eq, %iota3A, %eq3A_1544 : vector<16xi32>
        %jit3A_1546 = arith.constant 0.000000e+00 : f32
        %broadcast_in_dim3A_1547 = vector.broadcast %max3A_1542 : f32 to vector<16xf32>
        %broadcast_in_dim3A_1548 = vector.broadcast %jit3A_1546 : f32 to vector<16xf32>
        %select_n3A_1549 = arith.select %eq3A_1545, %broadcast_in_dim3A_1547, %broadcast_in_dim3A_1548 : vector<16xi1>, vector<16xf32>
        %add3A_1550 = arith.addf %add3A_1535, %select_n3A_1549 : vector<16xf32>
        %slice3A_1551 = vector.extract_strided_slice %add3A_1440 {offsets = [7], sizes = [1], strides = [1]} : vector<16xf32> to vector<1xf32>
        %squeeze3A_1552 = vector.extract %slice3A_1551[0] : f32 from vector<1xf32>
        %slice3A_1553 = vector.extract_strided_slice %gather3A_1446 {offsets = [7], sizes = [1], strides = [1]} : vector<16xf32> to vector<1xf32>
        %squeeze3A_1554 = vector.extract %slice3A_1553[0] : f32 from vector<1xf32>
        %add3A_1555 = arith.addf %squeeze3A_1552, %squeeze3A_1554 : f32
        %max3A_1556 = arith.constant 0.000000e+00 : f32
        %max3A_1557 = arith.maximumf %add3A_1555, %max3A_1556 : f32
        %eq3A_1558 = arith.constant 7 : i32
        %eq3A_1559 = vector.broadcast %eq3A_1558 : i32 to vector<16xi32>
        %eq3A_1560 = arith.cmpi eq, %iota3A, %eq3A_1559 : vector<16xi32>
        %jit3A_1561 = arith.constant 0.000000e+00 : f32
        %broadcast_in_dim3A_1562 = vector.broadcast %max3A_1557 : f32 to vector<16xf32>
        %broadcast_in_dim3A_1563 = vector.broadcast %jit3A_1561 : f32 to vector<16xf32>
        %select_n3A_1564 = arith.select %eq3A_1560, %broadcast_in_dim3A_1562, %broadcast_in_dim3A_1563 : vector<16xi1>, vector<16xf32>
        %add3A_1565 = arith.addf %add3A_1550, %select_n3A_1564 : vector<16xf32>
        %slice3A_1566 = vector.extract_strided_slice %add3A_1440 {offsets = [8], sizes = [1], strides = [1]} : vector<16xf32> to vector<1xf32>
        %squeeze3A_1567 = vector.extract %slice3A_1566[0] : f32 from vector<1xf32>
        %slice3A_1568 = vector.extract_strided_slice %gather3A_1446 {offsets = [8], sizes = [1], strides = [1]} : vector<16xf32> to vector<1xf32>
        %squeeze3A_1569 = vector.extract %slice3A_1568[0] : f32 from vector<1xf32>
        %add3A_1570 = arith.addf %squeeze3A_1567, %squeeze3A_1569 : f32
        %max3A_1571 = arith.constant 0.000000e+00 : f32
        %max3A_1572 = arith.maximumf %add3A_1570, %max3A_1571 : f32
        %eq3A_1573 = arith.constant 8 : i32
        %eq3A_1574 = vector.broadcast %eq3A_1573 : i32 to vector<16xi32>
        %eq3A_1575 = arith.cmpi eq, %iota3A, %eq3A_1574 : vector<16xi32>
        %jit3A_1576 = arith.constant 0.000000e+00 : f32
        %broadcast_in_dim3A_1577 = vector.broadcast %max3A_1572 : f32 to vector<16xf32>
        %broadcast_in_dim3A_1578 = vector.broadcast %jit3A_1576 : f32 to vector<16xf32>
        %select_n3A_1579 = arith.select %eq3A_1575, %broadcast_in_dim3A_1577, %broadcast_in_dim3A_1578 : vector<16xi1>, vector<16xf32>
        %add3A_1580 = arith.addf %add3A_1565, %select_n3A_1579 : vector<16xf32>
        %slice3A_1581 = vector.extract_strided_slice %add3A_1440 {offsets = [9], sizes = [1], strides = [1]} : vector<16xf32> to vector<1xf32>
        %squeeze3A_1582 = vector.extract %slice3A_1581[0] : f32 from vector<1xf32>
        %slice3A_1583 = vector.extract_strided_slice %gather3A_1446 {offsets = [9], sizes = [1], strides = [1]} : vector<16xf32> to vector<1xf32>
        %squeeze3A_1584 = vector.extract %slice3A_1583[0] : f32 from vector<1xf32>
        %add3A_1585 = arith.addf %squeeze3A_1582, %squeeze3A_1584 : f32
        %max3A_1586 = arith.constant 0.000000e+00 : f32
        %max3A_1587 = arith.maximumf %add3A_1585, %max3A_1586 : f32
        %eq3A_1588 = arith.constant 9 : i32
        %eq3A_1589 = vector.broadcast %eq3A_1588 : i32 to vector<16xi32>
        %eq3A_1590 = arith.cmpi eq, %iota3A, %eq3A_1589 : vector<16xi32>
        %jit3A_1591 = arith.constant 0.000000e+00 : f32
        %broadcast_in_dim3A_1592 = vector.broadcast %max3A_1587 : f32 to vector<16xf32>
        %broadcast_in_dim3A_1593 = vector.broadcast %jit3A_1591 : f32 to vector<16xf32>
        %select_n3A_1594 = arith.select %eq3A_1590, %broadcast_in_dim3A_1592, %broadcast_in_dim3A_1593 : vector<16xi1>, vector<16xf32>
        %add3A_1595 = arith.addf %add3A_1580, %select_n3A_1594 : vector<16xf32>
        %add3A_1596 = arith.constant 60 : i32
        %add3A_1597 = vector.broadcast %add3A_1596 : i32 to vector<16xi32>
        %add3A_1598 = arith.addi %iota3A, %add3A_1597 : vector<16xi32>
        %gather3A_1599 = tpu.vector_load_idx %arg16[%add3A_1598] : memref<112xf32, #tpu.memory_space<vmem>>[vector<16xi32>], vector<16xf32>,
        %add3A_1600 = arith.constant 10 : i32
        %add3A_1601 = vector.broadcast %add3A_1600 : i32 to vector<16xi32>
        %add3A_1602 = arith.addi %iota3A, %add3A_1601 : vector<16xi32>
        %gather3A_1603 = tpu.vector_load_idx %arg16[%add3A_1602] : memref<112xf32, #tpu.memory_space<vmem>>[vector<16xi32>], vector<16xf32>,
        %mul3A_1604 = arith.mulf %add3A_1595, %gather3A_1603 : vector<16xf32>
        %reduce_sum3A_1605 = arith.constant true
        %reduce_sum3A_1606 = vector.broadcast %reduce_sum3A_1605 : i1 to vector<16xi1>
        %reduce_sum3A_1607 = tpu.scan <sum>, %mul3A_1604 masked %reduce_sum3A_1606 : vector<16xf32>, vector<16xi1> -> vector<16xf32>
        %reduce_sum3A_1608 = vector.extract %reduce_sum3A_1607[15] : f32 from vector<16xf32>
        %slice3A_1609 = vector.extract_strided_slice %gather3A_1599 {offsets = [0], sizes = [1], strides = [1]} : vector<16xf32> to vector<1xf32>
        %squeeze3A_1610 = vector.extract %slice3A_1609[0] : f32 from vector<1xf32>
        %add3A_1611 = arith.addf %reduce_sum3A_1608, %squeeze3A_1610 : f32
        %max3A_1612 = arith.constant 0.000000e+00 : f32
        %max3A_1613 = arith.maximumf %add3A_1611, %max3A_1612 : f32
        %eq3A_1614 = arith.constant 0 : i32
        %eq3A_1615 = vector.broadcast %eq3A_1614 : i32 to vector<16xi32>
        %eq3A_1616 = arith.cmpi eq, %iota3A, %eq3A_1615 : vector<16xi32>
        %jit3A_1617 = arith.constant 0.000000e+00 : f32
        %broadcast_in_dim3A_1618 = vector.broadcast %max3A_1613 : f32 to vector<16xf32>
        %broadcast_in_dim3A_1619 = vector.broadcast %jit3A_1617 : f32 to vector<16xf32>
        %select_n3A_1620 = arith.select %eq3A_1616, %broadcast_in_dim3A_1618, %broadcast_in_dim3A_1619 : vector<16xi1>, vector<16xf32>
        %add3A_1621 = arith.addf %broadcast_in_dim3A_2, %select_n3A_1620 : vector<16xf32>
        %add3A_1622 = arith.constant 20 : i32
        %add3A_1623 = vector.broadcast %add3A_1622 : i32 to vector<16xi32>
        %add3A_1624 = arith.addi %iota3A, %add3A_1623 : vector<16xi32>
        %gather3A_1625 = tpu.vector_load_idx %arg16[%add3A_1624] : memref<112xf32, #tpu.memory_space<vmem>>[vector<16xi32>], vector<16xf32>,
        %mul3A_1626 = arith.mulf %add3A_1595, %gather3A_1625 : vector<16xf32>
        %reduce_sum3A_1627 = arith.constant true
        %reduce_sum3A_1628 = vector.broadcast %reduce_sum3A_1627 : i1 to vector<16xi1>
        %reduce_sum3A_1629 = tpu.scan <sum>, %mul3A_1626 masked %reduce_sum3A_1628 : vector<16xf32>, vector<16xi1> -> vector<16xf32>
        %reduce_sum3A_1630 = vector.extract %reduce_sum3A_1629[15] : f32 from vector<16xf32>
        %slice3A_1631 = vector.extract_strided_slice %gather3A_1599 {offsets = [1], sizes = [1], strides = [1]} : vector<16xf32> to vector<1xf32>
        %squeeze3A_1632 = vector.extract %slice3A_1631[0] : f32 from vector<1xf32>
        %add3A_1633 = arith.addf %reduce_sum3A_1630, %squeeze3A_1632 : f32
        %max3A_1634 = arith.constant 0.000000e+00 : f32
        %max3A_1635 = arith.maximumf %add3A_1633, %max3A_1634 : f32
        %eq3A_1636 = arith.constant 1 : i32
        %eq3A_1637 = vector.broadcast %eq3A_1636 : i32 to vector<16xi32>
        %eq3A_1638 = arith.cmpi eq, %iota3A, %eq3A_1637 : vector<16xi32>
        %jit3A_1639 = arith.constant 0.000000e+00 : f32
        %broadcast_in_dim3A_1640 = vector.broadcast %max3A_1635 : f32 to vector<16xf32>
        %broadcast_in_dim3A_1641 = vector.broadcast %jit3A_1639 : f32 to vector<16xf32>
        %select_n3A_1642 = arith.select %eq3A_1638, %broadcast_in_dim3A_1640, %broadcast_in_dim3A_1641 : vector<16xi1>, vector<16xf32>
        %add3A_1643 = arith.addf %add3A_1621, %select_n3A_1642 : vector<16xf32>
        %add3A_1644 = arith.constant 30 : i32
        %add3A_1645 = vector.broadcast %add3A_1644 : i32 to vector<16xi32>
        %add3A_1646 = arith.addi %iota3A, %add3A_1645 : vector<16xi32>
        %gather3A_1647 = tpu.vector_load_idx %arg16[%add3A_1646] : memref<112xf32, #tpu.memory_space<vmem>>[vector<16xi32>], vector<16xf32>,
        %mul3A_1648 = arith.mulf %add3A_1595, %gather3A_1647 : vector<16xf32>
        %reduce_sum3A_1649 = arith.constant true
        %reduce_sum3A_1650 = vector.broadcast %reduce_sum3A_1649 : i1 to vector<16xi1>
        %reduce_sum3A_1651 = tpu.scan <sum>, %mul3A_1648 masked %reduce_sum3A_1650 : vector<16xf32>, vector<16xi1> -> vector<16xf32>
        %reduce_sum3A_1652 = vector.extract %reduce_sum3A_1651[15] : f32 from vector<16xf32>
        %slice3A_1653 = vector.extract_strided_slice %gather3A_1599 {offsets = [2], sizes = [1], strides = [1]} : vector<16xf32> to vector<1xf32>
        %squeeze3A_1654 = vector.extract %slice3A_1653[0] : f32 from vector<1xf32>
        %add3A_1655 = arith.addf %reduce_sum3A_1652, %squeeze3A_1654 : f32
        %max3A_1656 = arith.constant 0.000000e+00 : f32
        %max3A_1657 = arith.maximumf %add3A_1655, %max3A_1656 : f32
        %eq3A_1658 = arith.constant 2 : i32
        %eq3A_1659 = vector.broadcast %eq3A_1658 : i32 to vector<16xi32>
        %eq3A_1660 = arith.cmpi eq, %iota3A, %eq3A_1659 : vector<16xi32>
        %jit3A_1661 = arith.constant 0.000000e+00 : f32
        %broadcast_in_dim3A_1662 = vector.broadcast %max3A_1657 : f32 to vector<16xf32>
        %broadcast_in_dim3A_1663 = vector.broadcast %jit3A_1661 : f32 to vector<16xf32>
        %select_n3A_1664 = arith.select %eq3A_1660, %broadcast_in_dim3A_1662, %broadcast_in_dim3A_1663 : vector<16xi1>, vector<16xf32>
        %add3A_1665 = arith.addf %add3A_1643, %select_n3A_1664 : vector<16xf32>
        %add3A_1666 = arith.constant 40 : i32
        %add3A_1667 = vector.broadcast %add3A_1666 : i32 to vector<16xi32>
        %add3A_1668 = arith.addi %iota3A, %add3A_1667 : vector<16xi32>
        %gather3A_1669 = tpu.vector_load_idx %arg16[%add3A_1668] : memref<112xf32, #tpu.memory_space<vmem>>[vector<16xi32>], vector<16xf32>,
        %mul3A_1670 = arith.mulf %add3A_1595, %gather3A_1669 : vector<16xf32>
        %reduce_sum3A_1671 = arith.constant true
        %reduce_sum3A_1672 = vector.broadcast %reduce_sum3A_1671 : i1 to vector<16xi1>
        %reduce_sum3A_1673 = tpu.scan <sum>, %mul3A_1670 masked %reduce_sum3A_1672 : vector<16xf32>, vector<16xi1> -> vector<16xf32>
        %reduce_sum3A_1674 = vector.extract %reduce_sum3A_1673[15] : f32 from vector<16xf32>
        %slice3A_1675 = vector.extract_strided_slice %gather3A_1599 {offsets = [3], sizes = [1], strides = [1]} : vector<16xf32> to vector<1xf32>
        %squeeze3A_1676 = vector.extract %slice3A_1675[0] : f32 from vector<1xf32>
        %add3A_1677 = arith.addf %reduce_sum3A_1674, %squeeze3A_1676 : f32
        %max3A_1678 = arith.constant 0.000000e+00 : f32
        %max3A_1679 = arith.maximumf %add3A_1677, %max3A_1678 : f32
        %eq3A_1680 = arith.constant 3 : i32
        %eq3A_1681 = vector.broadcast %eq3A_1680 : i32 to vector<16xi32>
        %eq3A_1682 = arith.cmpi eq, %iota3A, %eq3A_1681 : vector<16xi32>
        %jit3A_1683 = arith.constant 0.000000e+00 : f32
        %broadcast_in_dim3A_1684 = vector.broadcast %max3A_1679 : f32 to vector<16xf32>
        %broadcast_in_dim3A_1685 = vector.broadcast %jit3A_1683 : f32 to vector<16xf32>
        %select_n3A_1686 = arith.select %eq3A_1682, %broadcast_in_dim3A_1684, %broadcast_in_dim3A_1685 : vector<16xi1>, vector<16xf32>
        %add3A_1687 = arith.addf %add3A_1665, %select_n3A_1686 : vector<16xf32>
        %add3A_1688 = arith.constant 50 : i32
        %add3A_1689 = vector.broadcast %add3A_1688 : i32 to vector<16xi32>
        %add3A_1690 = arith.addi %iota3A, %add3A_1689 : vector<16xi32>
        %gather3A_1691 = tpu.vector_load_idx %arg16[%add3A_1690] : memref<112xf32, #tpu.memory_space<vmem>>[vector<16xi32>], vector<16xf32>,
        %mul3A_1692 = arith.mulf %add3A_1595, %gather3A_1691 : vector<16xf32>
        %reduce_sum3A_1693 = arith.constant true
        %reduce_sum3A_1694 = vector.broadcast %reduce_sum3A_1693 : i1 to vector<16xi1>
        %reduce_sum3A_1695 = tpu.scan <sum>, %mul3A_1692 masked %reduce_sum3A_1694 : vector<16xf32>, vector<16xi1> -> vector<16xf32>
        %reduce_sum3A_1696 = vector.extract %reduce_sum3A_1695[15] : f32 from vector<16xf32>
        %slice3A_1697 = vector.extract_strided_slice %gather3A_1599 {offsets = [4], sizes = [1], strides = [1]} : vector<16xf32> to vector<1xf32>
        %squeeze3A_1698 = vector.extract %slice3A_1697[0] : f32 from vector<1xf32>
        %add3A_1699 = arith.addf %reduce_sum3A_1696, %squeeze3A_1698 : f32
        %max3A_1700 = arith.constant 0.000000e+00 : f32
        %max3A_1701 = arith.maximumf %add3A_1699, %max3A_1700 : f32
        %eq3A_1702 = arith.constant 4 : i32
        %eq3A_1703 = vector.broadcast %eq3A_1702 : i32 to vector<16xi32>
        %eq3A_1704 = arith.cmpi eq, %iota3A, %eq3A_1703 : vector<16xi32>
        %jit3A_1705 = arith.constant 0.000000e+00 : f32
        %broadcast_in_dim3A_1706 = vector.broadcast %max3A_1701 : f32 to vector<16xf32>
        %broadcast_in_dim3A_1707 = vector.broadcast %jit3A_1705 : f32 to vector<16xf32>
        %select_n3A_1708 = arith.select %eq3A_1704, %broadcast_in_dim3A_1706, %broadcast_in_dim3A_1707 : vector<16xi1>, vector<16xf32>
        %add3A_1709 = arith.addf %add3A_1687, %select_n3A_1708 : vector<16xf32>
        %add3A_1710 = arith.constant 80 : i32
        %add3A_1711 = vector.broadcast %add3A_1710 : i32 to vector<16xi32>
        %add3A_1712 = arith.addi %iota3A, %add3A_1711 : vector<16xi32>
        %gather3A_1713 = tpu.vector_load_idx %arg16[%add3A_1712] : memref<112xf32, #tpu.memory_space<vmem>>[vector<16xi32>], vector<16xf32>,
        %add3A_1714 = arith.constant 65 : i32
        %add3A_1715 = vector.broadcast %add3A_1714 : i32 to vector<16xi32>
        %add3A_1716 = arith.addi %iota3A, %add3A_1715 : vector<16xi32>
        %gather3A_1717 = tpu.vector_load_idx %arg16[%add3A_1716] : memref<112xf32, #tpu.memory_space<vmem>>[vector<16xi32>], vector<16xf32>,
        %mul3A_1718 = arith.mulf %add3A_1709, %gather3A_1717 : vector<16xf32>
        %reduce_sum3A_1719 = arith.constant true
        %reduce_sum3A_1720 = vector.broadcast %reduce_sum3A_1719 : i1 to vector<16xi1>
        %reduce_sum3A_1721 = tpu.scan <sum>, %mul3A_1718 masked %reduce_sum3A_1720 : vector<16xf32>, vector<16xi1> -> vector<16xf32>
        %reduce_sum3A_1722 = vector.extract %reduce_sum3A_1721[15] : f32 from vector<16xf32>
        %slice3A_1723 = vector.extract_strided_slice %gather3A_1713 {offsets = [0], sizes = [1], strides = [1]} : vector<16xf32> to vector<1xf32>
        %squeeze3A_1724 = vector.extract %slice3A_1723[0] : f32 from vector<1xf32>
        %add3A_1725 = arith.addf %reduce_sum3A_1722, %squeeze3A_1724 : f32
        %max3A_1726 = arith.constant 0.000000e+00 : f32
        %max3A_1727 = arith.maximumf %add3A_1725, %max3A_1726 : f32
        %eq3A_1728 = arith.constant 0 : i32
        %eq3A_1729 = vector.broadcast %eq3A_1728 : i32 to vector<16xi32>
        %eq3A_1730 = arith.cmpi eq, %iota3A, %eq3A_1729 : vector<16xi32>
        %jit3A_1731 = arith.constant 0.000000e+00 : f32
        %broadcast_in_dim3A_1732 = vector.broadcast %max3A_1727 : f32 to vector<16xf32>
        %broadcast_in_dim3A_1733 = vector.broadcast %jit3A_1731 : f32 to vector<16xf32>
        %select_n3A_1734 = arith.select %eq3A_1730, %broadcast_in_dim3A_1732, %broadcast_in_dim3A_1733 : vector<16xi1>, vector<16xf32>
        %add3A_1735 = arith.addf %broadcast_in_dim3A_2, %select_n3A_1734 : vector<16xf32>
        %add3A_1736 = arith.constant 70 : i32
        %add3A_1737 = vector.broadcast %add3A_1736 : i32 to vector<16xi32>
        %add3A_1738 = arith.addi %iota3A, %add3A_1737 : vector<16xi32>
        %gather3A_1739 = tpu.vector_load_idx %arg16[%add3A_1738] : memref<112xf32, #tpu.memory_space<vmem>>[vector<16xi32>], vector<16xf32>,
        %mul3A_1740 = arith.mulf %add3A_1709, %gather3A_1739 : vector<16xf32>
        %reduce_sum3A_1741 = arith.constant true
        %reduce_sum3A_1742 = vector.broadcast %reduce_sum3A_1741 : i1 to vector<16xi1>
        %reduce_sum3A_1743 = tpu.scan <sum>, %mul3A_1740 masked %reduce_sum3A_1742 : vector<16xf32>, vector<16xi1> -> vector<16xf32>
        %reduce_sum3A_1744 = vector.extract %reduce_sum3A_1743[15] : f32 from vector<16xf32>
        %slice3A_1745 = vector.extract_strided_slice %gather3A_1713 {offsets = [1], sizes = [1], strides = [1]} : vector<16xf32> to vector<1xf32>
        %squeeze3A_1746 = vector.extract %slice3A_1745[0] : f32 from vector<1xf32>
        %add3A_1747 = arith.addf %reduce_sum3A_1744, %squeeze3A_1746 : f32
        %max3A_1748 = arith.constant 0.000000e+00 : f32
        %max3A_1749 = arith.maximumf %add3A_1747, %max3A_1748 : f32
        %eq3A_1750 = arith.constant 1 : i32
        %eq3A_1751 = vector.broadcast %eq3A_1750 : i32 to vector<16xi32>
        %eq3A_1752 = arith.cmpi eq, %iota3A, %eq3A_1751 : vector<16xi32>
        %jit3A_1753 = arith.constant 0.000000e+00 : f32
        %broadcast_in_dim3A_1754 = vector.broadcast %max3A_1749 : f32 to vector<16xf32>
        %broadcast_in_dim3A_1755 = vector.broadcast %jit3A_1753 : f32 to vector<16xf32>
        %select_n3A_1756 = arith.select %eq3A_1752, %broadcast_in_dim3A_1754, %broadcast_in_dim3A_1755 : vector<16xi1>, vector<16xf32>
        %add3A_1757 = arith.addf %add3A_1735, %select_n3A_1756 : vector<16xf32>
        %add3A_1758 = arith.constant 75 : i32
        %add3A_1759 = vector.broadcast %add3A_1758 : i32 to vector<16xi32>
        %add3A_1760 = arith.addi %iota3A, %add3A_1759 : vector<16xi32>
        %gather3A_1761 = tpu.vector_load_idx %arg16[%add3A_1760] : memref<112xf32, #tpu.memory_space<vmem>>[vector<16xi32>], vector<16xf32>,
        %mul3A_1762 = arith.mulf %add3A_1709, %gather3A_1761 : vector<16xf32>
        %reduce_sum3A_1763 = arith.constant true
        %reduce_sum3A_1764 = vector.broadcast %reduce_sum3A_1763 : i1 to vector<16xi1>
        %reduce_sum3A_1765 = tpu.scan <sum>, %mul3A_1762 masked %reduce_sum3A_1764 : vector<16xf32>, vector<16xi1> -> vector<16xf32>
        %reduce_sum3A_1766 = vector.extract %reduce_sum3A_1765[15] : f32 from vector<16xf32>
        %slice3A_1767 = vector.extract_strided_slice %gather3A_1713 {offsets = [2], sizes = [1], strides = [1]} : vector<16xf32> to vector<1xf32>
        %squeeze3A_1768 = vector.extract %slice3A_1767[0] : f32 from vector<1xf32>
        %add3A_1769 = arith.addf %reduce_sum3A_1766, %squeeze3A_1768 : f32
        %max3A_1770 = arith.constant 0.000000e+00 : f32
        %max3A_1771 = arith.maximumf %add3A_1769, %max3A_1770 : f32
        %eq3A_1772 = arith.constant 2 : i32
        %eq3A_1773 = vector.broadcast %eq3A_1772 : i32 to vector<16xi32>
        %eq3A_1774 = arith.cmpi eq, %iota3A, %eq3A_1773 : vector<16xi32>
        %jit3A_1775 = arith.constant 0.000000e+00 : f32
        %broadcast_in_dim3A_1776 = vector.broadcast %max3A_1771 : f32 to vector<16xf32>
        %broadcast_in_dim3A_1777 = vector.broadcast %jit3A_1775 : f32 to vector<16xf32>
        %select_n3A_1778 = arith.select %eq3A_1774, %broadcast_in_dim3A_1776, %broadcast_in_dim3A_1777 : vector<16xi1>, vector<16xf32>
        %add3A_1779 = arith.addf %add3A_1757, %select_n3A_1778 : vector<16xf32>
        %add3A_1780 = arith.constant 83 : i32
        %add3A_1781 = vector.broadcast %add3A_1780 : i32 to vector<16xi32>
        %add3A_1782 = arith.addi %iota3A, %add3A_1781 : vector<16xi32>
        %gather3A_1783 = tpu.vector_load_idx %arg16[%add3A_1782] : memref<112xf32, #tpu.memory_space<vmem>>[vector<16xi32>], vector<16xf32>,
        %mul3A_1784 = arith.mulf %add3A_1779, %gather3A_1783 : vector<16xf32>
        %reduce_sum3A_1785 = arith.constant true
        %reduce_sum3A_1786 = vector.broadcast %reduce_sum3A_1785 : i1 to vector<16xi1>
        %reduce_sum3A_1787 = tpu.scan <sum>, %mul3A_1784 masked %reduce_sum3A_1786 : vector<16xf32>, vector<16xi1> -> vector<16xf32>
        %reduce_sum3A_1788 = vector.extract %reduce_sum3A_1787[15] : f32 from vector<16xf32>
        %add3A_1789 = arith.constant 86 : i32
        %add3A_1790 = vector.broadcast %add3A_1789 : i32 to vector<16xi32>
        %add3A_1791 = arith.addi %iota3A, %add3A_1790 : vector<16xi32>
        %gather3A_1792 = tpu.vector_load_idx %arg16[%add3A_1791] : memref<112xf32, #tpu.memory_space<vmem>>[vector<16xi32>], vector<16xf32>,
        %mul3A_1793 = arith.mulf %add3A_1419, %add3A_1419 : vector<16xf32>
        %reduce_sum3A_1794 = arith.constant true
        %reduce_sum3A_1795 = vector.broadcast %reduce_sum3A_1794 : i1 to vector<16xi1>
        %reduce_sum3A_1796 = tpu.scan <sum>, %mul3A_1793 masked %reduce_sum3A_1795 : vector<16xf32>, vector<16xi1> -> vector<16xf32>
        %reduce_sum3A_1797 = vector.extract %reduce_sum3A_1796[15] : f32 from vector<16xf32>
        %reduce_sum3A_1798 = arith.constant true
        %reduce_sum3A_1799 = vector.broadcast %reduce_sum3A_1798 : i1 to vector<16xi1>
        %reduce_sum3A_1800 = tpu.scan <sum>, %add3A_1426 masked %reduce_sum3A_1799 : vector<16xf32>, vector<16xi1> -> vector<16xf32>
        %reduce_sum3A_1801 = vector.extract %reduce_sum3A_1800[15] : f32 from vector<16xf32>
        %sub3A_1802 = arith.subf %reduce_sum3A_1797, %reduce_sum3A_1801 : f32
        %mul3A_1803 = arith.constant 5.000000e-01 : f32
        %mul3A_1804 = arith.mulf %mul3A_1803, %sub3A_1802 : f32
        %add3A_1805 = arith.addf %mul3A_1804, %squeeze3A_1442 : f32
        %slice3A_1806 = vector.extract_strided_slice %gather3A_1792 {offsets = [1], sizes = [1], strides = [1]} : vector<16xf32> to vector<1xf32>
        %squeeze3A_1807 = vector.extract %slice3A_1806[0] : f32 from vector<1xf32>
        %add3A_1808 = arith.addf %add3A_1805, %squeeze3A_1807 : f32
        %add3A_1809 = arith.addf %add3A_1808, %reduce_sum3A_1788 : f32
        %slice3A_1810 = vector.extract_strided_slice %gather3A_1792 {offsets = [0], sizes = [1], strides = [1]} : vector<16xf32> to vector<1xf32>
        %squeeze3A_1811 = vector.extract %slice3A_1810[0] : f32 from vector<1xf32>
        %add3A_1812 = arith.addf %add3A_1809, %squeeze3A_1811 : f32
        %eq3A_1813 = arith.constant 0 : i32
        %eq3A_1814 = vector.broadcast %eq3A_1813 : i32 to vector<16xi32>
        %eq3A_1815 = arith.cmpi eq, %iota3A, %eq3A_1814 : vector<16xi32>
        %jit3A_1816 = arith.constant 0.000000e+00 : f32
        %broadcast_in_dim3A_1817 = vector.broadcast %add3A_1812 : f32 to vector<16xf32>
        %broadcast_in_dim3A_1818 = vector.broadcast %jit3A_1816 : f32 to vector<16xf32>
        %select_n3A_1819 = arith.select %eq3A_1815, %broadcast_in_dim3A_1817, %broadcast_in_dim3A_1818 : vector<16xi1>, vector<16xf32>
        %swap3A_1820 = arith.constant 0 : index
        %swap3A_1821 = tpu.vector_load %arg17[%swap3A_1820] {strides = array<i32>} : memref<16xf32, #tpu.memory_space<vmem>>, vector<16xf32>,
        tpu.vector_store %arg17[%swap3A_1820], %select_n3A_1819 {strides = array<i32>} : memref<16xf32, #tpu.memory_space<vmem>>, vector<16xf32>,
        "tpu.region"() ({
          %run_scoped3A = tpu.sem_alloc : memref<!tpu.dma_semaphore, #tpu.memory_space<semaphore_mem>>
          %dma_start3A_1822 = arith.constant 0 : i32
          %dma_start3A_1823 = tpu.memref_slice %arg17[%dma_start3A_1822] : memref<16xf32, #tpu.memory_space<vmem>> -> memref<1xf32, #tpu.memory_space<vmem>>
          %dma_start3A_1824 = arith.constant 0 : i32
          %dma_start3A_1825 = tpu.memref_slice %arg17[%dma_start3A_1824] : memref<16xf32, #tpu.memory_space<vmem>> -> memref<1xf32, #tpu.memory_space<vmem>>
          tpu.enqueue_dma source(%dma_start3A_1825 : memref<1xf32, #tpu.memory_space<vmem>>) target(%arg7 : memref<1xf32, #tpu.memory_space<hbm>>) target_semaphore(%run_scoped3A : memref<!tpu.dma_semaphore, #tpu.memory_space<semaphore_mem>>)
          %dma_wait3A_1826 = arith.constant 0 : i32
          %dma_wait3A_1827 = tpu.memref_slice %arg17[%dma_wait3A_1826] : memref<16xf32, #tpu.memory_space<vmem>> -> memref<1xf32, #tpu.memory_space<vmem>>
          %dma_wait3A_1828 = arith.constant 0 : i32
          %dma_wait3A_1829 = tpu.memref_slice %arg17[%dma_wait3A_1828] : memref<16xf32, #tpu.memory_space<vmem>> -> memref<1xf32, #tpu.memory_space<vmem>>
          tpu.wait_dma2 semaphore(%run_scoped3A : memref<!tpu.dma_semaphore, #tpu.memory_space<semaphore_mem>>) src(%dma_wait3A_1829 : memref<1xf32, #tpu.memory_space<vmem>>) dst(%arg7 : memref<1xf32, #tpu.memory_space<hbm>>)
          tpu.yield
        }) : () -> ()
      } else {
      }
    } else {
    }
    return
  }
}

</mosaic_0001>

<sc_bundles>
// kernel: kernel.3.cloned.1.call-start
scs
__scs_entry_jumppad:
0x0: {  	(pc) =	sbr.rel $0x88, $3  }
0x1: {  	(tag) =	ssettag $0x0;
	lr =	simm.s32 $0x1  }
0x2: {  	[smem:$0x3F95] =	sst lr;
	_ =	strace $0xD0000000  }
0x3: {  	_ = 	snop  }
0x4: {  	_ = 	snop  }
0x5: {  	_ = 	snop  }
0x6: {  	_ = 	snop  }
0x7: {  	_ = 	snop  }
__scs_overlays_trampoline_lowered:
0x8: {  	[smem:$0x3FA4] =	sst s0  }
0x9: {  	[smem:$0x3FA5] =	sst s1  }
0xa: {  	[smem:$0x3FA6] =	sst s2  }
0xb: {  	[smem:$0x3FA7] =	sst s3  }
0xc: {  	[smem:$0x3FA8] =	sst s4  }
0xd: {  	[smem:$0x3FA9] =	sst s5  }
0xe: {  	[smem:$0x3FAA] =	sst s6  }
0xf: {  	[smem:$0x3FAB] =	sst s7  }
0x10: {  	[smem:$0x3FAC] =	sst s8  }
0x11: {  	[smem:$0x3FAD] =	sst s9;
	s0 =	simm.s32 @!p0 $0x0  }
0x12: {  	s1 =	sld [smem:$0x3F93];
	s0 =	simm.s32 @p0 $0x1  }
0x13: {  	[smem:$0x3FAE] =	sst s0;
	s0 =	simm.s32 @!p1 $0x0  }
0x14: {  	s2 =	sld [smem:$0x3F92];
	s0 =	simm.s32 @p1 $0x1  }
0x15: {  	[smem:$0x3FAF] =	sst s0;
	s0 =	simm.s32 @!p2 $0x0  }
0x16: {  	s3 =	sld [smem:$0x3FDB];
	s0 =	simm.s32 @p2 $0x1  }
0x17: {  	s4 =	simm.s32 $0x1BF5;
	[smem:$0x3FB1] =	sst s0  }
0x18: {  	s0 =	sld [smem:$0x3F94];
	_ =	swait.ge [sflag:s4], $0x0  }
0x19: {  	s7 =	sld [smem:$0x3F95]  }
0x1a: {  	s8 =	sadd.s32 $0xFFFFE003, lr  }
0x1b: {  	s9 =	sadd.s32 $0xFFFFFEF7, lr;
	s5 =	simm.s32 $0xFFFFFFFF;
	p2 =	slt.u32 s8, $0xFFFFF086  }
0x1c: {  	p1 =	slt.u32 s9, $0xF7A;
	s5 =	simm.s32 @!p2 $0x0  }
0x1d: {  	s5 =	simm.s32 @p1 $0x1;
	p0 =	seq.s32 s7, s2  }
0x1e: {  	s7 =	smul.u32 @!p0 $0xF7A, s2;
	p2 =	seq.s32 @!p0 s5, $0x0  }
0x1f: {  	s9 =	smul.u32 $0xF7A, s1;
	s8 =	simm.s32 @!p0 $0x1BF5;
	p2 =	por !p2, p0  }
0x20: {  	[sflag:s8] =	ssyncset.s32 @!p0 $0xFFFFF086;
	s6 =	sadd.s32 @!p0 s3, s7;
	s7 =	simm.s32 @!p0 $0x108  }
0x21: {  	s3 =	sadd.s32 s3, s9;
	s6 =	sadd.s32 @!p0 $0x88, s6;
	s7 =	simm.s32 @p2 $0x1082  }
0x22: {  	[simem:s7], [sflag:s8] =	dma.local @!p0 [hbm:s6], $0xF7A  }
0x23: {  	s9 =	sor.u32 $0xD0000000, s2;
	s6 =	simm.s32 $0x108;
	_ =	swait.ge @!p0 [sflag:s8], $0x0  }
0x24: {  	s3 =	sadd.s32 $0x88, s3;
	s6 =	simm.s32 @!p1 $0x1082;
	[sflag:s4] =	ssyncset.s32 $0xFFFFF086  }
0x25: {  	[simem:s6], [sflag:s4] =	dma.local [hbm:s3], $0xF7A  }
0x26: {  	[smem:$0x3F95] =	sst s1;
	(tag) =	ssettag s2;
	_ =	strace s9  }
0x27: {  	s1 =	sld [smem:$0x3FA5]  }
0x28: {  	s2 =	sld [smem:$0x3FA6]  }
0x29: {  	s4 =	sld [smem:$0x3FA8]  }
0x2a: {  	p0 =	seq.s32 s5, $0x0;
	s5 =	sld [smem:$0x3FA9]  }
0x2b: {  	s6 =	sld [smem:$0x3FAA]  }
0x2c: {  	s7 =	sld [smem:$0x3FAB]  }
0x2d: {  	s3 =	simm.s32 $0x108;
	s8 =	sld [smem:$0x3FAC]  }
0x2e: {  	s3 =	simm.s32 @!p0 $0x1082;
	s9 =	sld [smem:$0x3FAD]  }
0x2f: {  	lr =	sadd.s32 s0, s3;
	s0 =	sld [smem:$0x3FA4]  }
0x30: {  	s3 =	sld [smem:$0x3FA7]  }
0x31: {  	[smem:$0x3FB0] =	sst s10  }
0x32: {  	s10 =	sld [smem:$0x3FAE];
	_ =	sdelay $0x3  }
0x33: {  	p0 =	seq.s32 s10, $0x1;
	s10 =	sld [smem:$0x3FB0];
	_ =	sdelay $0x3  }
0x34: {  	[smem:$0x3FB0] =	sst s10  }
0x35: {  	s10 =	sld [smem:$0x3FAF];
	_ =	sdelay $0x3  }
0x36: {  	p1 =	seq.s32 s10, $0x1;
	s10 =	sld [smem:$0x3FB0];
	_ =	sdelay $0x3  }
0x37: {  	[smem:$0x3FB0] =	sst s10  }
0x38: {  	s10 =	sld [smem:$0x3FB1]  }
0x39: {  	_ = 	snop;
	(pc) =	sbr.ind lr, $3  }
0x3a: {  	_ = 	snop  }
0x3b: {  	_ = 	snop  }
0x3c: {  	p2 =	seq.s32 s10, $0x1;
	s10 =	sld [smem:$0x3FB0]  }
0x3d: {  	_ =	shalt  }
0x3e: {  	_ =	shalt  }
0x3f: {  	_ =	shalt  }
0x40: {  	_ =	shalt  }
0x41: {  	_ =	shalt  }
0x42: {  	_ =	shalt  }
0x43: {  	_ =	shalt  }
0x44: {  	_ =	shalt  }
0x45: {  	_ =	shalt  }
0x46: {  	_ =	shalt  }
0x47: {  	_ =	shalt  }
0x48: {  	_ =	shalt  }
0x49: {  	_ =	shalt  }
0x4a: {  	_ =	shalt  }
0x4b: {  	_ =	shalt  }
0x4c: {  	_ =	shalt  }
0x4d: {  	_ =	shalt  }
0x4e: {  	_ =	shalt  }
0x4f: {  	_ =	shalt  }
0x50: {  	_ =	shalt  }
0x51: {  	_ =	shalt  }
0x52: {  	_ =	shalt  }
0x53: {  	_ =	shalt  }
0x54: {  	_ =	shalt  }
0x55: {  	_ =	shalt  }
0x56: {  	_ =	shalt  }
0x57: {  	_ =	shalt  }
0x58: {  	_ =	shalt  }
0x59: {  	_ =	shalt  }
0x5a: {  	_ =	shalt  }
0x5b: {  	_ =	shalt  }
0x5c: {  	_ =	shalt  }
0x5d: {  	_ =	shalt  }
0x5e: {  	_ =	shalt  }
0x5f: {  	_ =	shalt  }
0x60: {  	_ =	shalt  }
0x61: {  	_ =	shalt  }
0x62: {  	_ =	shalt  }
0x63: {  	_ =	shalt  }
0x64: {  	_ =	shalt  }
0x65: {  	_ =	shalt  }
0x66: {  	_ =	shalt  }
0x67: {  	_ =	shalt  }
0x68: {  	_ =	shalt  }
0x69: {  	_ =	shalt  }
0x6a: {  	_ =	shalt  }
0x6b: {  	_ =	shalt  }
0x6c: {  	_ =	shalt  }
0x6d: {  	_ =	shalt  }
0x6e: {  	_ =	shalt  }
0x6f: {  	_ =	shalt  }
0x70: {  	_ =	shalt  }
0x71: {  	_ =	shalt  }
0x72: {  	_ =	shalt  }
0x73: {  	_ =	shalt  }
0x74: {  	_ =	shalt  }
0x75: {  	_ =	shalt  }
0x76: {  	_ =	shalt  }
0x77: {  	_ =	shalt  }
0x78: {  	_ =	shalt  }
0x79: {  	_ =	shalt  }
0x7a: {  	_ =	shalt  }
0x7b: {  	_ =	shalt  }
0x7c: {  	_ =	shalt  }
0x7d: {  	_ =	shalt  }
0x7e: {  	_ =	shalt  }
0x7f: {  	_ =	shalt  }
0x80: {  	_ =	shalt  }
0x81: {  	_ =	shalt  }
0x82: {  	_ =	shalt  }
0x83: {  	_ =	shalt  }
0x84: {  	_ =	shalt  }
0x85: {  	_ =	shalt  }
0x86: {  	_ =	shalt  }
0x87: {  	_ =	shalt  }
.Lfunc_end0:
.L_simem_size_0:
called_computation_lowered:
.L_overlay_start_0:
0x88: {  	s2 =	sld [smem:$0x3FD9]  }
0x89: {  	s3 =	sld [smem:$0x3FFE];
	_ =	sdelay $0x1  }
0x8a: {  	s1 =	srdreg.scid  }
0x8b: {  	s0 =	sand.u32 $0x1, s1  }
0x8c: {  	s17 =	sshll.u32 s0, $0xA;
	s2 =	sadd.s32 s3, s2  }
0x8d: {  	s2 =	sadd.s32 s2, s17  }
0x8e: {  	[smem:$0x3FBC] =	sst s2  }
0x8f: {  	_ = 	snop  }
0x90: {  	s2 =	sld [smem:$0x3FC9]  }
0x91: {  	s18 =	sld [smem:$0x3FC8]  }
0x92: {  	s4 =	sld [smem:$0x3FC7]  }
0x93: {  	s5 =	sld [smem:$0x3FC5]  }
0x94: {  	s6 =	sld [smem:$0x3FD0];
	(tm) =	ssettm $0x1  }
0x95: {  	s7 =	sld [smem:$0x3FFB];
	_ =	sdelay $0x3  }
0x96: {  	_ =	strace s7  }
0x97: {  	s7 =	sld [smem:$0x3FFC];
	_ =	sdelay $0x3  }
0x98: {  	_ =	strace s7  }
0x99: {  	s7 =	sld [smem:$0x3FFD];
	_ =	sdelay $0x3  }
0x9a: {  	_ =	strace s7  }
0x9b: {  	_ =	strace $0x8FFFFFFF  }
0x9c: {  	s19 =	sld [smem:$0x3FDB];
	_ =	sdelay $0x1  }
0x9d: {  	s8 =	simm.s32 $_scs_section_size  }
0x9e: {  	s9 =	simm.s32 $_size__tile_overlayer_lowered;
	s10 =	simm.s32 $_tile_overlayer_lowered  }
0x9f: {  	s22 =	simm.s32 $0x1BFF;
	s21 =	sshll.u32 s10, $0x1;
	s7 =	sadd.s32 s8, s19  }
0xa0: {  	s11 =	simm.s32 $0x0;
	s20 =	sshll.u32 s9, $0x1;
	s9 =	sadd.s32 s21, s7  }
0xa1: {  	[timem:s11], [sflag:s22] =	dma.local [hbm:s9], s20  }
0xa2: {  	_ =	swait.ge [sflag:s22], s20  }
0xa3: {  	s8 =	ssub.s32 $0x0, s20;
	[sflag:s22] =	ssyncset.done $0x0  }
0xa4: {  	[sflag:s22] =	ssyncadd.s32 s8;
	_ =	sdelay $0x1  }
0xa5: {  	s23 =	simm.s32 $0x1B8B  }
0xa6: {  	_ =	swait.ge [sflag:s23], $0x1  }
0xa7: {  	[sflag:s23] =	ssyncset.done $0x0  }
0xa8: {  	s25 =	simm.s32 $0x1B8E;
	s24 =	sld [smem:$0x3FFE];
	[sflag:s23] =	ssyncadd.s32 $0xFFFFFFFF  }
0xa9: {  	s26 =	simm.s32 $execute0_lowered;
	[smem:$0x3FD2] =	sst s25  }
0xaa: {  	s9 =	sshll.u32 s26, $0x1;
	_ =	strace $0x80000046;
	[dreg:$0x1] =	wrdreg $0xFFFFFFFF  }
0xab: {  	s28 =	simm.s32 $_size_execute0_lowered;
	s7 =	sadd.s32 s7, s9;
	[dreg:$0x0] =	wrdreg $0x0  }
0xac: {  	s9 =	sshll.u32 s28, $0x1;
	[dreg:$0x2] =	wrdreg s7  }
0xad: {  	[dreg:$0x3] =	wrdreg s9  }
0xae: {  	[dreg:$0x4] =	wrdreg $0xC0  }
0xaf: {  	_ =	task [dreg:s11], $0x5FFFF  }
0xb0: {  	[dreg:$0x1] =	wrdreg $0xFFFFFFFF  }
0xb1: {  	[dreg:$0x0] =	wrdreg $0x60  }
0xb2: {  	[dreg:$0x2] =	wrdreg s2  }
0xb3: {  	[dreg:$0x3] =	wrdreg s18  }
0xb4: {  	[dreg:$0x4] =	wrdreg s4  }
0xb5: {  	[dreg:$0x5] =	wrdreg s5  }
0xb6: {  	[dreg:$0x6] =	wrdreg s24  }
0xb7: {  	[dreg:$0x7] =	wrdreg s6  }
0xb8: {  	[dreg:$0x8] =	wrdreg $0x10B800  }
0xb9: {  	[dreg:$0x9] =	wrdreg $0x10BF00  }
0xba: {  	[dreg:$0xa] =	wrdreg $0x9  }
0xbb: {  	_ =	task.clear_ibuf [dreg:s11], $0xBFFFF;
	_ =	strace $0x90000046  }
0xbc: {  	s29 =	simm.s32 $0x9;
	_ =	strace $0x80000048  }
0xbd: {  	_ =	swait.ge [sflag:s29], $0x1  }
0xbe: {  	[sflag:s29] =	ssyncadd.s32 $0xFFFFFFFF  }
0xbf: {  	_ =	strace $0x90000048  }
0xc0: {  	_ =	sfence  }
0xc1: {  	s30 =	sld [smem:$0x0];
	_ =	sdelay $0x2  }
0xc2: {  	s31 =	sshll.u32 s1, $0xD;
	s1 =	sshrl.u32 s1, $0x2  }
0xc3: {  	s3 =	sand.u32 $0x4000, s31;
	s1 =	sadd.s32 s1, s30  }
0xc4: {  	s0 =	sor.u32 s3, s0;
	s1 =	sshll.u32 s1, $0x11  }
0xc5: {  	s0 =	sor.u32 s1, s0  }
0xc6: {  	s0 =	sadd.s32 $0x8F2B, s0  }
0xc7: {  	[sflag:s0] =	ssyncadd.remote.s32 $0x1  }
0xc8: {  	_ =	sfence.sel $0xFFFF  }
0xc9: {  	[dreg:$0x0] =	wrdreg $0xFFFFFFFF;
	(pc) =	sbr.abs _section_cstart, $3  }
0xca: {  	[dreg:$0x1] =	wrdreg $0xFFFFFFFF  }
0xcb: {  	_ =	task.clear_ibuf [dreg:s11], $0x2FFFF;
	_ =	strace $0x9FFFFFFF  }
0xcc: {  	(tm) =	ssettm $0x7FFFFFFF  }
0xcd: {  	_ =	shalt  }
tec
execute0_lowered:
.L_overlay_start_1:
0x0: {  	(tag) =	ssettag $0x1  }
0x1: {  	s6 =	rddreg [dreg:$0x0]  }
0x2: {  	s10 =	rddreg [dreg:$0x1]  }
0x3: {  	s13 =	rddreg [dreg:$0x2];
	s2 =	srdreg.scid  }
0x4: {  	s7 =	rddreg [dreg:$0x3];
	s2 =	sand.u32 $0x1, s2  }
0x5: {  	s8 =	rddreg [dreg:$0x4];
	p0 =	seq.s32 s2, $0x1  }
.Ltmp0:
0x6: {  	s1 =	rddreg [dreg:$0x5];
	(pc) =	sbr.rel @p0 .LBB2_5-.Ltmp0, $4  }
0x7: {  	s5 =	rddreg [dreg:$0x6]  }
0x8: {  	s3 =	rddreg [dreg:$0x7];
	s4 =	simm.s32 $0x0  }
0x9: {  	[smem:$0x7FF] =	sst s4  }
0xa: {  	s0 =	rddreg [dreg:$0x8];
	_ =	strace $0x80000047;
	s2 =	stileid.u32  }
0xb: {  	s9 =	simm.s32 $0xA280  }
0xc: {  	[tilespmem:s9], [sflag:$0x3] =	stream.linear.gather [hbm4b:s7+s4], $0x6800, $0x38;
	[tilespmem:$0x10C30] =	vst v63  }
0xd: {  	s20 =	sadd.s32 $0x400, s8;
	s21 =	smin.u32 s2, $0xC;
	s22 =	simm.s32 $0x10A80  }
0xe: {  	[tilespmem:s22], [sflag:$0x4] =	stream.linear.gather [hbm4b:s20+s4], $0x80, $0x38;
	[tilespmem:$0x10C30] =	vst v63  }
0xf: {  	v0 =	vlaneseq.u32;
	s23 =	sshll.u32 s21, $0x3  }
0x10: {  	v1 =	vadd.s32 s23, v0;
	[tilespmem:s4], [sflag:$0x5] =	stream.linear.gather [hbm4b:s6+s4], $0x64, $0x38;
	[tilespmem:$0x10C30] =	vst v63  }
0x11: {  	s6 =	simm.s32 $0x5  }
0x12: {  	_ =	swait.ge [sflag:s6], $0x64  }
0x13: {  	[sflag:s6] =	ssyncset.done $0x0  }
0x14: {  	[sflag:s6] =	ssyncadd.s32 $0xFFFFFF9C  }
0x15: {  	v1 =	vld.idx.msk [tilespmem:v1+s4+$0x0], $0xffff;
	_ =	sdelay $0x4  }
0x16: {  	(v2sf) =	vpush v1, $0x0;
	_ =	sdelay $0xb  }
0x17: {  	(v2sf) =	vpush v1, $0x1;
	_ =	sdelay $0x2  }
0x18: {  	p0 =	slt.u32 s2, $0xD;
	s9 =	spop (v2sf)  }
0x19: {  	s9 =	simm.s32 @!p0 $0x0  }
0x1a: {  	s24 =	sand.u32 $0x7F, s9  }
0x1b: {  	s25 =	sshra.s32 s9, $0x1F;
	p1 =	slt.s32 s9, $0x1;
	p2 =	sne.s32 s24, $0x0  }
0x1c: {  	s26 =	sshrl.u32 s25, $0x19;
	p1 =	por !p1, !p2  }
0x1d: {  	s8 =	simm.s32 $0x1;
	s7 =	sadd.s32 s26, s9;
	p1 =	por !p1, !p1  }
0x1e: {  	s7 =	sshra.s32 s7, $0x7;
	s8 =	simm.s32 @!p1 $0x0  }
0x1f: {  	s7 =	ssub.s32 s7, s8  }
0x20: {  	s21 =	simm.s32 $0x7A1400;
	s11 =	sshll.u32 s7, $0x7  }
0x21: {  	s20 =	simm.s32 $0x400;
	s28 =	sand.u32 $0x1FFFFF80, s11  }
0x22: {  	s8 =	simm.s32 $0x80;
	s7 =	sshll.u32 s7, $0x4;
	s12 =	sadd.s32 s13, s28  }
0x23: {  	[tilespmem:s8], [sflag:$0x1] =	stream.strided.gather [hbm4b:s12+s20], $0x800, s21, s20, $0x38;
	[tilespmem:$0x10C30] =	vst v63  }
0x24: {  	(v2sf) =	vpush v1, $0x2;
	s7 =	sand.u32 $0x1FFFFFF0, s7;
	s12 =	spop (v2sf)  }
0x25: {  	s29 =	sadd.s32 s10, s7;
	s7 =	simm.s32 $0x4080;
	s12 =	simm.s32 @!p0 $0x0  }
0x26: {  	[tilespmem:s7], [sflag:$0x2] =	stream.linear.gather [hbm4b:s29+s4], $0x80, $0x38;
	[tilespmem:$0x10C30] =	vst v63  }
0x27: {  	s14 =	sand.u32 $0x7F, s12  }
0x28: {  	s15 =	sshra.s32 s12, $0x1F;
	p3 =	slt.s32 s12, $0x1;
	p4 =	sne.s32 s14, $0x0  }
0x29: {  	s30 =	sshrl.u32 s15, $0x19;
	p1 =	por !p3, !p4  }
0x2a: {  	s15 =	simm.s32 $0x1;
	s14 =	sadd.s32 s30, s12;
	p1 =	por !p1, !p1  }
0x2b: {  	s14 =	sshra.s32 s14, $0x7;
	s15 =	simm.s32 @!p1 $0x0  }
0x2c: {  	s15 =	ssub.s32 s14, s15  }
0x2d: {  	s14 =	sshll.u32 s15, $0x7  }
0x2e: {  	s15 =	sshll.u32 s15, $0x4;
	s16 =	sand.u32 $0x1FFFFF80, s14  }
0x2f: {  	s17 =	simm.s32 $0x880;
	s15 =	sand.u32 $0x1FFFFFF0, s15;
	s16 =	sadd.s32 s13, s16  }
0x30: {  	[tilespmem:s17], [sflag:$0x1] =	stream.strided.gather [hbm4b:s16+s20], $0x800, s21, s20, $0x38;
	[tilespmem:$0x10C30] =	vst v63  }
0x31: {  	s31 =	simm.s32 $0x4100;
	s15 =	sadd.s32 s10, s15  }
0x32: {  	(v2sf) =	vpush v1, $0x3;
	[tilespmem:s31], [sflag:$0x2] =	stream.linear.gather [hbm4b:s15+s4], $0x80, $0x38;
	[tilespmem:$0x10C30] =	vst v63  }
0x33: {  	s15 =	spop (v2sf)  }
0x34: {  	s15 =	simm.s32 @!p0 $0x0  }
0x35: {  	s17 =	sand.u32 $0x7F, s15  }
0x36: {  	s18 =	sshra.s32 s15, $0x1F;
	p5 =	slt.s32 s15, $0x1;
	p6 =	sne.s32 s17, $0x0  }
0x37: {  	s19 =	sshrl.u32 s18, $0x19;
	p1 =	por !p5, !p6  }
0x38: {  	s17 =	simm.s32 $0x1;
	s16 =	sadd.s32 s19, s15;
	p1 =	por !p1, !p1  }
0x39: {  	s16 =	sshra.s32 s16, $0x7;
	s17 =	simm.s32 @!p1 $0x0  }
0x3a: {  	s17 =	ssub.s32 s16, s17  }
0x3b: {  	s16 =	sshll.u32 s17, $0x7  }
0x3c: {  	s17 =	sshll.u32 s17, $0x4;
	s18 =	sand.u32 $0x1FFFFF80, s16  }
0x3d: {  	s19 =	simm.s32 $0x1080;
	s17 =	sand.u32 $0x1FFFFFF0, s17;
	s18 =	sadd.s32 s13, s18  }
0x3e: {  	[tilespmem:s19], [sflag:$0x1] =	stream.strided.gather [hbm4b:s18+s20], $0x800, s21, s20, $0x38;
	[tilespmem:$0x10C30] =	vst v63  }
0x3f: {  	s22 =	simm.s32 $0x4180;
	s17 =	sadd.s32 s10, s17  }
0x40: {  	(v2sf) =	vpush v1, $0x4;
	[tilespmem:s22], [sflag:$0x2] =	stream.linear.gather [hbm4b:s17+s4], $0x80, $0x38;
	[tilespmem:$0x10C30] =	vst v63  }
0x41: {  	s17 =	spop (v2sf)  }
0x42: {  	s17 =	simm.s32 @!p0 $0x0  }
0x43: {  	s23 =	sand.u32 $0x7F, s17  }
0x44: {  	s24 =	sshra.s32 s17, $0x1F;
	p2 =	slt.s32 s17, $0x1;
	p3 =	sne.s32 s23, $0x0  }
0x45: {  	s25 =	sshrl.u32 s24, $0x19;
	p1 =	por !p2, !p3  }
0x46: {  	s19 =	simm.s32 $0x1;
	s18 =	sadd.s32 s25, s17;
	p1 =	por !p1, !p1  }
0x47: {  	s18 =	sshra.s32 s18, $0x7;
	s19 =	simm.s32 @!p1 $0x0  }
0x48: {  	s19 =	ssub.s32 s18, s19  }
0x49: {  	s18 =	sshll.u32 s19, $0x7  }
0x4a: {  	s19 =	sshll.u32 s19, $0x4;
	s22 =	sand.u32 $0x1FFFFF80, s18  }
0x4b: {  	s23 =	simm.s32 $0x1880;
	s19 =	sand.u32 $0x1FFFFFF0, s19;
	s22 =	sadd.s32 s13, s22  }
0x4c: {  	[tilespmem:s23], [sflag:$0x1] =	stream.strided.gather [hbm4b:s22+s20], $0x800, s21, s20, $0x38;
	[tilespmem:$0x10C30] =	vst v63  }
0x4d: {  	s26 =	simm.s32 $0x4200;
	s19 =	sadd.s32 s10, s19  }
0x4e: {  	(v2sf) =	vpush v1, $0x5;
	[tilespmem:s26], [sflag:$0x2] =	stream.linear.gather [hbm4b:s19+s4], $0x80, $0x38;
	[tilespmem:$0x10C30] =	vst v63  }
0x4f: {  	p1 =	slt.u32 s2, $0xC;
	s19 =	spop (v2sf)  }
0x50: {  	s19 =	simm.s32 @!p1 $0x0  }
0x51: {  	s28 =	sand.u32 $0x7F, s19  }
0x52: {  	s29 =	sshra.s32 s19, $0x1F;
	p4 =	slt.s32 s19, $0x1;
	p3 =	sne.s32 s28, $0x0  }
0x53: {  	s30 =	sshrl.u32 s29, $0x19;
	p2 =	por !p4, !p3  }
0x54: {  	s23 =	simm.s32 $0x1;
	s22 =	sadd.s32 s30, s19;
	p2 =	por !p2, !p2  }
0x55: {  	s22 =	sshra.s32 s22, $0x7;
	s23 =	simm.s32 @!p2 $0x0  }
0x56: {  	s23 =	ssub.s32 s22, s23  }
0x57: {  	s22 =	sshll.u32 s23, $0x7  }
0x58: {  	s23 =	sshll.u32 s23, $0x4;
	s24 =	sand.u32 $0x1FFFFF80, s22  }
0x59: {  	s25 =	simm.s32 $0x2080;
	s23 =	sand.u32 $0x1FFFFFF0, s23;
	s24 =	sadd.s32 s13, s24  }
0x5a: {  	[tilespmem:s25], [sflag:$0x1] =	stream.strided.gather [hbm4b:s24+s20], $0x800, s21, s20, $0x38;
	[tilespmem:$0x10C30] =	vst v63  }
0x5b: {  	s31 =	simm.s32 $0x4280;
	s23 =	sadd.s32 s10, s23  }
0x5c: {  	(v2sf) =	vpush v1, $0x6;
	[tilespmem:s31], [sflag:$0x2] =	stream.linear.gather [hbm4b:s23+s4], $0x80, $0x38;
	[tilespmem:$0x10C30] =	vst v63  }
0x5d: {  	s23 =	spop (v2sf)  }
0x5e: {  	s23 =	simm.s32 @!p1 $0x0  }
0x5f: {  	s25 =	sand.u32 $0x7F, s23  }
0x60: {  	s26 =	sshra.s32 s23, $0x1F;
	p5 =	slt.s32 s23, $0x1;
	p6 =	sne.s32 s25, $0x0  }
0x61: {  	s28 =	sshrl.u32 s26, $0x19;
	p2 =	por !p5, !p6  }
0x62: {  	s25 =	simm.s32 $0x1;
	s24 =	sadd.s32 s28, s23;
	p2 =	por !p2, !p2  }
0x63: {  	s24 =	sshra.s32 s24, $0x7;
	s25 =	simm.s32 @!p2 $0x0  }
0x64: {  	s24 =	ssub.s32 s24, s25  }
0x65: {  	s25 =	sshll.u32 s24, $0x7  }
0x66: {  	s24 =	sshll.u32 s24, $0x4;
	s26 =	sand.u32 $0x1FFFFF80, s25  }
0x67: {  	s28 =	simm.s32 $0x2880;
	s24 =	sand.u32 $0x1FFFFFF0, s24;
	s26 =	sadd.s32 s13, s26  }
0x68: {  	[tilespmem:s28], [sflag:$0x1] =	stream.strided.gather [hbm4b:s26+s20], $0x800, s21, s20, $0x38;
	[tilespmem:$0x10C30] =	vst v63  }
0x69: {  	s29 =	simm.s32 $0x4300;
	s24 =	sadd.s32 s10, s24  }
0x6a: {  	(v2sf) =	vpush v1, $0x7;
	[tilespmem:s29], [sflag:$0x2] =	stream.linear.gather [hbm4b:s24+s4], $0x80, $0x38;
	[tilespmem:$0x10C30] =	vst v63  }
0x6b: {  	s24 =	spop (v2sf)  }
0x6c: {  	s24 =	simm.s32 @!p1 $0x0  }
0x6d: {  	s30 =	sand.u32 $0x7F, s24  }
0x6e: {  	s31 =	sshra.s32 s24, $0x1F;
	p3 =	slt.s32 s24, $0x1;
	p4 =	sne.s32 s30, $0x0  }
0x6f: {  	s29 =	sshrl.u32 s31, $0x19;
	p2 =	por !p3, !p4  }
0x70: {  	s28 =	simm.s32 $0x1;
	s26 =	sadd.s32 s29, s24;
	p2 =	por !p2, !p2  }
0x71: {  	s26 =	sshra.s32 s26, $0x7;
	s28 =	simm.s32 @!p2 $0x0  }
0x72: {  	s28 =	ssub.s32 s26, s28  }
0x73: {  	s26 =	sshll.u32 s28, $0x7  }
0x74: {  	s28 =	sshll.u32 s28, $0x4;
	s29 =	sand.u32 $0x1FFFFF80, s26  }
0x75: {  	s30 =	simm.s32 $0x3080;
	s28 =	sand.u32 $0x1FFFFFF0, s28;
	s29 =	sadd.s32 s13, s29  }
0x76: {  	[tilespmem:s30], [sflag:$0x1] =	stream.strided.gather [hbm4b:s29+s20], $0x800, s21, s20, $0x38;
	[tilespmem:$0x10C30] =	vst v63  }
0x77: {  	s28 =	sadd.s32 s10, s28;
	s30 =	simm.s32 $0x4380  }
0x78: {  	[tilespmem:s30], [sflag:$0x2] =	stream.linear.gather [hbm4b:s28+s4], $0x80, $0x38;
	[tilespmem:$0x10C30] =	vst v63  }
0x79: {  	s28 =	spop (v2sf)  }
0x7a: {  	s28 =	simm.s32 @!p1 $0x0  }
0x7b: {  	s29 =	sand.u32 $0x7F, s28  }
0x7c: {  	s31 =	sshra.s32 s28, $0x1F;
	p5 =	slt.s32 s28, $0x1;
	p6 =	sne.s32 s29, $0x0  }
0x7d: {  	s30 =	sshrl.u32 s31, $0x19;
	p2 =	por !p5, !p6  }
0x7e: {  	s29 =	sadd.s32 s30, s28;
	s30 =	simm.s32 $0x1;
	p2 =	por !p2, !p2  }
0x7f: {  	s29 =	sshra.s32 s29, $0x7;
	s30 =	simm.s32 @!p2 $0x0  }
0x80: {  	s30 =	ssub.s32 s29, s30  }
0x81: {  	s29 =	sshll.u32 s30, $0x7  }
0x82: {  	s31 =	sand.u32 $0x1FFFFF80, s29  }
0x83: {  	s13 =	sadd.s32 s13, s31;
	s31 =	simm.s32 $0x3880  }
0x84: {  	[tilespmem:s31], [sflag:$0x1] =	stream.strided.gather [hbm4b:s13+s20], $0x800, s21, s20, $0x38;
	[tilespmem:$0x10C30] =	vst v63  }
0x85: {  	s31 =	sshll.u32 s30, $0x4  }
0x86: {  	s13 =	sand.u32 $0x1FFFFFF0, s31  }
0x87: {  	s21 =	simm.s32 $0x4400;
	s30 =	simm.s32 $0x1;
	s20 =	sadd.s32 s10, s13  }
0x88: {  	[tilespmem:s21], [sflag:$0x2] =	stream.linear.gather [hbm4b:s20+s4], $0x80, $0x38;
	[tilespmem:$0x10C30] =	vst v63  }
0x89: {  	_ =	swait.ge [sflag:s30], $0x800  }
0x8a: {  	[sflag:s30] =	ssyncset.done $0x0  }
0x8b: {  	s31 =	simm.s32 $0x2;
	[sflag:s30] =	ssyncadd.s32 $0xFFFFF800  }
0x8c: {  	_ =	swait.ge [sflag:s31], $0x80  }
0x8d: {  	[sflag:s31] =	ssyncset.done $0x0  }
0x8e: {  	[sflag:s31] =	ssyncadd.s32 $0xFFFFFF80  }
0x8f: {  	_ =	swait.ge [sflag:s30], $0x800  }
0x90: {  	[sflag:s30] =	ssyncset.done $0x0  }
0x91: {  	[sflag:s30] =	ssyncadd.s32 $0xFFFFF800  }
0x92: {  	_ =	swait.ge [sflag:s31], $0x80  }
0x93: {  	[sflag:s31] =	ssyncset.done $0x0  }
0x94: {  	[sflag:s31] =	ssyncadd.s32 $0xFFFFFF80  }
0x95: {  	_ =	swait.ge [sflag:s30], $0x800  }
0x96: {  	[sflag:s30] =	ssyncset.done $0x0  }
0x97: {  	[sflag:s30] =	ssyncadd.s32 $0xFFFFF800  }
0x98: {  	_ =	swait.ge [sflag:s31], $0x80  }
0x99: {  	[sflag:s31] =	ssyncset.done $0x0  }
0x9a: {  	[sflag:s31] =	ssyncadd.s32 $0xFFFFFF80  }
0x9b: {  	_ =	swait.ge [sflag:s30], $0x800  }
0x9c: {  	[sflag:s30] =	ssyncset.done $0x0  }
0x9d: {  	[sflag:s30] =	ssyncadd.s32 $0xFFFFF800  }
0x9e: {  	_ =	swait.ge [sflag:s31], $0x80  }
0x9f: {  	[sflag:s31] =	ssyncset.done $0x0  }
0xa0: {  	[sflag:s31] =	ssyncadd.s32 $0xFFFFFF80  }
0xa1: {  	_ =	swait.ge [sflag:s30], $0x800  }
0xa2: {  	[sflag:s30] =	ssyncset.done $0x0  }
0xa3: {  	[sflag:s30] =	ssyncadd.s32 $0xFFFFF800  }
0xa4: {  	_ =	swait.ge [sflag:s31], $0x80  }
0xa5: {  	[sflag:s31] =	ssyncset.done $0x0  }
0xa6: {  	[sflag:s31] =	ssyncadd.s32 $0xFFFFFF80  }
0xa7: {  	_ =	swait.ge [sflag:s30], $0x800  }
0xa8: {  	[sflag:s30] =	ssyncset.done $0x0  }
0xa9: {  	[sflag:s30] =	ssyncadd.s32 $0xFFFFF800  }
0xaa: {  	_ =	swait.ge [sflag:s31], $0x80  }
0xab: {  	[sflag:s31] =	ssyncset.done $0x0  }
0xac: {  	[sflag:s31] =	ssyncadd.s32 $0xFFFFFF80  }
0xad: {  	_ =	swait.ge [sflag:s30], $0x800  }
0xae: {  	[sflag:s30] =	ssyncset.done $0x0  }
0xaf: {  	[sflag:s30] =	ssyncadd.s32 $0xFFFFF800  }
0xb0: {  	_ =	swait.ge [sflag:s31], $0x80  }
0xb1: {  	[sflag:s31] =	ssyncset.done $0x0  }
0xb2: {  	v0 =	vmul.u32 $0x80, v0;
	[sflag:s31] =	ssyncadd.s32 $0xFFFFFF80  }
0xb3: {  	s11 =	ssub.s32 s9, s11;
	_ =	swait.ge [sflag:s30], $0x800  }
0xb4: {  	v1 =	vadd.s32 s11, v0;
	[sflag:s30] =	ssyncset.done $0x0  }
0xb5: {  	[sflag:s30] =	ssyncadd.s32 $0xFFFFF800  }
0xb6: {  	_ =	swait.ge [sflag:s31], $0x80  }
0xb7: {  	[sflag:s31] =	ssyncset.done $0x0  }
0xb8: {  	[sflag:s31] =	ssyncadd.s32 $0xFFFFFF80  }
0xb9: {  	v1 =	vld.idx.msk [tilespmem:v1+s8+$0x0], $0xffff;
	_ =	sdelay $0x1  }
0xba: {  	v2 =	vor.u32 $0x800, v0;
	s14 =	ssub.s32 s12, s14  }
0xbb: {  	s9 =	simm.f32 $1.000000000e+00;
	v2 =	vadd.s32 s14, v2  }
0xbc: {  	s9 =	simm.s32 @!p0 $0x0  }
0xbd: {  	v1 =	vmul.f32 s9, v1;
	_ =	sdelay $0x1  }
0xbe: {  	[tilespmem:$0x4480] =	vst v1  }
0xbf: {  	v2 =	vld.idx.msk [tilespmem:v2+s8+$0x0], $0xffff;
	_ =	sdelay $0x1  }
0xc0: {  	v4 =	vor.u32 $0x1000, v0;
	v3 =	vmov s11;
	s20 =	ssub.s32 s15, s16  }
0xc1: {  	v4 =	vadd.s32 s20, v4;
	_ =	sdelay $0x1  }
0xc2: {  	v2 =	vmul.f32 s9, v2;
	_ =	sdelay $0x1  }
0xc3: {  	v3 =	vld.idx.msk [tilespmem:v3+s7+$0x0], $0xffff;
	[tilespmem:$0x4500] =	vst v2  }
0xc4: {  	v4 =	vld.idx.msk [tilespmem:v4+s8+$0x0], $0xffff  }
0xc5: {  	v5 =	vmov s14  }
0xc6: {  	v6 =	vor.u32 $0x1800, v0;
	v5 =	vadd.s32 $0x80, v5;
	s21 =	ssub.s32 s17, s18  }
0xc7: {  	v6 =	vadd.s32 s21, v6;
	_ =	sdelay $0x1  }
0xc8: {  	v4 =	vmul.f32 s9, v4;
	_ =	sdelay $0x1  }
0xc9: {  	v5 =	vld.idx.msk [tilespmem:v5+s7+$0x0], $0xffff;
	[tilespmem:$0x4580] =	vst v4  }
0xca: {  	v6 =	vld.idx.msk [tilespmem:v6+s8+$0x0], $0xffff  }
0xcb: {  	v7 =	vmov s20  }
0xcc: {  	v8 =	vor.u32 $0x2000, v0;
	s22 =	ssub.s32 s19, s22;
	v7 =	vadd.s32 $0x100, v7  }
0xcd: {  	v8 =	vadd.s32 s22, v8;
	_ =	sdelay $0x1  }
0xce: {  	v6 =	vmul.f32 s9, v6;
	_ =	sdelay $0x1  }
0xcf: {  	v7 =	vld.idx.msk [tilespmem:v7+s7+$0x0], $0xffff;
	[tilespmem:$0x4600] =	vst v6  }
0xd0: {  	v8 =	vld.idx.msk [tilespmem:v8+s8+$0x0], $0xffff  }
0xd1: {  	v9 =	vmov s21  }
0xd2: {  	v10 =	vor.u32 $0x2800, v0;
	s23 =	ssub.s32 s23, s25;
	v9 =	vadd.s32 $0x180, v9  }
0xd3: {  	v10 =	vadd.s32 s23, v10;
	s10 =	simm.f32 $1.000000000e+00  }
0xd4: {  	s10 =	simm.s32 @!p1 $0x0  }
0xd5: {  	v8 =	vmul.f32 s10, v8;
	_ =	sdelay $0x1  }
0xd6: {  	v9 =	vld.idx.msk [tilespmem:v9+s7+$0x0], $0xffff;
	[tilespmem:$0x4680] =	vst v8  }
0xd7: {  	v10 =	vld.idx.msk [tilespmem:v10+s8+$0x0], $0xffff  }
0xd8: {  	v11 =	vmov s22  }
0xd9: {  	v12 =	vor.u32 $0x3000, v0;
	v11 =	vadd.s32 $0x200, v11;
	s24 =	ssub.s32 s24, s26  }
0xda: {  	v12 =	vadd.s32 s24, v12;
	_ =	sdelay $0x1  }
0xdb: {  	v10 =	vmul.f32 s10, v10;
	_ =	sdelay $0x1  }
0xdc: {  	v11 =	vld.idx.msk [tilespmem:v11+s7+$0x0], $0xffff;
	[tilespmem:$0x4700] =	vst v10  }
0xdd: {  	v12 =	vld.idx.msk [tilespmem:v12+s8+$0x0], $0xffff  }
0xde: {  	v13 =	vmov s23  }
0xdf: {  	v0 =	vor.u32 $0x3800, v0;
	v13 =	vadd.s32 $0x280, v13;
	s25 =	ssub.s32 s28, s29  }
0xe0: {  	v0 =	vadd.s32 s25, v0;
	_ =	sdelay $0x1  }
0xe1: {  	v12 =	vmul.f32 s10, v12;
	_ =	sdelay $0x1  }
0xe2: {  	(v2sf) =	vpush v3, $0x0;
	v13 =	vld.idx.msk [tilespmem:v13+s7+$0x0], $0xffff;
	[tilespmem:$0x4780] =	vst v12  }
0xe3: {  	v3 =	vmov s24;
	v0 =	vld.idx.msk [tilespmem:v0+s8+$0x0], $0xffff  }
0xe4: {  	v3 =	vadd.s32 $0x300, v3;
	(v2sf) =	vpush v5, $0x0  }
0xe5: {  	v5 =	vmov s25  }
0xe6: {  	v5 =	vadd.s32 $0x380, v5;
	(v2sf) =	vpush v7, $0x0;
	_ =	sdelay $0x1  }
0xe7: {  	(v2sf) =	vpush v9, $0x0;
	v0 =	vmul.f32 s10, v0  }
0xe8: {  	v3 =	vld.idx.msk [tilespmem:v3+s7+$0x0], $0xffff  }
0xe9: {  	(v2sf) =	vpush v11, $0x0;
	[tilespmem:$0x4800] =	vst v0  }
0xea: {  	v5 =	vld.idx.msk [tilespmem:v5+s7+$0x0], $0xffff  }
0xeb: {  	(v2sf) =	vpush v13, $0x0;
	_ =	sdelay $0x1  }
0xec: {  	(v2sf) =	vpush v3, $0x0;
	_ =	sdelay $0x1  }
0xed: {  	(v2sf) =	vpush v5, $0x0  }
0xee: {  	s26 =	spop (v2sf)  }
0xef: {  	s7 =	smul.f32 s26, s9  }
0xf0: {  	s28 =	spop (v2sf)  }
0xf1: {  	s8 =	smul.f32 s28, s9;
	v3 =	vadd.f32 $0.0e+00, v1;
	s7 =	sadd.f32 $0.0e+00, s7  }
0xf2: {  	s29 =	spop (v2sf);
	v1 =	vmul.f32 v1, v1;
	v5 =	vmul.f32 v2, v2  }
0xf3: {  	s30 =	smul.f32 s29, s9;
	s7 =	sadd.f32 s8, s7;
	v2 =	vadd.f32 v2, v3  }
0xf4: {  	s31 =	spop (v2sf);
	v3 =	vmul.f32 v4, v4;
	v1 =	vadd.f32 v5, v1  }
0xf5: {  	s12 =	smul.f32 s31, s9;
	s7 =	sadd.f32 s30, s7;
	v2 =	vadd.f32 v4, v2  }
0xf6: {  	s13 =	spop (v2sf);
	v1 =	vadd.f32 v3, v1;
	v3 =	vmul.f32 v6, v6  }
0xf7: {  	s14 =	smul.f32 s13, s10;
	s7 =	sadd.f32 s12, s7;
	v2 =	vadd.f32 v6, v2  }
0xf8: {  	s15 =	spop (v2sf);
	v1 =	vadd.f32 v3, v1;
	v3 =	vmul.f32 v8, v8  }
0xf9: {  	s16 =	smul.f32 s15, s10;
	s7 =	sadd.f32 s14, s7;
	v2 =	vadd.f32 v8, v2  }
0xfa: {  	s17 =	spop (v2sf);
	v1 =	vadd.f32 v3, v1;
	v3 =	vmul.f32 v10, v10  }
0xfb: {  	s7 =	sadd.f32 s16, s7;
	v2 =	vadd.f32 v10, v2;
	s18 =	smul.f32 s17, s10  }
0xfc: {  	v1 =	vadd.f32 v3, v1;
	v3 =	vmul.f32 v12, v12;
	s19 =	spop (v2sf)  }
0xfd: {  	s7 =	sadd.f32 s18, s7;
	v2 =	vadd.f32 v12, v2;
	s20 =	smul.f32 s19, s10  }
0xfe: {  	v1 =	vadd.f32 v3, v1;
	v3 =	vmul.f32 v0, v0  }
0xff: {  	v0 =	vadd.f32 v0, v2;
	s7 =	sadd.f32 s20, s7  }
0x100: {  	v1 =	vadd.f32 v3, v1  }
0x101: {  	vm0 =	vcmask $0x300;
	[tilespmem:$0x4880] =	vst v0;
	v0 =	vmov s7  }
0x102: {  	s21 =	sshll.u32 s2, $0x9;
	[tilespmem:$0x4900] =	vst v1;
	v0 =	vnsel vm0, $0x0, v0  }
0x103: {  	s23 =	simm.s32 $0x4880;
	s22 =	sadd.s32 s21, s3;
	[tilespmem:$0x4980] =	vst v0  }
0x104: {  	[spmem:s22] =	stream.linear.scatter [tilespmem:s23], [sflag:$0x5], $0x180, $0x38;
	[tilespmem:$0x10C30] =	vst v63  }
0x105: {  	_ =	swait.ge [sflag:s6], $0x180  }
0x106: {  	p0 =	sgt.u32 s2, $0xC;
	s24 =	sshll.u32 s2, $0xA;
	[sflag:s6] =	ssyncset.done $0x0  }
0x107: {  	s9 =	simm.s32 @!p0 $0x4480;
	s7 =	sadd.s32 s24, s5;
	[sflag:s6] =	ssyncadd.s32 $0xFFFFFE80  }
0x108: {  	[spmem:s7] =	stream.linear.scatter @!p0 [tilespmem:s9], [sflag:$0x5], $0x400, $0x38;
	[tilespmem:$0x10C30] =	vst v63  }
0x109: {  	s7 =	simm.s32 @!p0 $0x5  }
0x10a: {  	_ =	swait.ge @!p0 [sflag:s7], $0x400  }
0x10b: {  	[sflag:s7] =	ssyncset.done @!p0 $0x0  }
0x10c: {  	s25 =	simm.s32 $0x3;
	[sflag:s7] =	ssyncadd.s32 @!p0 $0xFFFFFC00  }
0x10d: {  	_ =	swait.ge [sflag:s25], $0x6800  }
0x10e: {  	[sflag:s25] =	ssyncset.done $0x0  }
0x10f: {  	s26 =	smin.u32 s2, $0x9;
	[sflag:s25] =	ssyncadd.s32 $0xFFFF9800  }
0x110: {  	s28 =	sshrl.u32 s26, $0x3;
	s7 =	simm.s32 $0x6A80;
	[bflag:$0x0] =	sbarrier.arrive $0xFFFF  }
0x111: {  	[tilespmem:s7], [sflag:$0x5] =	stream.linear.gather [spmem:s5], $0x3800, $0x38;
	[tilespmem:$0x10C30] =	vst v63  }
0x112: {  	s5 =	smul.u32 $0xD000, s28  }
0x113: {  	s9 =	sshll.u32 s26, $0x7  }
0x114: {  	s9 =	sand.u32 $0x380, s9;
	s5 =	sshrl.u32 s5, $0x2  }
0x115: {  	_ =	swait.ge [sflag:s6], $0x3800;
	s5 =	sor.u32 s9, s5  }
0x116: {  	s29 =	sand.u32 $0x3C00, s4;
	[sflag:s6] =	ssyncset.done $0x0;
	s5 =	sadd.s32 $0xA280, s5  }
0x117: {  	s30 =	sand.u32 $0x70, s4;
	[sflag:s6] =	ssyncadd.s32 $0xFFFFC800;
	s31 =	sadd.s32 s29, s5  }
0x118: {  	v0 =	vld [tilespmem:s7+$0x0];
	s9 =	sadd.s32 s30, s31  }
0x119: {  	v3 =	vld [tilespmem:s9+$0x0]  }
0x11a: {  	s8 =	simm.s32 $0x80;
	s4 =	sadd.s32 $0x180, s22;
	v2 =	vimm.f32 $0.0e+00;
	v1 =	vmov s2;
	s6 =	simm.s32 $0x10  }
.LBB2_2:
0x11b: {  	s9 =	sand.u32 $0x3C00, s8;
	p0 =	sne.s32 s6, $0x630  }
0x11c: {  	s10 =	smov.u32 s6;
	s6 =	sadd.s32 $0x10, s6;
	s7 =	sadd.s32 $0x80, s7  }
.Ltmp1:
0x11d: {  	s10 =	sand.u32 $0x70, s10;
	s9 =	sadd.s32 s9, s5;
	(pc) =	sbr.rel @p0 .LBB2_2-.Ltmp1, $4  }
0x11e: {  	s9 =	sadd.s32 s10, s9;
	v4 =	vmul.f32 v3, v0;
	v0 =	vld [tilespmem:s7+$0x0]  }
0x11f: {  	v3 =	vld [tilespmem:s9+$0x0]  }
0x120: {  	v2 =	vadd.f32 v4, v2  }
0x121: {  	s8 =	sadd.s32 $0x80, s8  }
0x122: {  	_ =	sdelay $0x1  }
0x123: {  	v0 =	vmul.f32 v3, v0;
	_ =	sdelay $0x1  }
0x124: {  	v0 =	vadd.f32 v0, v2;
	_ =	sdelay $0x1  }
0x125: {  	(xrf2) =	vadd.scan.msk.f32 $0xffff, v0;
	_ =	sdelay $0x9  }
0x126: {  	v2, _, _ =	vpop (xrf2)  }
0x127: {  	v0 =	vlaneseq.u32;
	v2 =	vbroadcast v2, $0xF  }
0x128: {  	vm1 =	veq.s32 v1, v0  }
0x129: {  	v1 =	vnsel vm1, $0x0, v2  }
0x12a: {  	s5 =	simm.s32 $0x4A00;
	[tilespmem:$0x4A00] =	vst v1  }
0x12b: {  	[spmem:s4] =	stream.linear.scatter [tilespmem:s5], [sflag:$0x5], $0x80, $0x38;
	[tilespmem:$0x10C30] =	vst v63  }
0x12c: {  	s4 =	simm.s32 $0x5  }
0x12d: {  	_ =	swait.ge [sflag:s4], $0x80  }
0x12e: {  	[sflag:s4] =	ssyncset.done $0x0  }
0x12f: {  	s31 =	simm.s32 $0x4;
	p0 =	sne.s32 s2, $0x0;
	[sflag:s4] =	ssyncadd.s32 $0xFFFFFF80  }
.Ltmp2:
0x130: {  	_ =	swait.ge [sflag:s31], $0x80;
	(pc) =	sbr.rel @p0 .LBB2_5-.Ltmp2, $3  }
0x131: {  	[sflag:s31] =	ssyncset.done $0x0  }
0x132: {  	[sflag:s31] =	ssyncadd.s32 $0xFFFFFF80  }
0x133: {  	[bflag:$0x0] =	sbarrier.arrive $0xFFFF;
	_ =	sdelay $0x1  }
0x134: {  	s5 =	simm.s32 $0x4A80  }
0x135: {  	[tilespmem:s5], [sflag:$0x5] =	stream.linear.gather [spmem:s3], $0x2000, $0x38;
	[tilespmem:$0x10C30] =	vst v63  }
0x136: {  	_ =	swait.ge [sflag:s4], $0x2000  }
0x137: {  	[sflag:s4] =	ssyncset.done $0x0  }
0x138: {  	[sflag:s4] =	ssyncadd.s32 $0xFFFFE000  }
0x139: {  	v1 =	vld [tilespmem:$0x4C00]  }
0x13a: {  	v2 =	vld [tilespmem:$0x4B80]  }
0x13b: {  	v3 =	vld [tilespmem:$0x4E00]  }
0x13c: {  	v4 =	vld [tilespmem:$0x4D80]  }
0x13d: {  	v5 =	vld [tilespmem:$0x5000]  }
0x13e: {  	v6 =	vld [tilespmem:$0x4F80];
	v1 =	vadd.f32 $0.0e+00, v1  }
0x13f: {  	v7 =	vld [tilespmem:$0x5200]  }
0x140: {  	v21 =	vld [tilespmem:$0x5180];
	v1 =	vadd.f32 v3, v1  }
0x141: {  	v8 =	vld [tilespmem:$0x5400]  }
0x142: {  	v22 =	vld [tilespmem:$0x5380];
	v1 =	vadd.f32 v5, v1  }
0x143: {  	v9 =	vld [tilespmem:$0x5600]  }
0x144: {  	v23 =	vld [tilespmem:$0x5580];
	v1 =	vadd.f32 v7, v1  }
0x145: {  	v10 =	vld [tilespmem:$0x5800]  }
0x146: {  	v24 =	vld [tilespmem:$0x5780];
	v1 =	vadd.f32 v8, v1  }
0x147: {  	v11 =	vld [tilespmem:$0x5A00]  }
0x148: {  	v25 =	vld [tilespmem:$0x5980];
	v1 =	vadd.f32 v9, v1  }
0x149: {  	v12 =	vld [tilespmem:$0x5C00]  }
0x14a: {  	v26 =	vld [tilespmem:$0x5B80];
	v1 =	vadd.f32 v10, v1  }
0x14b: {  	v13 =	vld [tilespmem:$0x5E00]  }
0x14c: {  	v27 =	vld [tilespmem:$0x5D80];
	v1 =	vadd.f32 v11, v1  }
0x14d: {  	v14 =	vld [tilespmem:$0x6000]  }
0x14e: {  	v28 =	vld [tilespmem:$0x5F80];
	(v2sf) =	vpush v2, $0x0;
	v1 =	vadd.f32 v12, v1  }
0x14f: {  	v29 =	vld [tilespmem:$0x6200];
	(v2sf) =	vpush v4, $0x0  }
0x150: {  	v30 =	vld [tilespmem:$0x6180];
	(v2sf) =	vpush v6, $0x0;
	v1 =	vadd.f32 v13, v1  }
0x151: {  	v31 =	vld [tilespmem:$0x6400];
	(v2sf) =	vpush v21, $0x0  }
0x152: {  	v32 =	vld [tilespmem:$0x6380];
	(v2sf) =	vpush v22, $0x0;
	v1 =	vadd.f32 v14, v1  }
0x153: {  	v33 =	vld [tilespmem:$0x6600];
	(v2sf) =	vpush v23, $0x0  }
0x154: {  	v34 =	vld [tilespmem:$0x6580];
	(v2sf) =	vpush v24, $0x0;
	v1 =	vadd.f32 v29, v1  }
0x155: {  	v35 =	vld [tilespmem:$0x6800];
	(v2sf) =	vpush v25, $0x0  }
0x156: {  	v36 =	vld [tilespmem:$0x6780];
	(v2sf) =	vpush v26, $0x0;
	v1 =	vadd.f32 v31, v1  }
0x157: {  	v37 =	vld [tilespmem:$0x6A00];
	(v2sf) =	vpush v27, $0x0  }
0x158: {  	v38 =	vld [tilespmem:$0x6980];
	(v2sf) =	vpush v28, $0x0;
	v1 =	vadd.f32 v33, v1  }
0x159: {  	s3 =	simm.s32 $0x10A80;
	(v2sf) =	vpush v30, $0x0  }
0x15a: {  	v39 =	vld.idx.msk [tilespmem:v0+s3+$0x0], $0xffff;
	(v2sf) =	vpush v32, $0x0;
	v1 =	vadd.f32 v35, v1  }
0x15b: {  	(v2sf) =	vpush v34, $0x0  }
0x15c: {  	(v2sf) =	vpush v36, $0x0;
	v1 =	vadd.f32 v37, v1  }
0x15d: {  	s17 =	spop (v2sf);
	(v2sf) =	vpush v38, $0x0  }
0x15e: {  	s11 =	spop (v2sf);
	(v2sf) =	vpush v1, $0x0  }
0x15f: {  	s12 =	spop (v2sf);
	(v2sf) =	vpush v39, $0x0  }
0x160: {  	s18 =	spop (v2sf);
	(v2sf) =	vpush v1, $0x1  }
0x161: {  	s20 =	spop (v2sf);
	(v2sf) =	vpush v39, $0x1  }
0x162: {  	s19 =	spop (v2sf);
	(v2sf) =	vpush v1, $0x2  }
0x163: {  	s13 =	spop (v2sf);
	(v2sf) =	vpush v39, $0x2  }
0x164: {  	s5 =	spop (v2sf);
	(v2sf) =	vpush v1, $0x3  }
0x165: {  	s6 =	spop (v2sf)  }
0x166: {  	s8 =	spop (v2sf);
	(v2sf) =	vpush v39, $0x3  }
0x167: {  	s9 =	spop (v2sf);
	(v2sf) =	vpush v1, $0x4  }
0x168: {  	s14 =	spop (v2sf);
	(v2sf) =	vpush v39, $0x4  }
0x169: {  	s15 =	spop (v2sf);
	(v2sf) =	vpush v1, $0x5  }
0x16a: {  	s16 =	spop (v2sf);
	(v2sf) =	vpush v39, $0x5  }
0x16b: {  	s10 =	spop (v2sf);
	(v2sf) =	vpush v1, $0x6  }
0x16c: {  	s7 =	spop (v2sf);
	(v2sf) =	vpush v39, $0x6  }
0x16d: {  	s21 =	spop (v2sf);
	(v2sf) =	vpush v1, $0x7  }
0x16e: {  	s22 =	spop (v2sf);
	(v2sf) =	vpush v39, $0x7  }
0x16f: {  	s23 =	spop (v2sf);
	s21 =	sadd.f32 s22, s21  }
0x170: {  	s29 =	spop (v2sf);
	(v2sf) =	vpush v1, $0x8  }
0x171: {  	s21 =	smax.f32 s21, $0.0e+00;
	s24 =	spop (v2sf);
	(v2sf) =	vpush v39, $0x8  }
0x172: {  	s22 =	sadd.f32 s29, s23;
	s30 =	spop (v2sf);
	(v2sf) =	vpush v1, $0x9  }
0x173: {  	s31 =	sadd.f32 s30, s24;
	s24 =	spop (v2sf);
	(v2sf) =	vpush v39, $0x9  }
0x174: {  	v40 =	vmov s21  }
0x175: {  	v1 =	vnsel vm0, $0x0, v40;
	s22 =	smax.f32 s22, $0.0e+00;
	s25 =	spop (v2sf)  }
0x176: {  	vm2 =	vcmask $0x704;
	v41 =	vmov s22;
	v1 =	vadd.f32 $0.0e+00, v1;
	s26 =	spop (v2sf);
	s23 =	sadd.f32 s25, s24  }
0x177: {  	v2 =	vnsel vm2, $0x0, v41;
	s21 =	smax.f32 s31, $0.0e+00;
	s28 =	spop (v2sf)  }
0x178: {  	vm1 =	vcmask $0xB08;
	v1 =	vadd.f32 v1, v2;
	v42 =	vmov s21;
	s29 =	smax.f32 s23, $0.0e+00;
	s30 =	spop (v2sf)  }
0x179: {  	v2 =	vnsel vm1, $0x0, v42;
	s22 =	sadd.f32 s28, s26;
	s31 =	spop (v2sf)  }
0x17a: {  	vm3 =	vcmask $0xF0C;
	v1 =	vadd.f32 v1, v2;
	v43 =	vmov s29;
	s24 =	sadd.f32 s31, s30;
	s25 =	spop (v2sf)  }
0x17b: {  	v2 =	vnsel vm3, $0x0, v43;
	s22 =	smax.f32 s22, $0.0e+00;
	s26 =	spop (v2sf)  }
0x17c: {  	vm4 =	vcmask $0x1310;
	v1 =	vadd.f32 v1, v2;
	v44 =	vmov s22;
	s21 =	smax.f32 s24, $0.0e+00;
	s28 =	spop (v2sf)  }
0x17d: {  	v2 =	vnsel vm4, $0x0, v44;
	s22 =	sadd.f32 s26, s25;
	s29 =	spop (v2sf)  }
0x17e: {  	vm5 =	vcmask $0x1714;
	v1 =	vadd.f32 v1, v2;
	v45 =	vmov s21;
	s21 =	sadd.f32 s29, s28  }
0x17f: {  	vm12 =	vcmask $0x1B18;
	v2 =	vnsel vm5, $0x0, v45;
	s22 =	smax.f32 s22, $0.0e+00;
	s30 =	spop (v2sf)  }
0x180: {  	v47 =	vadd.s32 $0xA, v0;
	v1 =	vadd.f32 v1, v2;
	v46 =	vmov s22;
	s21 =	smax.f32 s21, $0.0e+00;
	s31 =	spop (v2sf)  }
0x181: {  	vm13 =	vcmask $0x1F1C;
	v2 =	vnsel vm12, $0x0, v46;
	s24 =	sadd.f32 s31, s30;
	s25 =	spop (v2sf)  }
0x182: {  	v49 =	vadd.s32 $0x14, v0;
	v1 =	vadd.f32 v1, v2;
	v48 =	vmov s21;
	s26 =	spop (v2sf)  }
0x183: {  	vm14 =	vcmask $0x2320;
	v2 =	vnsel vm13, $0x0, v48;
	s21 =	smax.f32 s24, $0.0e+00;
	s22 =	sadd.f32 s26, s25  }
0x184: {  	v51 =	vadd.s32 $0x1E, v0;
	v1 =	vadd.f32 v1, v2;
	v50 =	vmov s21  }
0x185: {  	v3 =	vld.idx.msk [tilespmem:v47+s3+$0x0], $0xffff;
	v2 =	vnsel vm14, $0x0, v50;
	s28 =	smax.f32 s22, $0.0e+00  }
0x186: {  	vm15 =	vcmask $0x2724;
	v1 =	vadd.f32 v1, v2;
	v52 =	vmov s28  }
0x187: {  	v53 =	vadd.s32 $0x28, v0;
	v4 =	vld.idx.msk [tilespmem:v49+s3+$0x0], $0xffff;
	v2 =	vnsel vm15, $0x0, v52  }
0x188: {  	v1 =	vadd.f32 v1, v2  }
0x189: {  	v55 =	vadd.s32 $0x32, v0;
	v54 =	vld.idx.msk [tilespmem:v51+s3+$0x0], $0xffff  }
0x18a: {  	v3 =	vmul.f32 v1, v3;
	_ =	sdelay $0x1  }
0x18b: {  	v57 =	vld.idx.msk [tilespmem:v53+s3+$0x0], $0xffff;
	v56 =	vmul.f32 v1, v4;
	(xrf2) =	vadd.scan.msk.f32 $0xffff, v3;
	_ =	sdelay $0x1  }
0x18c: {  	v58 =	vadd.s32 $0x3C, v0;
	v59 =	vld.idx.msk [tilespmem:v55+s3+$0x0], $0xffff;
	v2 =	vmul.f32 v1, v54;
	(xrf2) =	vadd.scan.msk.f32 $0xffff, v56;
	_ =	sdelay $0x1  }
0x18d: {  	(xrf2) =	vadd.scan.msk.f32 $0xffff, v2  }
0x18e: {  	v60 =	vmul.f32 v1, v57;
	_ =	sdelay $0x1  }
0x18f: {  	v61 =	vld.idx.msk [tilespmem:v58+s3+$0x0], $0xffff;
	v1 =	vmul.f32 v1, v59;
	(xrf2) =	vadd.scan.msk.f32 $0xffff, v60;
	_ =	sdelay $0x1  }
0x190: {  	(xrf2) =	vadd.scan.msk.f32 $0xffff, v1  }
0x191: {  	v62, _, _ =	vpop (xrf2)  }
0x192: {  	(v2sf) =	vpush v62, $0xF  }
0x193: {  	v63, _, _ =	vpop (xrf2);
	(v2sf) =	vpush v61, $0x0  }
0x194: {  	(v2sf) =	vpush v63, $0xF  }
0x195: {  	v5, _, _ =	vpop (xrf2);
	(v2sf) =	vpush v61, $0x1  }
0x196: {  	(v2sf) =	vpush v5, $0xF  }
0x197: {  	(v2sf) =	vpush v61, $0x2  }
0x198: {  	v6, _, _ =	vpop (xrf2)  }
0x199: {  	(v2sf) =	vpush v6, $0xF  }
0x19a: {  	v7, _, _ =	vpop (xrf2);
	(v2sf) =	vpush v61, $0x3  }
0x19b: {  	(v2sf) =	vpush v7, $0xF  }
0x19c: {  	(v2sf) =	vpush v61, $0x4;
	_ =	sdelay $0x4  }
0x19d: {  	s29 =	spop (v2sf)  }
0x19e: {  	s30 =	spop (v2sf)  }
0x19f: {  	s31 =	spop (v2sf);
	s21 =	sadd.f32 s29, s30  }
0x1a0: {  	s24 =	spop (v2sf)  }
0x1a1: {  	s21 =	smax.f32 s21, $0.0e+00;
	s25 =	spop (v2sf)  }
0x1a2: {  	s22 =	sadd.f32 s31, s24;
	s26 =	spop (v2sf)  }
0x1a3: {  	v8 =	vmov s21;
	s28 =	sadd.f32 s25, s26  }
0x1a4: {  	v1 =	vnsel vm0, $0x0, v8;
	s22 =	smax.f32 s22, $0.0e+00;
	s29 =	spop (v2sf)  }
0x1a5: {  	v10 =	vadd.s32 $0x41, v0;
	v1 =	vadd.f32 $0.0e+00, v1;
	v9 =	vmov s22;
	s30 =	spop (v2sf);
	s21 =	smax.f32 s28, $0.0e+00  }
0x1a6: {  	v2 =	vnsel vm2, $0x0, v9;
	s22 =	sadd.f32 s29, s30;
	s31 =	spop (v2sf)  }
0x1a7: {  	v1 =	vadd.f32 v1, v2;
	v11 =	vmov s21;
	s24 =	spop (v2sf)  }
0x1a8: {  	v12 =	vadd.s32 $0x46, v0;
	v2 =	vnsel vm1, $0x0, v11;
	s22 =	smax.f32 s22, $0.0e+00;
	s21 =	sadd.f32 s31, s24  }
0x1a9: {  	v1 =	vadd.f32 v1, v2;
	v13 =	vmov s22  }
0x1aa: {  	v14 =	vadd.s32 $0x4B, v0;
	v3 =	vld.idx.msk [tilespmem:v10+s3+$0x0], $0xffff;
	v2 =	vnsel vm3, $0x0, v13;
	s21 =	smax.f32 s21, $0.0e+00  }
0x1ab: {  	v1 =	vadd.f32 v1, v2;
	v15 =	vmov s21  }
0x1ac: {  	v2 =	vnsel vm4, $0x0, v15  }
0x1ad: {  	v16 =	vld.idx.msk [tilespmem:v12+s3+$0x0], $0xffff;
	v1 =	vadd.f32 v1, v2;
	_ =	sdelay $0x1  }
0x1ae: {  	v17 =	vld.idx.msk [tilespmem:v14+s3+$0x0], $0xffff;
	v3 =	vmul.f32 v1, v3;
	_ =	sdelay $0x1  }
0x1af: {  	(xrf2) =	vadd.scan.msk.f32 $0xffff, v3  }
0x1b0: {  	v2 =	vmul.f32 v1, v16  }
0x1b1: {  	v18 =	vor.u32 $0x50, v0  }
0x1b2: {  	v19 =	vld [tilespmem:$0x4A80];
	v1 =	vmul.f32 v1, v17;
	(xrf2) =	vadd.scan.msk.f32 $0xffff, v2  }
0x1b3: {  	v20 =	vld [tilespmem:$0x4B00]  }
0x1b4: {  	v51 =	vld [tilespmem:$0x6680];
	(xrf2) =	vadd.scan.msk.f32 $0xffff, v1  }
0x1b5: {  	v21 =	vld [tilespmem:$0x4C80]  }
0x1b6: {  	v3 =	vld.idx.msk [tilespmem:v18+s3+$0x0], $0xffff  }
0x1b7: {  	v23 =	vld [tilespmem:$0x4E80]  }
0x1b8: {  	v22 =	vld [tilespmem:$0x4D00];
	v5 =	vadd.f32 $0.0e+00, v19  }
0x1b9: {  	v25 =	vld [tilespmem:$0x5080];
	v26, _, _ =	vpop (xrf2)  }
0x1ba: {  	v24 =	vld [tilespmem:$0x4F00];
	v4 =	vadd.f32 v21, v5;
	(v2sf) =	vpush v26, $0xF  }
0x1bb: {  	v28 =	vld [tilespmem:$0x5280];
	v2 =	vadd.f32 $0.0e+00, v20;
	(v2sf) =	vpush v3, $0x0  }
0x1bc: {  	v27 =	vld [tilespmem:$0x5100];
	v4 =	vadd.f32 v23, v4;
	v30, _, _ =	vpop (xrf2)  }
0x1bd: {  	v31 =	vld [tilespmem:$0x5480];
	v1 =	vadd.f32 v22, v2;
	(v2sf) =	vpush v30, $0xF  }
0x1be: {  	v29 =	vld [tilespmem:$0x5300];
	v4 =	vadd.f32 v25, v4;
	v33, _, _ =	vpop (xrf2);
	(v2sf) =	vpush v3, $0x1  }
0x1bf: {  	v34 =	vld [tilespmem:$0x5680];
	v1 =	vadd.f32 v24, v1;
	(v2sf) =	vpush v33, $0xF  }
0x1c0: {  	v32 =	vld [tilespmem:$0x5500];
	v4 =	vadd.f32 v28, v4;
	(v2sf) =	vpush v3, $0x2  }
0x1c1: {  	v36 =	vld [tilespmem:$0x5880];
	v1 =	vadd.f32 v27, v1  }
0x1c2: {  	v35 =	vld [tilespmem:$0x5700];
	v2 =	vadd.f32 v31, v4  }
0x1c3: {  	v38 =	vld [tilespmem:$0x5A80];
	v1 =	vadd.f32 v29, v1  }
0x1c4: {  	v37 =	vld [tilespmem:$0x5900];
	v2 =	vadd.f32 v34, v2  }
0x1c5: {  	v40 =	vld [tilespmem:$0x5C80];
	v1 =	vadd.f32 v32, v1  }
0x1c6: {  	v39 =	vld [tilespmem:$0x5B00];
	v2 =	vadd.f32 v36, v2  }
0x1c7: {  	v42 =	vld [tilespmem:$0x5E80];
	v1 =	vadd.f32 v35, v1  }
0x1c8: {  	v41 =	vld [tilespmem:$0x5D00];
	v2 =	vadd.f32 v38, v2  }
0x1c9: {  	v44 =	vld [tilespmem:$0x6080];
	v1 =	vadd.f32 v37, v1;
	s25 =	spop (v2sf)  }
0x1ca: {  	v43 =	vld [tilespmem:$0x5F00];
	v2 =	vadd.f32 v40, v2;
	s26 =	spop (v2sf)  }
0x1cb: {  	v46 =	vld [tilespmem:$0x6280];
	v1 =	vadd.f32 v39, v1;
	s21 =	sadd.f32 s25, s26  }
0x1cc: {  	v45 =	vld [tilespmem:$0x6100];
	v2 =	vadd.f32 v42, v2;
	s28 =	spop (v2sf)  }
0x1cd: {  	v49 =	vadd.s32 $0x53, v0;
	v48 =	vld [tilespmem:$0x6480];
	v1 =	vadd.f32 v41, v1;
	s29 =	spop (v2sf);
	s21 =	smax.f32 s21, $0.0e+00  }
0x1ce: {  	v47 =	vld [tilespmem:$0x6300];
	v2 =	vadd.f32 v44, v2;
	s22 =	sadd.f32 s28, s29;
	s30 =	spop (v2sf)  }
0x1cf: {  	v53 =	vld [tilespmem:$0x6700];
	v1 =	vadd.f32 v43, v1;
	v52 =	vmov s21;
	s31 =	spop (v2sf)  }
0x1d0: {  	v50 =	vld [tilespmem:$0x6500];
	v2 =	vadd.f32 v46, v2;
	s21 =	sadd.f32 s30, s31;
	v10 =	vnsel vm0, $0x0, v52;
	s22 =	smax.f32 s22, $0.0e+00  }
0x1d1: {  	v55 =	vld [tilespmem:$0x6880];
	v1 =	vadd.f32 v45, v1;
	v54 =	vmov s22;
	v10 =	vadd.f32 $0.0e+00, v10  }
0x1d2: {  	v9 =	vld.idx.msk [tilespmem:v49+s3+$0x0], $0xffff;
	v2 =	vadd.f32 v48, v2;
	v56 =	vnsel vm2, $0x0, v54;
	s21 =	smax.f32 s21, $0.0e+00  }
0x1d3: {  	v1 =	vadd.f32 v47, v1;
	v57 =	vmov s21;
	v3 =	vadd.f32 v10, v56  }
0x1d4: {  	v58 =	vld [tilespmem:$0x6900];
	v2 =	vadd.f32 v51, v2;
	v59 =	vnsel vm1, $0x0, v57  }
0x1d5: {  	v1 =	vadd.f32 v50, v1;
	v3 =	vadd.f32 v3, v59  }
0x1d6: {  	v2 =	vadd.f32 v55, v2  }
0x1d7: {  	v1 =	vadd.f32 v53, v1;
	v3 =	vmul.f32 v3, v9  }
0x1d8: {  	v2 =	vmul.f32 v2, v2  }
0x1d9: {  	s17 =	sadd.f32 $0.0e+00, s17;
	v1 =	vadd.f32 v58, v1;
	(xrf2) =	vadd.scan.msk.f32 $0xffff, v3  }
0x1da: {  	(xrf2) =	vadd.scan.msk.f32 $0xffff, v2  }
0x1db: {  	s11 =	sadd.f32 s11, s17;
	(xrf2) =	vadd.scan.msk.f32 $0xffff, v1;
	_ =	sdelay $0x1  }
0x1dc: {  	s11 =	sadd.f32 s12, s11;
	_ =	sdelay $0x1  }
0x1dd: {  	s11 =	sadd.f32 s18, s11;
	_ =	sdelay $0x1  }
0x1de: {  	s11 =	sadd.f32 s20, s11  }
0x1df: {  	v60 =	vadd.s32 $0x56, v0  }
0x1e0: {  	s11 =	sadd.f32 s19, s11;
	v61, _, _ =	vpop (xrf2)  }
0x1e1: {  	v2, _, _ =	vpop (xrf2);
	(v2sf) =	vpush v61, $0xF  }
0x1e2: {  	s11 =	sadd.f32 s13, s11;
	(v2sf) =	vpush v2, $0xF;
	v62, _, _ =	vpop (xrf2)  }
0x1e3: {  	(v2sf) =	vpush v62, $0xF  }
0x1e4: {  	s5 =	sadd.f32 s5, s11;
	v0 =	vld.idx.msk [tilespmem:v60+s3+$0x0], $0xffff;
	_ =	sdelay $0x1  }
0x1e5: {  	s23 =	sadd.f32 s6, s5;
	_ =	sdelay $0x1  }
0x1e6: {  	s3 =	sadd.f32 s8, s23  }
0x1e7: {  	(v2sf) =	vpush v0, $0x1  }
0x1e8: {  	s3 =	sadd.f32 s9, s3;
	_ =	sdelay $0x1  }
0x1e9: {  	s3 =	sadd.f32 s14, s3  }
0x1ea: {  	(v2sf) =	vpush v0, $0x0  }
0x1eb: {  	s3 =	sadd.f32 s15, s3;
	_ =	sdelay $0x1  }
0x1ec: {  	s3 =	sadd.f32 s16, s3;
	s24 =	spop (v2sf)  }
0x1ed: {  	s25 =	spop (v2sf)  }
0x1ee: {  	s3 =	sadd.f32 s10, s3;
	s26 =	spop (v2sf)  }
0x1ef: {  	s6 =	ssub.f32 s25, s26;
	_ =	sdelay $0x1  }
0x1f0: {  	s3 =	sadd.f32 s7, s3;
	s6 =	smul.f32 $5.000000000e-01, s6  }
0x1f1: {  	_ = 	snop  }
0x1f2: {  	s3 =	sadd.f32 s6, s3  }
0x1f3: {  	s28 =	spop (v2sf)  }
0x1f4: {  	s3 =	sadd.f32 s28, s3;
	_ =	sdelay $0x1  }
0x1f5: {  	s3 =	sadd.f32 s24, s3  }
0x1f6: {  	s29 =	spop (v2sf)  }
0x1f7: {  	s3 =	sadd.f32 s3, s29;
	_ =	sdelay $0x1  }
0x1f8: {  	v63 =	vmov s3  }
0x1f9: {  	v0 =	vnsel vm0, $0x0, v63  }
0x1fa: {  	s30 =	simm.s32 $0x0;
	s31 =	simm.s32 $0x10B00;
	[tilespmem:$0x10B00] =	vst v0  }
0x1fb: {  	[hbm4b:s1+s30] =	stream.linear.scatter [tilespmem:s31], [sflag:$0x5], $0x1, $0x38;
	[tilespmem:$0x10C30] =	vst v63  }
0x1fc: {  	_ =	swait.ge [sflag:s4], $0x1  }
0x1fd: {  	[sflag:s4] =	ssyncset.done $0x0  }
0x1fe: {  	[sflag:s4] =	ssyncadd.s32 $0xFFFFFFFF  }
.LBB2_5:
0x1ff: {  	_ =	sfence.sel $0x180000  }
0x200: {  	[bflag:$0x0] =	sbarrier.arrive $0xFFFF  }
0x201: {  	p0 =	sne.s32 s2, $0x0;
	_ =	strace $0x90000047  }
0x202: {  	s0 =	sadd.s32 @!p0 $0x100000, s0;
	[bflag:$0x2] =	sbarrier.arrive $0xFFFF  }
0x203: {  	[sflag:s0] =	ssyncadd.tile.s32 @!p0 $0x1;
	_ =	shalt  }
.Lfunc_end2:
_tile_overlayer_lowered:
.L_overlay_start_2:
0x204: {  	(tag) =	ssettag $0x2  }
0x205: {  	s0 =	rddreg [dreg:$0x0];
	s2 =	stileid.u32  }
0x206: {  	s1 =	rddreg [dreg:$0x1];
	p0 =	sne.s32 s2, $0x0  }
0x207: {  	s3 =	rddreg [dreg:$0x2];
	[bflag:$0x3] =	sbarrier.arrive $0xFFFF;
	s2 =	simm.s32 @!p0 $0x1C05  }
0x208: {  	[timem:s3], [sflag:s2] =	dma.local @!p0 [hbm:s0], s1  }
0x209: {  	s0 =	simm.s32 @!p0 $0x5  }
0x20a: {  	_ =	swait.ge @!p0 [sflag:s0], s1  }
0x20b: {  	s1 =	ssub.s32 @!p0 $0x0, s1;
	[sflag:s0] =	ssyncset.done @!p0 $0x0  }
0x20c: {  	[sflag:s0] =	ssyncadd.s32 @!p0 s1  }
0x20d: {  	[bflag:$0x3] =	sbarrier.arrive $0xFFFF  }
0x20e: {  	_ =	shalt  }

</sc_bundles>
